<compile_context>
chip_gen: v7x
topology: tpu7x:2x2x1
jax: 0.10.2.dev20260603
libtpu: 0.0.44.dev20260713+nightly
codegen_flags: <defaults>
</compile_context>

<pallas_src>
import functools

import jax
import jax.numpy as jnp
from jax import lax
from jax.experimental import pallas as pl
from jax.experimental.pallas import tpu as pltpu
from jax.experimental.pallas import tpu_sc as plsc

N = 10000
D = 128
E = 320000

NC = 2
NS = 16

HALF = 5120
ACC_ROWS = HALF + 8
OUT_PER_TILE = HALF // NS
ZROWS = 160

CHUNK = 80
NBUF = 2
ESLICE = E // NS
LCH = ESLICE // CHUNK + 5
SBUF = 384
DUMMY_LOC = HALF

_SC_PARAMS = pltpu.CompilerParams(use_tc_tiling_on_sc=False,
                                  needs_layout_passes=False)


def _agg_pipeline(x_hbm, z_hbm, out_hbm, lpk_v, sstg_v, lstg_v, rows_v,
                  acc_sh, gsem, cid, sid, trips, zwaits):
    for w in zwaits:
        w()
    plsc.subcore_barrier()

    def stage_chunk(c, b):
        for k in range(CHUNK // 16):
            v = lpk_v[pl.ds(c * CHUNK + k * 16, 16)]
            sstg_v[pl.ds(b * CHUNK + k * 16, 16)] = jnp.bitwise_and(v, 0xFFFF)
            lstg_v[b, pl.ds(k * 16, 16)] = lax.shift_right_logical(v, 16)

    def src_idx(b):
        return sstg_v.at[pl.ds(b * CHUNK, CHUNK)]

    for b in range(NBUF):
        stage_chunk(b, b)
        pltpu.async_copy(x_hbm.at[src_idx(b)], rows_v.at[b], gsem)

    def step(i, carry):
        for b in range(NBUF):
            c = i * NBUF + b
            pltpu.make_async_copy(
                x_hbm.at[src_idx(b)], rows_v.at[b], gsem).wait()
            pltpu.sync_copy(rows_v.at[b], acc_sh.at[lstg_v.at[b]], add=True)
            stage_chunk(c + NBUF, b)

            @pl.when(c + NBUF < trips * NBUF)
            def _():
                pltpu.async_copy(x_hbm.at[src_idx(b)], rows_v.at[b], gsem)
        return carry

    lax.fori_loop(0, trips, step, 0)
    plsc.subcore_barrier()

    obase = sid * OUT_PER_TILE
    pltpu.sync_copy(acc_sh.at[pl.ds(obase, OUT_PER_TILE)],
                    out_hbm.at[cid, pl.ds(obase, OUT_PER_TILE)])


def _zero_starts(z_hbm, acc_sh, sid, gsem):
    zbase = sid * OUT_PER_TILE
    waits = []
    for j in range(OUT_PER_TILE // ZROWS):
        dst = acc_sh.at[pl.ds(zbase + j * ZROWS, ZROWS)]
        pltpu.async_copy(z_hbm, dst, gsem)
        waits.append(
            functools.partial(
                lambda d: pltpu.make_async_copy(z_hbm, d, gsem).wait(), dst))
    return waits


def _sc_aggregate_build(x, src2, dst2, zeros_blk):
    mesh = plsc.VectorSubcoreMesh(core_axis_name="c", subcore_axis_name="s")

    @functools.partial(
        pl.kernel,
        out_type=(jax.ShapeDtypeStruct((NC, HALF, D), jnp.float32),
                  jax.ShapeDtypeStruct((NC, NS, LCH * CHUNK), jnp.int32),
                  jax.ShapeDtypeStruct((NC, NS, 16), jnp.int32)),
        mesh=mesh,
        scratch_types=[
            pltpu.VMEM((ESLICE,), jnp.int32),
            pltpu.VMEM((ESLICE,), jnp.int32),
            pltpu.VMEM((LCH * CHUNK,), jnp.int32),
            pltpu.VMEM((NBUF * CHUNK,), jnp.int32),
            pltpu.VMEM((NBUF, CHUNK), jnp.int32),
            pltpu.VMEM((SBUF,), jnp.int32),
            pltpu.VMEM((16,), jnp.int32),
            pltpu.VMEM((NBUF, CHUNK, D), jnp.float32),
            pltpu.VMEM_SHARED((ACC_ROWS, D), jnp.float32),
            pltpu.SemaphoreType.DMA,
        ],
        compiler_params=_SC_PARAMS,
    )
    def agg_kernel(x_hbm, src_hbm, dst_hbm, z_hbm, out_hbm, lists_hbm,
                   counts_hbm, srcs_v, dsts_v, lpk_v, sstg_v, lstg_v, sbp_v,
                   cnt_v, rows_v, acc_sh, gsem):
        cid = lax.axis_index("c")
        sid = lax.axis_index("s")
        lo = cid * HALF

        pltpu.sync_copy(src_hbm.at[sid], srcs_v)
        pltpu.sync_copy(dst_hbm.at[sid], dsts_v)

        zwaits = _zero_starts(z_hbm, acc_sh, sid, gsem)

        dummy_pk = jnp.full((16,), DUMMY_LOC << 16, jnp.int32)

        def flush_row(r):
            for k in range(CHUNK // 16):
                v = sbp_v[pl.ds(k * 16, 16)]
                lpk_v[pl.ds(r * CHUNK + k * 16, 16)] = v
            sbp_v[pl.ds(0, 16)] = sbp_v[pl.ds(CHUNK, 16)]

        def scan_step(i, carry):
            p, r = carry
            srcv = srcs_v[pl.ds(i * 16, 16)]
            dstv = dsts_v[pl.ds(i * 16, 16)]
            locv = dstv - lo
            m = jnp.logical_and(locv >= 0, locv < HALF)
            pkv = jnp.bitwise_or(srcv, lax.shift_left(locv, 16))
            keyv = jnp.where(m, 0, 1)
            _, pk_s = plsc.sort_key_val(keyv, pkv)
            sbp_v[pl.ds(p, 16)] = pk_s
            p2 = p + jnp.sum(jnp.where(m, 1, 0), axis=0)

            @pl.when(p2 >= CHUNK)
            def _():
                flush_row(r)

            full = (p2 >= CHUNK).astype(jnp.int32)
            return p2 - full * CHUNK, r + full

        p, r = lax.fori_loop(0, ESLICE // 16, scan_step, (0, 0))

        for k in range(CHUNK // 16 + 1):
            sbp_v[pl.ds(p + k * 16, 16)] = dummy_pk
        flush_row(r)
        for j in range(1, 4):
            for k in range(CHUNK // 16):
                lpk_v[pl.ds((r + j) * CHUNK + k * 16, 16)] = dummy_pk
        cnt = r * CHUNK + p
        nch = (cnt + CHUNK - 1) // CHUNK
        trips = jnp.maximum((nch + NBUF - 1) // NBUF, 1)

        pltpu.sync_copy(lpk_v, lists_hbm.at[cid, sid])
        cnt_v[pl.ds(0, 16)] = jnp.full((16,), cnt, jnp.int32)
        pltpu.sync_copy(cnt_v, counts_hbm.at[cid, sid])

        _agg_pipeline(x_hbm, z_hbm, out_hbm, lpk_v, sstg_v, lstg_v, rows_v,
                      acc_sh, gsem, cid, sid, trips, zwaits)

    return agg_kernel(x, src2, dst2, zeros_blk)


def _sc_aggregate_reuse(x, lists, counts, zeros_blk):
    mesh = plsc.VectorSubcoreMesh(core_axis_name="c", subcore_axis_name="s")

    @functools.partial(
        pl.kernel,
        out_type=jax.ShapeDtypeStruct((NC, HALF, D), jnp.float32),
        mesh=mesh,
        scratch_types=[
            pltpu.VMEM((LCH * CHUNK,), jnp.int32),
            pltpu.VMEM((NBUF * CHUNK,), jnp.int32),
            pltpu.VMEM((NBUF, CHUNK), jnp.int32),
            pltpu.VMEM((16,), jnp.int32),
            pltpu.VMEM((NBUF, CHUNK, D), jnp.float32),
            pltpu.VMEM_SHARED((ACC_ROWS, D), jnp.float32),
            pltpu.SemaphoreType.DMA,
        ],
        compiler_params=_SC_PARAMS,
    )
    def agg_kernel(x_hbm, lists_hbm, counts_hbm, z_hbm, out_hbm,
                   lpk_v, sstg_v, lstg_v, cnt_v, rows_v, acc_sh, gsem):
        cid = lax.axis_index("c")
        sid = lax.axis_index("s")

        zwaits = _zero_starts(z_hbm, acc_sh, sid, gsem)
        pltpu.sync_copy(lists_hbm.at[cid, sid], lpk_v)
        pltpu.sync_copy(counts_hbm.at[cid, sid], cnt_v)
        cnt = jnp.max(cnt_v[...], axis=0)
        nch = (cnt + CHUNK - 1) // CHUNK
        trips = jnp.maximum((nch + NBUF - 1) // NBUF, 1)

        _agg_pipeline(x_hbm, z_hbm, out_hbm, lpk_v, sstg_v, lstg_v, rows_v,
                      acc_sh, gsem, cid, sid, trips, zwaits)

    return agg_kernel(x, lists, counts, zeros_blk)


def _tc_mlp(x, agg, Wa, ba, Wb, bb, relu_out):
    BN = 2000
    grid = (N // BN,)

    def body(x_ref, a_ref, wa_ref, ba_ref, wb_ref, bb_ref, o_ref):
        rst = x_ref[...] + a_ref[...]
        hid = jnp.dot(rst, wa_ref[...], preferred_element_type=jnp.float32)
        hid = jnp.maximum(hid + ba_ref[...], 0.0)
        out = jnp.dot(hid, wb_ref[...], preferred_element_type=jnp.float32)
        out = out + bb_ref[...]
        if relu_out:
            out = jnp.maximum(out, 0.0)
        o_ref[...] = out

    row_spec = pl.BlockSpec((BN, D), lambda i: (i, 0))
    full_spec = pl.BlockSpec((D, D), lambda i: (0, 0))
    vec_spec = pl.BlockSpec((1, D), lambda i: (0, 0))
    return pl.pallas_call(
        body,
        grid=grid,
        in_specs=[row_spec, row_spec,
                  full_spec, vec_spec, full_spec, vec_spec],
        out_specs=row_spec,
        out_shape=jax.ShapeDtypeStruct((N, D), jnp.float32),
    )(x, agg, Wa, ba.reshape(1, D), Wb, bb.reshape(1, D))


def kernel(h, edge_index, W0a, b0a, W0b, b0b, W1a, b1a, W1b, b1b):
    x0 = h.T

    src2 = edge_index[0].reshape(NS, ESLICE)
    dst2 = edge_index[1].reshape(NS, ESLICE)
    zeros_blk = jnp.zeros((ZROWS, D), jnp.float32)

    p0, lists, counts = _sc_aggregate_build(x0, src2, dst2, zeros_blk)
    x1 = _tc_mlp(x0, p0.reshape(NC * HALF, D), W0a, b0a, W0b, b0b,
                 relu_out=True)
    p1 = _sc_aggregate_reuse(x1, lists, counts, zeros_blk)
    out = _tc_mlp(x1, p1.reshape(NC * HALF, D), W1a, b1a, W1b, b1b,
                  relu_out=False)
    return out.T

# --- scband reference (transcript-rebuilt; emitter-appended) ---
"""Pipeline reference for scband-gin-16776142258593 (READ-ONLY COPY).

The authoritative reference and input builder live on the scoring server;
editing this copy changes nothing except your own understanding.
"""

import jax, jax.numpy as jnp
import numpy as np

N = 10000
E = 320000
D_IN = 128
D_HID = 128
D_OUT = 128


def _lin_init(key, fan_in, fan_out):
    s = 1.0 / np.sqrt(fan_in)
    kw, kb = jax.random.split(key)
    W = jax.random.uniform(kw, (fan_in, fan_out), minval=-s, maxval=s, dtype=jnp.float32)
    b = jax.random.uniform(kb, (fan_out,), minval=-s, maxval=s, dtype=jnp.float32)
    return W, b


def setup_inputs(seed: int = 0) -> dict:
    key = jax.random.key(seed)
    ks = jax.random.split(key, 6)
    h = jax.random.normal(ks[0], (D_IN, N), dtype=jnp.float32)
    edge_index = jax.random.randint(ks[1], (2, E), 0, N, dtype=jnp.int32)
    W0a, b0a = _lin_init(ks[2], D_IN, D_HID)
    W0b, b0b = _lin_init(ks[3], D_HID, D_HID)
    W1a, b1a = _lin_init(ks[4], D_HID, D_HID)
    W1b, b1b = _lin_init(ks[5], D_HID, D_OUT)
    return {"h": h, "edge_index": edge_index, "W0a": W0a, "b0a": b0a, "W0b": W0b, "b0b": b0b, "W1a": W1a, "b1a": b1a, "W1b": W1b, "b1b": b1b}


def _gin_conv(x, src, dst, Wa, ba, Wb, bb):
    # DGL GINConv, sum aggregator, eps=0: rst = (1+eps)*x + sum_{src->dst} x[src]
    msgs = jnp.take(x, src, axis=0)
    agg = jnp.zeros_like(x).at[dst].add(msgs)
    rst = x + agg
    # apply_func: 2-layer MLP, relu inner act, no final act
    hidden = jax.nn.relu(rst @ Wa + ba)
    return hidden @ Wb + bb


def reference(h, edge_index, W0a, b0a, W0b, b0b, W1a, b1a, W1b, b1b):
    src = edge_index[0]
    dst = edge_index[1]
    x = h.T  # [N, D_IN]
    # layer 0 + relu activation (dropout p=0 is identity)
    x = jax.nn.relu(_gin_conv(x, src, dst, W0a, b0a, W0b, b0b))
    # final layer, no l_act
    x = _gin_conv(x, src, dst, W1a, b1a, W1b, b1b)
    return x.T  # [D_OUT, N]

if __name__ == "__main__":
    import jax
    _d = setup_inputs()
    print(jax.jit(kernel)(*tuple(_d.values())))

</pallas_src>

<mosaic_0001>
#map = affine_map<(d0, d1) -> (0, 0)>
#map1 = affine_map<(d0, d1) -> (0, 0, 0)>
module attributes {stable_mosaic.version = 14 : i64} {
  func.func @agg_kernel(%arg0: i32, %arg1: i32, %arg2: memref<10000x128xf32, #tpu.memory_space<hbm>>, %arg3: memref<16x20000xi32, #tpu.memory_space<hbm>>, %arg4: memref<16x20000xi32, #tpu.memory_space<hbm>>, %arg5: memref<160x128xf32, #tpu.memory_space<hbm>>, %arg6: memref<2x5120x128xf32, #tpu.memory_space<hbm>>, %arg7: memref<2x16x20400xi32, #tpu.memory_space<hbm>>, %arg8: memref<2x16x16xi32, #tpu.memory_space<hbm>>, %arg9: memref<20000xi32, #tpu.memory_space<vmem>>, %arg10: memref<20000xi32, #tpu.memory_space<vmem>>, %arg11: memref<20400xi32, #tpu.memory_space<vmem>>, %arg12: memref<160xi32, #tpu.memory_space<vmem>>, %arg13: memref<2x80xi32, #tpu.memory_space<vmem>>, %arg14: memref<384xi32, #tpu.memory_space<vmem>>, %arg15: memref<16xi32, #tpu.memory_space<vmem>>, %arg16: memref<2x80x128xf32, #tpu.memory_space<vmem>>, %arg17: memref<5128x128xf32, #tpu.memory_space<vmem_shared>>, %arg18: memref<!tpu.dma_semaphore, #tpu.memory_space<semaphore_mem>>) attributes {dimension_semantics = [#tpu.dimension_semantics<core_parallel>, #tpu.dimension_semantics<subcore_parallel>], iteration_bounds = array<i64: 2, 16>, scalar_prefetch = 0 : i64, scratch_operands = 10 : i64, tpu.core_type = #tpu.core_type<sc_vector_subcore>, window_params = [{transform_indices = #map}, {transform_indices = #map}, {transform_indices = #map}, {transform_indices = #map}, {transform_indices = #map1}, {transform_indices = #map1}, {transform_indices = #map1}]} {
    %mul3A = arith.constant 5120 : i32
    %mul3A_0 = arith.muli %arg0, %mul3A : i32
    "tpu.region"() ({
      %run_scoped3A = tpu.sem_alloc : memref<!tpu.dma_semaphore, #tpu.memory_space<semaphore_mem>>
      %dma_start3A_432 = arith.constant 0 : i32
      %dma_start3A_433 = tpu.memref_slice %arg3[%arg1, %dma_start3A_432] : memref<16x20000xi32, #tpu.memory_space<hbm>> -> memref<1x20000xi32, #tpu.memory_space<hbm>>
      %dma_start3A_434 = tpu.memref_squeeze %dma_start3A_433 : memref<1x20000xi32, #tpu.memory_space<hbm>> -> memref<20000xi32, #tpu.memory_space<hbm>>
      %dma_start3A_435 = arith.constant 0 : i32
      %dma_start3A_436 = tpu.memref_slice %arg3[%arg1, %dma_start3A_435] : memref<16x20000xi32, #tpu.memory_space<hbm>> -> memref<1x20000xi32, #tpu.memory_space<hbm>>
      %dma_start3A_437 = tpu.memref_squeeze %dma_start3A_436 : memref<1x20000xi32, #tpu.memory_space<hbm>> -> memref<20000xi32, #tpu.memory_space<hbm>>
      tpu.enqueue_dma source(%dma_start3A_437 : memref<20000xi32, #tpu.memory_space<hbm>>) target(%arg9 : memref<20000xi32, #tpu.memory_space<vmem>>) target_semaphore(%run_scoped3A : memref<!tpu.dma_semaphore, #tpu.memory_space<semaphore_mem>>)
      %dma_wait3A_438 = arith.constant 0 : i32
      %dma_wait3A_439 = tpu.memref_slice %arg3[%arg1, %dma_wait3A_438] : memref<16x20000xi32, #tpu.memory_space<hbm>> -> memref<1x20000xi32, #tpu.memory_space<hbm>>
      %dma_wait3A_440 = tpu.memref_squeeze %dma_wait3A_439 : memref<1x20000xi32, #tpu.memory_space<hbm>> -> memref<20000xi32, #tpu.memory_space<hbm>>
      %dma_wait3A_441 = arith.constant 0 : i32
      %dma_wait3A_442 = tpu.memref_slice %arg3[%arg1, %dma_wait3A_441] : memref<16x20000xi32, #tpu.memory_space<hbm>> -> memref<1x20000xi32, #tpu.memory_space<hbm>>
      %dma_wait3A_443 = tpu.memref_squeeze %dma_wait3A_442 : memref<1x20000xi32, #tpu.memory_space<hbm>> -> memref<20000xi32, #tpu.memory_space<hbm>>
      tpu.wait_dma2 semaphore(%run_scoped3A : memref<!tpu.dma_semaphore, #tpu.memory_space<semaphore_mem>>) src(%dma_wait3A_443 : memref<20000xi32, #tpu.memory_space<hbm>>) dst(%arg9 : memref<20000xi32, #tpu.memory_space<vmem>>)
      tpu.yield
    }) : () -> ()
    "tpu.region"() ({
      %run_scoped3A = tpu.sem_alloc : memref<!tpu.dma_semaphore, #tpu.memory_space<semaphore_mem>>
      %dma_start3A_432 = arith.constant 0 : i32
      %dma_start3A_433 = tpu.memref_slice %arg4[%arg1, %dma_start3A_432] : memref<16x20000xi32, #tpu.memory_space<hbm>> -> memref<1x20000xi32, #tpu.memory_space<hbm>>
      %dma_start3A_434 = tpu.memref_squeeze %dma_start3A_433 : memref<1x20000xi32, #tpu.memory_space<hbm>> -> memref<20000xi32, #tpu.memory_space<hbm>>
      %dma_start3A_435 = arith.constant 0 : i32
      %dma_start3A_436 = tpu.memref_slice %arg4[%arg1, %dma_start3A_435] : memref<16x20000xi32, #tpu.memory_space<hbm>> -> memref<1x20000xi32, #tpu.memory_space<hbm>>
      %dma_start3A_437 = tpu.memref_squeeze %dma_start3A_436 : memref<1x20000xi32, #tpu.memory_space<hbm>> -> memref<20000xi32, #tpu.memory_space<hbm>>
      tpu.enqueue_dma source(%dma_start3A_437 : memref<20000xi32, #tpu.memory_space<hbm>>) target(%arg10 : memref<20000xi32, #tpu.memory_space<vmem>>) target_semaphore(%run_scoped3A : memref<!tpu.dma_semaphore, #tpu.memory_space<semaphore_mem>>)
      %dma_wait3A_438 = arith.constant 0 : i32
      %dma_wait3A_439 = tpu.memref_slice %arg4[%arg1, %dma_wait3A_438] : memref<16x20000xi32, #tpu.memory_space<hbm>> -> memref<1x20000xi32, #tpu.memory_space<hbm>>
      %dma_wait3A_440 = tpu.memref_squeeze %dma_wait3A_439 : memref<1x20000xi32, #tpu.memory_space<hbm>> -> memref<20000xi32, #tpu.memory_space<hbm>>
      %dma_wait3A_441 = arith.constant 0 : i32
      %dma_wait3A_442 = tpu.memref_slice %arg4[%arg1, %dma_wait3A_441] : memref<16x20000xi32, #tpu.memory_space<hbm>> -> memref<1x20000xi32, #tpu.memory_space<hbm>>
      %dma_wait3A_443 = tpu.memref_squeeze %dma_wait3A_442 : memref<1x20000xi32, #tpu.memory_space<hbm>> -> memref<20000xi32, #tpu.memory_space<hbm>>
      tpu.wait_dma2 semaphore(%run_scoped3A : memref<!tpu.dma_semaphore, #tpu.memory_space<semaphore_mem>>) src(%dma_wait3A_443 : memref<20000xi32, #tpu.memory_space<hbm>>) dst(%arg10 : memref<20000xi32, #tpu.memory_space<vmem>>)
      tpu.yield
    }) : () -> ()
    %mul3A_1 = arith.constant 320 : i32
    %mul3A_2 = arith.muli %arg1, %mul3A_1 : i32
    %add3A = arith.constant 0 : i32
    %add3A_3 = arith.addi %mul3A_2, %add3A : i32
    %dma_start3A = arith.constant 0 : i32
    %dma_start3A_4 = tpu.memref_slice %arg17[%add3A_3, %dma_start3A] : memref<5128x128xf32, #tpu.memory_space<vmem_shared>> -> memref<160x128xf32, #tpu.memory_space<vmem_shared>>
    tpu.enqueue_dma source(%arg5 : memref<160x128xf32, #tpu.memory_space<hbm>>) target(%dma_start3A_4 : memref<160x128xf32, #tpu.memory_space<vmem_shared>>) target_semaphore(%arg18 : memref<!tpu.dma_semaphore, #tpu.memory_space<semaphore_mem>>)
    %add3A_5 = arith.constant 160 : i32
    %add3A_6 = arith.addi %mul3A_2, %add3A_5 : i32
    %dma_start3A_7 = arith.constant 0 : i32
    %dma_start3A_8 = tpu.memref_slice %arg17[%add3A_6, %dma_start3A_7] : memref<5128x128xf32, #tpu.memory_space<vmem_shared>> -> memref<160x128xf32, #tpu.memory_space<vmem_shared>>
    tpu.enqueue_dma source(%arg5 : memref<160x128xf32, #tpu.memory_space<hbm>>) target(%dma_start3A_8 : memref<160x128xf32, #tpu.memory_space<vmem_shared>>) target_semaphore(%arg18 : memref<!tpu.dma_semaphore, #tpu.memory_space<semaphore_mem>>)
    %broadcast_in_dim3A = arith.constant 335544320 : i32
    %broadcast_in_dim3A_9 = vector.broadcast %broadcast_in_dim3A : i32 to vector<16xi32>
    %scan3A = arith.constant 0 : i32
    %scan3A_10 = arith.constant 0 : i32
    %scan3A_11 = arith.constant 0 : i32
    %scan3A_12 = arith.constant 1250 : i32
    %scan3A_13 = arith.addi %scan3A_11, %scan3A_12 : i32
    %scan3A_14 = arith.constant 1 : i32
    %scan3A_15:2 = scf.for %scan3A_432 = %scan3A_11 to %scan3A_13 step %scan3A_14 iter_args(%scan3A_433 = %scan3A, %scan3A_434 = %scan3A_10) -> (i32, i32)  : i32 {
      %mul3A_435 = arith.constant 16 : i32
      %mul3A_436 = arith.muli %scan3A_432, %mul3A_435 : i32
      %get3A_437 = arith.index_cast %mul3A_436 : i32 to index
      %get3A_438 = tpu.vector_load %arg9[%get3A_437] {strides = array<i32>} : memref<20000xi32, #tpu.memory_space<vmem>>, vector<16xi32>,
      %mul3A_439 = arith.constant 16 : i32
      %mul3A_440 = arith.muli %scan3A_432, %mul3A_439 : i32
      %get3A_441 = arith.index_cast %mul3A_440 : i32 to index
      %get3A_442 = tpu.vector_load %arg10[%get3A_441] {strides = array<i32>} : memref<20000xi32, #tpu.memory_space<vmem>>, vector<16xi32>,
      %sub3A_443 = vector.broadcast %mul3A_0 : i32 to vector<16xi32>
      %sub3A_444 = arith.subi %get3A_442, %sub3A_443 : vector<16xi32>
      %ge3A = arith.constant 0 : i32
      %ge3A_445 = vector.broadcast %ge3A : i32 to vector<16xi32>
      %ge3A_446 = arith.cmpi sge, %sub3A_444, %ge3A_445 : vector<16xi32>
      %lt3A = arith.constant 5120 : i32
      %lt3A_447 = vector.broadcast %lt3A : i32 to vector<16xi32>
      %lt3A_448 = arith.cmpi slt, %sub3A_444, %lt3A_447 : vector<16xi32>
      %and3A_449 = arith.andi %ge3A_446, %lt3A_448 : vector<16xi1>
      %shift_left3A = arith.constant 16 : i32
      %shift_left3A_450 = vector.broadcast %shift_left3A : i32 to vector<16xi32>
      %shift_left3A_451 = arith.shli %sub3A_444, %shift_left3A_450 : vector<16xi32>
      %or3A = arith.ori %get3A_438, %shift_left3A_451 : vector<16xi32>
      %jit3A_452 = arith.constant 0 : i32
      %jit3A_453 = arith.constant 1 : i32
      %broadcast_in_dim3A_454 = vector.broadcast %jit3A_452 : i32 to vector<16xi32>
      %broadcast_in_dim3A_455 = vector.broadcast %jit3A_453 : i32 to vector<16xi32>
      %select_n3A_456 = arith.select %and3A_449, %broadcast_in_dim3A_454, %broadcast_in_dim3A_455 : vector<16xi1>, vector<16xi32>
      %masked_sort3A = arith.constant dense<true> : vector<16xi1>
      %masked_sort3A_457 = arith.constant -2147483648 : i32
      %masked_sort3A_458 = vector.broadcast %masked_sort3A_457 : i32 to vector<16xi32>
      %masked_sort3A_459 = arith.xori %select_n3A_456, %masked_sort3A_458 : vector<16xi32>
      %masked_sort3A_460, %masked_sort3A_461, %masked_sort3A_462 = tpu.sort %masked_sort3A_459, %or3A masked %masked_sort3A : (vector<16xi32>, vector<16xi32>, vector<16xi1>) -> (vector<16xi1>, vector<16xi32>, vector<16xi32>)
      %masked_sort3A_463 = arith.xori %masked_sort3A_461, %masked_sort3A_458 : vector<16xi32>
      %swap3A_464 = arith.index_cast %scan3A_433 : i32 to index
      %swap3A_465 = tpu.vector_load %arg14[%swap3A_464] {strides = array<i32>} : memref<384xi32, #tpu.memory_space<vmem>>, vector<16xi32>,
      tpu.vector_store %arg14[%swap3A_464], %masked_sort3A_462 {strides = array<i32>} : memref<384xi32, #tpu.memory_space<vmem>>, vector<16xi32>,
      %jit3A_466 = arith.constant 1 : i32
      %jit3A_467 = arith.constant 0 : i32
      %broadcast_in_dim3A_468 = vector.broadcast %jit3A_466 : i32 to vector<16xi32>
      %broadcast_in_dim3A_469 = vector.broadcast %jit3A_467 : i32 to vector<16xi32>
      %select_n3A_470 = arith.select %and3A_449, %broadcast_in_dim3A_468, %broadcast_in_dim3A_469 : vector<16xi1>, vector<16xi32>
      %reduce_sum3A = arith.constant true
      %reduce_sum3A_471 = vector.broadcast %reduce_sum3A : i1 to vector<16xi1>
      %reduce_sum3A_472 = tpu.scan <sum>, %select_n3A_470 masked %reduce_sum3A_471 : vector<16xi32>, vector<16xi1> -> vector<16xi32>
      %reduce_sum3A_473 = vector.extract %reduce_sum3A_472[15] : i32 from vector<16xi32>
      %add3A_474 = arith.addi %scan3A_433, %reduce_sum3A_473 : i32
      %ge3A_475 = arith.constant 80 : i32
      %ge3A_476 = arith.cmpi sge, %add3A_474, %ge3A_475 : i32
      %convert_element_type3A = arith.extui %ge3A_476 : i1 to i32
      %cond3A = arith.constant 0 : i32
      %cond3A_477 = arith.cmpi ne, %convert_element_type3A, %cond3A : i32
      scf.if %cond3A_477 {
        %get3A_485 = arith.constant 0 : index
        %get3A_486 = tpu.vector_load %arg14[%get3A_485] {strides = array<i32>} : memref<384xi32, #tpu.memory_space<vmem>>, vector<16xi32>,
        %mul3A_487 = arith.constant 80 : i32
        %mul3A_488 = arith.muli %scan3A_434, %mul3A_487 : i32
        %add3A_489 = arith.constant 0 : i32
        %add3A_490 = arith.addi %mul3A_488, %add3A_489 : i32
        %swap3A_491 = arith.index_cast %add3A_490 : i32 to index
        %swap3A_492 = tpu.vector_load %arg11[%swap3A_491] {strides = array<i32>} : memref<20400xi32, #tpu.memory_space<vmem>>, vector<16xi32>,
        tpu.vector_store %arg11[%swap3A_491], %get3A_486 {strides = array<i32>} : memref<20400xi32, #tpu.memory_space<vmem>>, vector<16xi32>,
        %get3A_493 = arith.constant 16 : index
        %get3A_494 = tpu.vector_load %arg14[%get3A_493] {strides = array<i32>} : memref<384xi32, #tpu.memory_space<vmem>>, vector<16xi32>,
        %mul3A_495 = arith.constant 80 : i32
        %mul3A_496 = arith.muli %scan3A_434, %mul3A_495 : i32
        %add3A_497 = arith.constant 16 : i32
        %add3A_498 = arith.addi %mul3A_496, %add3A_497 : i32
        %swap3A_499 = arith.index_cast %add3A_498 : i32 to index
        %swap3A_500 = tpu.vector_load %arg11[%swap3A_499] {strides = array<i32>} : memref<20400xi32, #tpu.memory_space<vmem>>, vector<16xi32>,
        tpu.vector_store %arg11[%swap3A_499], %get3A_494 {strides = array<i32>} : memref<20400xi32, #tpu.memory_space<vmem>>, vector<16xi32>,
        %get3A_501 = arith.constant 32 : index
        %get3A_502 = tpu.vector_load %arg14[%get3A_501] {strides = array<i32>} : memref<384xi32, #tpu.memory_space<vmem>>, vector<16xi32>,
        %mul3A_503 = arith.constant 80 : i32
        %mul3A_504 = arith.muli %scan3A_434, %mul3A_503 : i32
        %add3A_505 = arith.constant 32 : i32
        %add3A_506 = arith.addi %mul3A_504, %add3A_505 : i32
        %swap3A_507 = arith.index_cast %add3A_506 : i32 to index
        %swap3A_508 = tpu.vector_load %arg11[%swap3A_507] {strides = array<i32>} : memref<20400xi32, #tpu.memory_space<vmem>>, vector<16xi32>,
        tpu.vector_store %arg11[%swap3A_507], %get3A_502 {strides = array<i32>} : memref<20400xi32, #tpu.memory_space<vmem>>, vector<16xi32>,
        %get3A_509 = arith.constant 48 : index
        %get3A_510 = tpu.vector_load %arg14[%get3A_509] {strides = array<i32>} : memref<384xi32, #tpu.memory_space<vmem>>, vector<16xi32>,
        %mul3A_511 = arith.constant 80 : i32
        %mul3A_512 = arith.muli %scan3A_434, %mul3A_511 : i32
        %add3A_513 = arith.constant 48 : i32
        %add3A_514 = arith.addi %mul3A_512, %add3A_513 : i32
        %swap3A_515 = arith.index_cast %add3A_514 : i32 to index
        %swap3A_516 = tpu.vector_load %arg11[%swap3A_515] {strides = array<i32>} : memref<20400xi32, #tpu.memory_space<vmem>>, vector<16xi32>,
        tpu.vector_store %arg11[%swap3A_515], %get3A_510 {strides = array<i32>} : memref<20400xi32, #tpu.memory_space<vmem>>, vector<16xi32>,
        %get3A_517 = arith.constant 64 : index
        %get3A_518 = tpu.vector_load %arg14[%get3A_517] {strides = array<i32>} : memref<384xi32, #tpu.memory_space<vmem>>, vector<16xi32>,
        %mul3A_519 = arith.constant 80 : i32
        %mul3A_520 = arith.muli %scan3A_434, %mul3A_519 : i32
        %add3A_521 = arith.constant 64 : i32
        %add3A_522 = arith.addi %mul3A_520, %add3A_521 : i32
        %swap3A_523 = arith.index_cast %add3A_522 : i32 to index
        %swap3A_524 = tpu.vector_load %arg11[%swap3A_523] {strides = array<i32>} : memref<20400xi32, #tpu.memory_space<vmem>>, vector<16xi32>,
        tpu.vector_store %arg11[%swap3A_523], %get3A_518 {strides = array<i32>} : memref<20400xi32, #tpu.memory_space<vmem>>, vector<16xi32>,
        %get3A_525 = arith.constant 80 : index
        %get3A_526 = tpu.vector_load %arg14[%get3A_525] {strides = array<i32>} : memref<384xi32, #tpu.memory_space<vmem>>, vector<16xi32>,
        %swap3A_527 = arith.constant 0 : index
        %swap3A_528 = tpu.vector_load %arg14[%swap3A_527] {strides = array<i32>} : memref<384xi32, #tpu.memory_space<vmem>>, vector<16xi32>,
        tpu.vector_store %arg14[%swap3A_527], %get3A_526 {strides = array<i32>} : memref<384xi32, #tpu.memory_space<vmem>>, vector<16xi32>,
      } else {
      }
      %ge3A_478 = arith.constant 80 : i32
      %ge3A_479 = arith.cmpi sge, %add3A_474, %ge3A_478 : i32
      %convert_element_type3A_480 = arith.extui %ge3A_479 : i1 to i32
      %mul3A_481 = arith.constant 80 : i32
      %mul3A_482 = arith.muli %convert_element_type3A_480, %mul3A_481 : i32
      %sub3A_483 = arith.subi %add3A_474, %mul3A_482 : i32
      %add3A_484 = arith.addi %scan3A_434, %convert_element_type3A_480 : i32
      scf.yield %sub3A_483, %add3A_484 : i32, i32
    }
    %scan3A_16 = arith.constant 1250 : i32
    %add3A_17 = arith.constant 0 : i32
    %add3A_18 = arith.addi %scan3A_15#0, %add3A_17 : i32
    %swap3A = arith.index_cast %add3A_18 : i32 to index
    %swap3A_19 = tpu.vector_load %arg14[%swap3A] {strides = array<i32>} : memref<384xi32, #tpu.memory_space<vmem>>, vector<16xi32>,
    tpu.vector_store %arg14[%swap3A], %broadcast_in_dim3A_9 {strides = array<i32>} : memref<384xi32, #tpu.memory_space<vmem>>, vector<16xi32>,
    %add3A_20 = arith.constant 16 : i32
    %add3A_21 = arith.addi %scan3A_15#0, %add3A_20 : i32
    %swap3A_22 = arith.index_cast %add3A_21 : i32 to index
    %swap3A_23 = tpu.vector_load %arg14[%swap3A_22] {strides = array<i32>} : memref<384xi32, #tpu.memory_space<vmem>>, vector<16xi32>,
    tpu.vector_store %arg14[%swap3A_22], %broadcast_in_dim3A_9 {strides = array<i32>} : memref<384xi32, #tpu.memory_space<vmem>>, vector<16xi32>,
    %add3A_24 = arith.constant 32 : i32
    %add3A_25 = arith.addi %scan3A_15#0, %add3A_24 : i32
    %swap3A_26 = arith.index_cast %add3A_25 : i32 to index
    %swap3A_27 = tpu.vector_load %arg14[%swap3A_26] {strides = array<i32>} : memref<384xi32, #tpu.memory_space<vmem>>, vector<16xi32>,
    tpu.vector_store %arg14[%swap3A_26], %broadcast_in_dim3A_9 {strides = array<i32>} : memref<384xi32, #tpu.memory_space<vmem>>, vector<16xi32>,
    %add3A_28 = arith.constant 48 : i32
    %add3A_29 = arith.addi %scan3A_15#0, %add3A_28 : i32
    %swap3A_30 = arith.index_cast %add3A_29 : i32 to index
    %swap3A_31 = tpu.vector_load %arg14[%swap3A_30] {strides = array<i32>} : memref<384xi32, #tpu.memory_space<vmem>>, vector<16xi32>,
    tpu.vector_store %arg14[%swap3A_30], %broadcast_in_dim3A_9 {strides = array<i32>} : memref<384xi32, #tpu.memory_space<vmem>>, vector<16xi32>,
    %add3A_32 = arith.constant 64 : i32
    %add3A_33 = arith.addi %scan3A_15#0, %add3A_32 : i32
    %swap3A_34 = arith.index_cast %add3A_33 : i32 to index
    %swap3A_35 = tpu.vector_load %arg14[%swap3A_34] {strides = array<i32>} : memref<384xi32, #tpu.memory_space<vmem>>, vector<16xi32>,
    tpu.vector_store %arg14[%swap3A_34], %broadcast_in_dim3A_9 {strides = array<i32>} : memref<384xi32, #tpu.memory_space<vmem>>, vector<16xi32>,
    %add3A_36 = arith.constant 80 : i32
    %add3A_37 = arith.addi %scan3A_15#0, %add3A_36 : i32
    %swap3A_38 = arith.index_cast %add3A_37 : i32 to index
    %swap3A_39 = tpu.vector_load %arg14[%swap3A_38] {strides = array<i32>} : memref<384xi32, #tpu.memory_space<vmem>>, vector<16xi32>,
    tpu.vector_store %arg14[%swap3A_38], %broadcast_in_dim3A_9 {strides = array<i32>} : memref<384xi32, #tpu.memory_space<vmem>>, vector<16xi32>,
    %get3A = arith.constant 0 : index
    %get3A_40 = tpu.vector_load %arg14[%get3A] {strides = array<i32>} : memref<384xi32, #tpu.memory_space<vmem>>, vector<16xi32>,
    %mul3A_41 = arith.constant 80 : i32
    %mul3A_42 = arith.muli %scan3A_15#1, %mul3A_41 : i32
    %add3A_43 = arith.constant 0 : i32
    %add3A_44 = arith.addi %mul3A_42, %add3A_43 : i32
    %swap3A_45 = arith.index_cast %add3A_44 : i32 to index
    %swap3A_46 = tpu.vector_load %arg11[%swap3A_45] {strides = array<i32>} : memref<20400xi32, #tpu.memory_space<vmem>>, vector<16xi32>,
    tpu.vector_store %arg11[%swap3A_45], %get3A_40 {strides = array<i32>} : memref<20400xi32, #tpu.memory_space<vmem>>, vector<16xi32>,
    %get3A_47 = arith.constant 16 : index
    %get3A_48 = tpu.vector_load %arg14[%get3A_47] {strides = array<i32>} : memref<384xi32, #tpu.memory_space<vmem>>, vector<16xi32>,
    %mul3A_49 = arith.constant 80 : i32
    %mul3A_50 = arith.muli %scan3A_15#1, %mul3A_49 : i32
    %add3A_51 = arith.constant 16 : i32
    %add3A_52 = arith.addi %mul3A_50, %add3A_51 : i32
    %swap3A_53 = arith.index_cast %add3A_52 : i32 to index
    %swap3A_54 = tpu.vector_load %arg11[%swap3A_53] {strides = array<i32>} : memref<20400xi32, #tpu.memory_space<vmem>>, vector<16xi32>,
    tpu.vector_store %arg11[%swap3A_53], %get3A_48 {strides = array<i32>} : memref<20400xi32, #tpu.memory_space<vmem>>, vector<16xi32>,
    %get3A_55 = arith.constant 32 : index
    %get3A_56 = tpu.vector_load %arg14[%get3A_55] {strides = array<i32>} : memref<384xi32, #tpu.memory_space<vmem>>, vector<16xi32>,
    %mul3A_57 = arith.constant 80 : i32
    %mul3A_58 = arith.muli %scan3A_15#1, %mul3A_57 : i32
    %add3A_59 = arith.constant 32 : i32
    %add3A_60 = arith.addi %mul3A_58, %add3A_59 : i32
    %swap3A_61 = arith.index_cast %add3A_60 : i32 to index
    %swap3A_62 = tpu.vector_load %arg11[%swap3A_61] {strides = array<i32>} : memref<20400xi32, #tpu.memory_space<vmem>>, vector<16xi32>,
    tpu.vector_store %arg11[%swap3A_61], %get3A_56 {strides = array<i32>} : memref<20400xi32, #tpu.memory_space<vmem>>, vector<16xi32>,
    %get3A_63 = arith.constant 48 : index
    %get3A_64 = tpu.vector_load %arg14[%get3A_63] {strides = array<i32>} : memref<384xi32, #tpu.memory_space<vmem>>, vector<16xi32>,
    %mul3A_65 = arith.constant 80 : i32
    %mul3A_66 = arith.muli %scan3A_15#1, %mul3A_65 : i32
    %add3A_67 = arith.constant 48 : i32
    %add3A_68 = arith.addi %mul3A_66, %add3A_67 : i32
    %swap3A_69 = arith.index_cast %add3A_68 : i32 to index
    %swap3A_70 = tpu.vector_load %arg11[%swap3A_69] {strides = array<i32>} : memref<20400xi32, #tpu.memory_space<vmem>>, vector<16xi32>,
    tpu.vector_store %arg11[%swap3A_69], %get3A_64 {strides = array<i32>} : memref<20400xi32, #tpu.memory_space<vmem>>, vector<16xi32>,
    %get3A_71 = arith.constant 64 : index
    %get3A_72 = tpu.vector_load %arg14[%get3A_71] {strides = array<i32>} : memref<384xi32, #tpu.memory_space<vmem>>, vector<16xi32>,
    %mul3A_73 = arith.constant 80 : i32
    %mul3A_74 = arith.muli %scan3A_15#1, %mul3A_73 : i32
    %add3A_75 = arith.constant 64 : i32
    %add3A_76 = arith.addi %mul3A_74, %add3A_75 : i32
    %swap3A_77 = arith.index_cast %add3A_76 : i32 to index
    %swap3A_78 = tpu.vector_load %arg11[%swap3A_77] {strides = array<i32>} : memref<20400xi32, #tpu.memory_space<vmem>>, vector<16xi32>,
    tpu.vector_store %arg11[%swap3A_77], %get3A_72 {strides = array<i32>} : memref<20400xi32, #tpu.memory_space<vmem>>, vector<16xi32>,
    %get3A_79 = arith.constant 80 : index
    %get3A_80 = tpu.vector_load %arg14[%get3A_79] {strides = array<i32>} : memref<384xi32, #tpu.memory_space<vmem>>, vector<16xi32>,
    %swap3A_81 = arith.constant 0 : index
    %swap3A_82 = tpu.vector_load %arg14[%swap3A_81] {strides = array<i32>} : memref<384xi32, #tpu.memory_space<vmem>>, vector<16xi32>,
    tpu.vector_store %arg14[%swap3A_81], %get3A_80 {strides = array<i32>} : memref<384xi32, #tpu.memory_space<vmem>>, vector<16xi32>,
    %add3A_83 = arith.constant 1 : i32
    %add3A_84 = arith.addi %scan3A_15#1, %add3A_83 : i32
    %mul3A_85 = arith.constant 80 : i32
    %mul3A_86 = arith.muli %add3A_84, %mul3A_85 : i32
    %add3A_87 = arith.constant 0 : i32
    %add3A_88 = arith.addi %mul3A_86, %add3A_87 : i32
    %swap3A_89 = arith.index_cast %add3A_88 : i32 to index
    %swap3A_90 = tpu.vector_load %arg11[%swap3A_89] {strides = array<i32>} : memref<20400xi32, #tpu.memory_space<vmem>>, vector<16xi32>,
    tpu.vector_store %arg11[%swap3A_89], %broadcast_in_dim3A_9 {strides = array<i32>} : memref<20400xi32, #tpu.memory_space<vmem>>, vector<16xi32>,
    %add3A_91 = arith.constant 1 : i32
    %add3A_92 = arith.addi %scan3A_15#1, %add3A_91 : i32
    %mul3A_93 = arith.constant 80 : i32
    %mul3A_94 = arith.muli %add3A_92, %mul3A_93 : i32
    %add3A_95 = arith.constant 16 : i32
    %add3A_96 = arith.addi %mul3A_94, %add3A_95 : i32
    %swap3A_97 = arith.index_cast %add3A_96 : i32 to index
    %swap3A_98 = tpu.vector_load %arg11[%swap3A_97] {strides = array<i32>} : memref<20400xi32, #tpu.memory_space<vmem>>, vector<16xi32>,
    tpu.vector_store %arg11[%swap3A_97], %broadcast_in_dim3A_9 {strides = array<i32>} : memref<20400xi32, #tpu.memory_space<vmem>>, vector<16xi32>,
    %add3A_99 = arith.constant 1 : i32
    %add3A_100 = arith.addi %scan3A_15#1, %add3A_99 : i32
    %mul3A_101 = arith.constant 80 : i32
    %mul3A_102 = arith.muli %add3A_100, %mul3A_101 : i32
    %add3A_103 = arith.constant 32 : i32
    %add3A_104 = arith.addi %mul3A_102, %add3A_103 : i32
    %swap3A_105 = arith.index_cast %add3A_104 : i32 to index
    %swap3A_106 = tpu.vector_load %arg11[%swap3A_105] {strides = array<i32>} : memref<20400xi32, #tpu.memory_space<vmem>>, vector<16xi32>,
    tpu.vector_store %arg11[%swap3A_105], %broadcast_in_dim3A_9 {strides = array<i32>} : memref<20400xi32, #tpu.memory_space<vmem>>, vector<16xi32>,
    %add3A_107 = arith.constant 1 : i32
    %add3A_108 = arith.addi %scan3A_15#1, %add3A_107 : i32
    %mul3A_109 = arith.constant 80 : i32
    %mul3A_110 = arith.muli %add3A_108, %mul3A_109 : i32
    %add3A_111 = arith.constant 48 : i32
    %add3A_112 = arith.addi %mul3A_110, %add3A_111 : i32
    %swap3A_113 = arith.index_cast %add3A_112 : i32 to index
    %swap3A_114 = tpu.vector_load %arg11[%swap3A_113] {strides = array<i32>} : memref<20400xi32, #tpu.memory_space<vmem>>, vector<16xi32>,
    tpu.vector_store %arg11[%swap3A_113], %broadcast_in_dim3A_9 {strides = array<i32>} : memref<20400xi32, #tpu.memory_space<vmem>>, vector<16xi32>,
    %add3A_115 = arith.constant 1 : i32
    %add3A_116 = arith.addi %scan3A_15#1, %add3A_115 : i32
    %mul3A_117 = arith.constant 80 : i32
    %mul3A_118 = arith.muli %add3A_116, %mul3A_117 : i32
    %add3A_119 = arith.constant 64 : i32
    %add3A_120 = arith.addi %mul3A_118, %add3A_119 : i32
    %swap3A_121 = arith.index_cast %add3A_120 : i32 to index
    %swap3A_122 = tpu.vector_load %arg11[%swap3A_121] {strides = array<i32>} : memref<20400xi32, #tpu.memory_space<vmem>>, vector<16xi32>,
    tpu.vector_store %arg11[%swap3A_121], %broadcast_in_dim3A_9 {strides = array<i32>} : memref<20400xi32, #tpu.memory_space<vmem>>, vector<16xi32>,
    %add3A_123 = arith.constant 2 : i32
    %add3A_124 = arith.addi %scan3A_15#1, %add3A_123 : i32
    %mul3A_125 = arith.constant 80 : i32
    %mul3A_126 = arith.muli %add3A_124, %mul3A_125 : i32
    %add3A_127 = arith.constant 0 : i32
    %add3A_128 = arith.addi %mul3A_126, %add3A_127 : i32
    %swap3A_129 = arith.index_cast %add3A_128 : i32 to index
    %swap3A_130 = tpu.vector_load %arg11[%swap3A_129] {strides = array<i32>} : memref<20400xi32, #tpu.memory_space<vmem>>, vector<16xi32>,
    tpu.vector_store %arg11[%swap3A_129], %broadcast_in_dim3A_9 {strides = array<i32>} : memref<20400xi32, #tpu.memory_space<vmem>>, vector<16xi32>,
    %add3A_131 = arith.constant 2 : i32
    %add3A_132 = arith.addi %scan3A_15#1, %add3A_131 : i32
    %mul3A_133 = arith.constant 80 : i32
    %mul3A_134 = arith.muli %add3A_132, %mul3A_133 : i32
    %add3A_135 = arith.constant 16 : i32
    %add3A_136 = arith.addi %mul3A_134, %add3A_135 : i32
    %swap3A_137 = arith.index_cast %add3A_136 : i32 to index
    %swap3A_138 = tpu.vector_load %arg11[%swap3A_137] {strides = array<i32>} : memref<20400xi32, #tpu.memory_space<vmem>>, vector<16xi32>,
    tpu.vector_store %arg11[%swap3A_137], %broadcast_in_dim3A_9 {strides = array<i32>} : memref<20400xi32, #tpu.memory_space<vmem>>, vector<16xi32>,
    %add3A_139 = arith.constant 2 : i32
    %add3A_140 = arith.addi %scan3A_15#1, %add3A_139 : i32
    %mul3A_141 = arith.constant 80 : i32
    %mul3A_142 = arith.muli %add3A_140, %mul3A_141 : i32
    %add3A_143 = arith.constant 32 : i32
    %add3A_144 = arith.addi %mul3A_142, %add3A_143 : i32
    %swap3A_145 = arith.index_cast %add3A_144 : i32 to index
    %swap3A_146 = tpu.vector_load %arg11[%swap3A_145] {strides = array<i32>} : memref<20400xi32, #tpu.memory_space<vmem>>, vector<16xi32>,
    tpu.vector_store %arg11[%swap3A_145], %broadcast_in_dim3A_9 {strides = array<i32>} : memref<20400xi32, #tpu.memory_space<vmem>>, vector<16xi32>,
    %add3A_147 = arith.constant 2 : i32
    %add3A_148 = arith.addi %scan3A_15#1, %add3A_147 : i32
    %mul3A_149 = arith.constant 80 : i32
    %mul3A_150 = arith.muli %add3A_148, %mul3A_149 : i32
    %add3A_151 = arith.constant 48 : i32
    %add3A_152 = arith.addi %mul3A_150, %add3A_151 : i32
    %swap3A_153 = arith.index_cast %add3A_152 : i32 to index
    %swap3A_154 = tpu.vector_load %arg11[%swap3A_153] {strides = array<i32>} : memref<20400xi32, #tpu.memory_space<vmem>>, vector<16xi32>,
    tpu.vector_store %arg11[%swap3A_153], %broadcast_in_dim3A_9 {strides = array<i32>} : memref<20400xi32, #tpu.memory_space<vmem>>, vector<16xi32>,
    %add3A_155 = arith.constant 2 : i32
    %add3A_156 = arith.addi %scan3A_15#1, %add3A_155 : i32
    %mul3A_157 = arith.constant 80 : i32
    %mul3A_158 = arith.muli %add3A_156, %mul3A_157 : i32
    %add3A_159 = arith.constant 64 : i32
    %add3A_160 = arith.addi %mul3A_158, %add3A_159 : i32
    %swap3A_161 = arith.index_cast %add3A_160 : i32 to index
    %swap3A_162 = tpu.vector_load %arg11[%swap3A_161] {strides = array<i32>} : memref<20400xi32, #tpu.memory_space<vmem>>, vector<16xi32>,
    tpu.vector_store %arg11[%swap3A_161], %broadcast_in_dim3A_9 {strides = array<i32>} : memref<20400xi32, #tpu.memory_space<vmem>>, vector<16xi32>,
    %add3A_163 = arith.constant 3 : i32
    %add3A_164 = arith.addi %scan3A_15#1, %add3A_163 : i32
    %mul3A_165 = arith.constant 80 : i32
    %mul3A_166 = arith.muli %add3A_164, %mul3A_165 : i32
    %add3A_167 = arith.constant 0 : i32
    %add3A_168 = arith.addi %mul3A_166, %add3A_167 : i32
    %swap3A_169 = arith.index_cast %add3A_168 : i32 to index
    %swap3A_170 = tpu.vector_load %arg11[%swap3A_169] {strides = array<i32>} : memref<20400xi32, #tpu.memory_space<vmem>>, vector<16xi32>,
    tpu.vector_store %arg11[%swap3A_169], %broadcast_in_dim3A_9 {strides = array<i32>} : memref<20400xi32, #tpu.memory_space<vmem>>, vector<16xi32>,
    %add3A_171 = arith.constant 3 : i32
    %add3A_172 = arith.addi %scan3A_15#1, %add3A_171 : i32
    %mul3A_173 = arith.constant 80 : i32
    %mul3A_174 = arith.muli %add3A_172, %mul3A_173 : i32
    %add3A_175 = arith.constant 16 : i32
    %add3A_176 = arith.addi %mul3A_174, %add3A_175 : i32
    %swap3A_177 = arith.index_cast %add3A_176 : i32 to index
    %swap3A_178 = tpu.vector_load %arg11[%swap3A_177] {strides = array<i32>} : memref<20400xi32, #tpu.memory_space<vmem>>, vector<16xi32>,
    tpu.vector_store %arg11[%swap3A_177], %broadcast_in_dim3A_9 {strides = array<i32>} : memref<20400xi32, #tpu.memory_space<vmem>>, vector<16xi32>,
    %add3A_179 = arith.constant 3 : i32
    %add3A_180 = arith.addi %scan3A_15#1, %add3A_179 : i32
    %mul3A_181 = arith.constant 80 : i32
    %mul3A_182 = arith.muli %add3A_180, %mul3A_181 : i32
    %add3A_183 = arith.constant 32 : i32
    %add3A_184 = arith.addi %mul3A_182, %add3A_183 : i32
    %swap3A_185 = arith.index_cast %add3A_184 : i32 to index
    %swap3A_186 = tpu.vector_load %arg11[%swap3A_185] {strides = array<i32>} : memref<20400xi32, #tpu.memory_space<vmem>>, vector<16xi32>,
    tpu.vector_store %arg11[%swap3A_185], %broadcast_in_dim3A_9 {strides = array<i32>} : memref<20400xi32, #tpu.memory_space<vmem>>, vector<16xi32>,
    %add3A_187 = arith.constant 3 : i32
    %add3A_188 = arith.addi %scan3A_15#1, %add3A_187 : i32
    %mul3A_189 = arith.constant 80 : i32
    %mul3A_190 = arith.muli %add3A_188, %mul3A_189 : i32
    %add3A_191 = arith.constant 48 : i32
    %add3A_192 = arith.addi %mul3A_190, %add3A_191 : i32
    %swap3A_193 = arith.index_cast %add3A_192 : i32 to index
    %swap3A_194 = tpu.vector_load %arg11[%swap3A_193] {strides = array<i32>} : memref<20400xi32, #tpu.memory_space<vmem>>, vector<16xi32>,
    tpu.vector_store %arg11[%swap3A_193], %broadcast_in_dim3A_9 {strides = array<i32>} : memref<20400xi32, #tpu.memory_space<vmem>>, vector<16xi32>,
    %add3A_195 = arith.constant 3 : i32
    %add3A_196 = arith.addi %scan3A_15#1, %add3A_195 : i32
    %mul3A_197 = arith.constant 80 : i32
    %mul3A_198 = arith.muli %add3A_196, %mul3A_197 : i32
    %add3A_199 = arith.constant 64 : i32
    %add3A_200 = arith.addi %mul3A_198, %add3A_199 : i32
    %swap3A_201 = arith.index_cast %add3A_200 : i32 to index
    %swap3A_202 = tpu.vector_load %arg11[%swap3A_201] {strides = array<i32>} : memref<20400xi32, #tpu.memory_space<vmem>>, vector<16xi32>,
    tpu.vector_store %arg11[%swap3A_201], %broadcast_in_dim3A_9 {strides = array<i32>} : memref<20400xi32, #tpu.memory_space<vmem>>, vector<16xi32>,
    %mul3A_203 = arith.constant 80 : i32
    %mul3A_204 = arith.muli %scan3A_15#1, %mul3A_203 : i32
    %add3A_205 = arith.addi %mul3A_204, %scan3A_15#0 : i32
    %add3A_206 = arith.constant 80 : i32
    %add3A_207 = arith.addi %add3A_205, %add3A_206 : i32
    %sub3A = arith.constant 1 : i32
    %sub3A_208 = arith.subi %add3A_207, %sub3A : i32
    %jit3A = arith.constant 80 : i32
    %div3A = arith.divsi %sub3A_208, %jit3A : i32
    %sign3A = arith.constant 0 : i32
    %sign3A_209 = arith.cmpi sgt, %sub3A_208, %sign3A : i32
    %sign3A_210 = arith.extui %sign3A_209 : i1 to i32
    %sign3A_211 = arith.constant 0 : i32
    %sign3A_212 = arith.cmpi slt, %sub3A_208, %sign3A_211 : i32
    %sign3A_213 = arith.extui %sign3A_212 : i1 to i32
    %sign3A_214 = arith.subi %sign3A_210, %sign3A_213 : i32
    %sign3A_215 = arith.constant 0 : i32
    %sign3A_216 = arith.cmpi sgt, %jit3A, %sign3A_215 : i32
    %sign3A_217 = arith.extui %sign3A_216 : i1 to i32
    %sign3A_218 = arith.constant 0 : i32
    %sign3A_219 = arith.cmpi slt, %jit3A, %sign3A_218 : i32
    %sign3A_220 = arith.extui %sign3A_219 : i1 to i32
    %sign3A_221 = arith.subi %sign3A_217, %sign3A_220 : i32
    %ne3A = arith.cmpi ne, %sign3A_214, %sign3A_221 : i32
    %rem3A = arith.remsi %sub3A_208, %jit3A : i32
    %ne3A_222 = arith.constant 0 : i32
    %ne3A_223 = arith.cmpi ne, %rem3A, %ne3A_222 : i32
    %and3A = arith.andi %ne3A, %ne3A_223 : i1
    %sub3A_224 = arith.constant 1 : i32
    %sub3A_225 = arith.subi %div3A, %sub3A_224 : i32
    %select_n3A = arith.select %and3A, %sub3A_225, %div3A : i32
    %add3A_226 = arith.constant 2 : i32
    %add3A_227 = arith.addi %select_n3A, %add3A_226 : i32
    %sub3A_228 = arith.constant 1 : i32
    %sub3A_229 = arith.subi %add3A_227, %sub3A_228 : i32
    %jit3A_230 = arith.constant 2 : i32
    %div3A_231 = arith.divsi %sub3A_229, %jit3A_230 : i32
    %sign3A_232 = arith.constant 0 : i32
    %sign3A_233 = arith.cmpi sgt, %sub3A_229, %sign3A_232 : i32
    %sign3A_234 = arith.extui %sign3A_233 : i1 to i32
    %sign3A_235 = arith.constant 0 : i32
    %sign3A_236 = arith.cmpi slt, %sub3A_229, %sign3A_235 : i32
    %sign3A_237 = arith.extui %sign3A_236 : i1 to i32
    %sign3A_238 = arith.subi %sign3A_234, %sign3A_237 : i32
    %sign3A_239 = arith.constant 0 : i32
    %sign3A_240 = arith.cmpi sgt, %jit3A_230, %sign3A_239 : i32
    %sign3A_241 = arith.extui %sign3A_240 : i1 to i32
    %sign3A_242 = arith.constant 0 : i32
    %sign3A_243 = arith.cmpi slt, %jit3A_230, %sign3A_242 : i32
    %sign3A_244 = arith.extui %sign3A_243 : i1 to i32
    %sign3A_245 = arith.subi %sign3A_241, %sign3A_244 : i32
    %ne3A_246 = arith.cmpi ne, %sign3A_238, %sign3A_245 : i32
    %rem3A_247 = arith.remsi %sub3A_229, %jit3A_230 : i32
    %ne3A_248 = arith.constant 0 : i32
    %ne3A_249 = arith.cmpi ne, %rem3A_247, %ne3A_248 : i32
    %and3A_250 = arith.andi %ne3A_246, %ne3A_249 : i1
    %sub3A_251 = arith.constant 1 : i32
    %sub3A_252 = arith.subi %div3A_231, %sub3A_251 : i32
    %select_n3A_253 = arith.select %and3A_250, %sub3A_252, %div3A_231 : i32
    %max3A = arith.constant 1 : i32
    %max3A_254 = arith.maxsi %select_n3A_253, %max3A : i32
    "tpu.region"() ({
      %run_scoped3A = tpu.sem_alloc : memref<!tpu.dma_semaphore, #tpu.memory_space<semaphore_mem>>
      %dma_start3A_432 = arith.constant 0 : i32
      %dma_start3A_433 = tpu.memref_slice %arg7[%arg0, %arg1, %dma_start3A_432] : memref<2x16x20400xi32, #tpu.memory_space<hbm>> -> memref<1x1x20400xi32, #tpu.memory_space<hbm>>
      %dma_start3A_434 = tpu.memref_squeeze %dma_start3A_433 : memref<1x1x20400xi32, #tpu.memory_space<hbm>> -> memref<20400xi32, #tpu.memory_space<hbm>>
      %dma_start3A_435 = arith.constant 0 : i32
      %dma_start3A_436 = tpu.memref_slice %arg7[%arg0, %arg1, %dma_start3A_435] : memref<2x16x20400xi32, #tpu.memory_space<hbm>> -> memref<1x1x20400xi32, #tpu.memory_space<hbm>>
      %dma_start3A_437 = tpu.memref_squeeze %dma_start3A_436 : memref<1x1x20400xi32, #tpu.memory_space<hbm>> -> memref<20400xi32, #tpu.memory_space<hbm>>
      tpu.enqueue_dma source(%arg11 : memref<20400xi32, #tpu.memory_space<vmem>>) target(%dma_start3A_437 : memref<20400xi32, #tpu.memory_space<hbm>>) target_semaphore(%run_scoped3A : memref<!tpu.dma_semaphore, #tpu.memory_space<semaphore_mem>>)
      %dma_wait3A_438 = arith.constant 0 : i32
      %dma_wait3A_439 = tpu.memref_slice %arg7[%arg0, %arg1, %dma_wait3A_438] : memref<2x16x20400xi32, #tpu.memory_space<hbm>> -> memref<1x1x20400xi32, #tpu.memory_space<hbm>>
      %dma_wait3A_440 = tpu.memref_squeeze %dma_wait3A_439 : memref<1x1x20400xi32, #tpu.memory_space<hbm>> -> memref<20400xi32, #tpu.memory_space<hbm>>
      %dma_wait3A_441 = arith.constant 0 : i32
      %dma_wait3A_442 = tpu.memref_slice %arg7[%arg0, %arg1, %dma_wait3A_441] : memref<2x16x20400xi32, #tpu.memory_space<hbm>> -> memref<1x1x20400xi32, #tpu.memory_space<hbm>>
      %dma_wait3A_443 = tpu.memref_squeeze %dma_wait3A_442 : memref<1x1x20400xi32, #tpu.memory_space<hbm>> -> memref<20400xi32, #tpu.memory_space<hbm>>
      tpu.wait_dma2 semaphore(%run_scoped3A : memref<!tpu.dma_semaphore, #tpu.memory_space<semaphore_mem>>) src(%arg11 : memref<20400xi32, #tpu.memory_space<vmem>>) dst(%dma_wait3A_443 : memref<20400xi32, #tpu.memory_space<hbm>>)
      tpu.yield
    }) : () -> ()
    %broadcast_in_dim3A_255 = vector.broadcast %add3A_205 : i32 to vector<16xi32>
    %swap3A_256 = arith.constant 0 : index
    %swap3A_257 = tpu.vector_load %arg15[%swap3A_256] {strides = array<i32>} : memref<16xi32, #tpu.memory_space<vmem>>, vector<16xi32>,
    tpu.vector_store %arg15[%swap3A_256], %broadcast_in_dim3A_255 {strides = array<i32>} : memref<16xi32, #tpu.memory_space<vmem>>, vector<16xi32>,
    "tpu.region"() ({
      %run_scoped3A = tpu.sem_alloc : memref<!tpu.dma_semaphore, #tpu.memory_space<semaphore_mem>>
      %dma_start3A_432 = arith.constant 0 : i32
      %dma_start3A_433 = tpu.memref_slice %arg8[%arg0, %arg1, %dma_start3A_432] : memref<2x16x16xi32, #tpu.memory_space<hbm>> -> memref<1x1x16xi32, #tpu.memory_space<hbm>>
      %dma_start3A_434 = tpu.memref_squeeze %dma_start3A_433 : memref<1x1x16xi32, #tpu.memory_space<hbm>> -> memref<16xi32, #tpu.memory_space<hbm>>
      %dma_start3A_435 = arith.constant 0 : i32
      %dma_start3A_436 = tpu.memref_slice %arg8[%arg0, %arg1, %dma_start3A_435] : memref<2x16x16xi32, #tpu.memory_space<hbm>> -> memref<1x1x16xi32, #tpu.memory_space<hbm>>
      %dma_start3A_437 = tpu.memref_squeeze %dma_start3A_436 : memref<1x1x16xi32, #tpu.memory_space<hbm>> -> memref<16xi32, #tpu.memory_space<hbm>>
      tpu.enqueue_dma source(%arg15 : memref<16xi32, #tpu.memory_space<vmem>>) target(%dma_start3A_437 : memref<16xi32, #tpu.memory_space<hbm>>) target_semaphore(%run_scoped3A : memref<!tpu.dma_semaphore, #tpu.memory_space<semaphore_mem>>)
      %dma_wait3A_438 = arith.constant 0 : i32
      %dma_wait3A_439 = tpu.memref_slice %arg8[%arg0, %arg1, %dma_wait3A_438] : memref<2x16x16xi32, #tpu.memory_space<hbm>> -> memref<1x1x16xi32, #tpu.memory_space<hbm>>
      %dma_wait3A_440 = tpu.memref_squeeze %dma_wait3A_439 : memref<1x1x16xi32, #tpu.memory_space<hbm>> -> memref<16xi32, #tpu.memory_space<hbm>>
      %dma_wait3A_441 = arith.constant 0 : i32
      %dma_wait3A_442 = tpu.memref_slice %arg8[%arg0, %arg1, %dma_wait3A_441] : memref<2x16x16xi32, #tpu.memory_space<hbm>> -> memref<1x1x16xi32, #tpu.memory_space<hbm>>
      %dma_wait3A_443 = tpu.memref_squeeze %dma_wait3A_442 : memref<1x1x16xi32, #tpu.memory_space<hbm>> -> memref<16xi32, #tpu.memory_space<hbm>>
      tpu.wait_dma2 semaphore(%run_scoped3A : memref<!tpu.dma_semaphore, #tpu.memory_space<semaphore_mem>>) src(%arg15 : memref<16xi32, #tpu.memory_space<vmem>>) dst(%dma_wait3A_443 : memref<16xi32, #tpu.memory_space<hbm>>)
      tpu.yield
    }) : () -> ()
    %dma_wait3A = arith.constant 0 : i32
    %dma_wait3A_258 = tpu.memref_slice %arg17[%add3A_3, %dma_wait3A] : memref<5128x128xf32, #tpu.memory_space<vmem_shared>> -> memref<160x128xf32, #tpu.memory_space<vmem_shared>>
    tpu.wait_dma2 semaphore(%arg18 : memref<!tpu.dma_semaphore, #tpu.memory_space<semaphore_mem>>) src(%arg5 : memref<160x128xf32, #tpu.memory_space<hbm>>) dst(%dma_wait3A_258 : memref<160x128xf32, #tpu.memory_space<vmem_shared>>)
    %dma_wait3A_259 = arith.constant 0 : i32
    %dma_wait3A_260 = tpu.memref_slice %arg17[%add3A_6, %dma_wait3A_259] : memref<5128x128xf32, #tpu.memory_space<vmem_shared>> -> memref<160x128xf32, #tpu.memory_space<vmem_shared>>
    tpu.wait_dma2 semaphore(%arg18 : memref<!tpu.dma_semaphore, #tpu.memory_space<semaphore_mem>>) src(%arg5 : memref<160x128xf32, #tpu.memory_space<hbm>>) dst(%dma_wait3A_260 : memref<160x128xf32, #tpu.memory_space<vmem_shared>>)
    %barrier3A = arith.constant 0 : index
    tpu.barrier barrier_id(%barrier3A)
    %get3A_261 = arith.constant 0 : index
    %get3A_262 = tpu.vector_load %arg11[%get3A_261] {strides = array<i32>} : memref<20400xi32, #tpu.memory_space<vmem>>, vector<16xi32>,
    %and3A_263 = arith.constant 65535 : i32
    %and3A_264 = vector.broadcast %and3A_263 : i32 to vector<16xi32>
    %and3A_265 = arith.andi %get3A_262, %and3A_264 : vector<16xi32>
    %swap3A_266 = arith.constant 0 : index
    %swap3A_267 = tpu.vector_load %arg12[%swap3A_266] {strides = array<i32>} : memref<160xi32, #tpu.memory_space<vmem>>, vector<16xi32>,
    tpu.vector_store %arg12[%swap3A_266], %and3A_265 {strides = array<i32>} : memref<160xi32, #tpu.memory_space<vmem>>, vector<16xi32>,
    %shift_right_logical3A = arith.constant 16 : i32
    %shift_right_logical3A_268 = vector.broadcast %shift_right_logical3A : i32 to vector<16xi32>
    %shift_right_logical3A_269 = arith.shrui %get3A_262, %shift_right_logical3A_268 : vector<16xi32>
    %swap3A_270 = arith.constant 0 : i32
    %swap3A_271 = arith.index_cast %swap3A_270 : i32 to index
    %swap3A_272 = arith.constant 0 : index
    %swap3A_273 = tpu.vector_load %arg13[%swap3A_271, %swap3A_272] {strides = array<i32>} : memref<2x80xi32, #tpu.memory_space<vmem>>, vector<16xi32>,
    tpu.vector_store %arg13[%swap3A_271, %swap3A_272], %shift_right_logical3A_269 {strides = array<i32>} : memref<2x80xi32, #tpu.memory_space<vmem>>, vector<16xi32>,
    %get3A_274 = arith.constant 16 : index
    %get3A_275 = tpu.vector_load %arg11[%get3A_274] {strides = array<i32>} : memref<20400xi32, #tpu.memory_space<vmem>>, vector<16xi32>,
    %and3A_276 = arith.constant 65535 : i32
    %and3A_277 = vector.broadcast %and3A_276 : i32 to vector<16xi32>
    %and3A_278 = arith.andi %get3A_275, %and3A_277 : vector<16xi32>
    %swap3A_279 = arith.constant 16 : index
    %swap3A_280 = tpu.vector_load %arg12[%swap3A_279] {strides = array<i32>} : memref<160xi32, #tpu.memory_space<vmem>>, vector<16xi32>,
    tpu.vector_store %arg12[%swap3A_279], %and3A_278 {strides = array<i32>} : memref<160xi32, #tpu.memory_space<vmem>>, vector<16xi32>,
    %shift_right_logical3A_281 = arith.constant 16 : i32
    %shift_right_logical3A_282 = vector.broadcast %shift_right_logical3A_281 : i32 to vector<16xi32>
    %shift_right_logical3A_283 = arith.shrui %get3A_275, %shift_right_logical3A_282 : vector<16xi32>
    %swap3A_284 = arith.constant 0 : i32
    %swap3A_285 = arith.index_cast %swap3A_284 : i32 to index
    %swap3A_286 = arith.constant 16 : index
    %swap3A_287 = tpu.vector_load %arg13[%swap3A_285, %swap3A_286] {strides = array<i32>} : memref<2x80xi32, #tpu.memory_space<vmem>>, vector<16xi32>,
    tpu.vector_store %arg13[%swap3A_285, %swap3A_286], %shift_right_logical3A_283 {strides = array<i32>} : memref<2x80xi32, #tpu.memory_space<vmem>>, vector<16xi32>,
    %get3A_288 = arith.constant 32 : index
    %get3A_289 = tpu.vector_load %arg11[%get3A_288] {strides = array<i32>} : memref<20400xi32, #tpu.memory_space<vmem>>, vector<16xi32>,
    %and3A_290 = arith.constant 65535 : i32
    %and3A_291 = vector.broadcast %and3A_290 : i32 to vector<16xi32>
    %and3A_292 = arith.andi %get3A_289, %and3A_291 : vector<16xi32>
    %swap3A_293 = arith.constant 32 : index
    %swap3A_294 = tpu.vector_load %arg12[%swap3A_293] {strides = array<i32>} : memref<160xi32, #tpu.memory_space<vmem>>, vector<16xi32>,
    tpu.vector_store %arg12[%swap3A_293], %and3A_292 {strides = array<i32>} : memref<160xi32, #tpu.memory_space<vmem>>, vector<16xi32>,
    %shift_right_logical3A_295 = arith.constant 16 : i32
    %shift_right_logical3A_296 = vector.broadcast %shift_right_logical3A_295 : i32 to vector<16xi32>
    %shift_right_logical3A_297 = arith.shrui %get3A_289, %shift_right_logical3A_296 : vector<16xi32>
    %swap3A_298 = arith.constant 0 : i32
    %swap3A_299 = arith.index_cast %swap3A_298 : i32 to index
    %swap3A_300 = arith.constant 32 : index
    %swap3A_301 = tpu.vector_load %arg13[%swap3A_299, %swap3A_300] {strides = array<i32>} : memref<2x80xi32, #tpu.memory_space<vmem>>, vector<16xi32>,
    tpu.vector_store %arg13[%swap3A_299, %swap3A_300], %shift_right_logical3A_297 {strides = array<i32>} : memref<2x80xi32, #tpu.memory_space<vmem>>, vector<16xi32>,
    %get3A_302 = arith.constant 48 : index
    %get3A_303 = tpu.vector_load %arg11[%get3A_302] {strides = array<i32>} : memref<20400xi32, #tpu.memory_space<vmem>>, vector<16xi32>,
    %and3A_304 = arith.constant 65535 : i32
    %and3A_305 = vector.broadcast %and3A_304 : i32 to vector<16xi32>
    %and3A_306 = arith.andi %get3A_303, %and3A_305 : vector<16xi32>
    %swap3A_307 = arith.constant 48 : index
    %swap3A_308 = tpu.vector_load %arg12[%swap3A_307] {strides = array<i32>} : memref<160xi32, #tpu.memory_space<vmem>>, vector<16xi32>,
    tpu.vector_store %arg12[%swap3A_307], %and3A_306 {strides = array<i32>} : memref<160xi32, #tpu.memory_space<vmem>>, vector<16xi32>,
    %shift_right_logical3A_309 = arith.constant 16 : i32
    %shift_right_logical3A_310 = vector.broadcast %shift_right_logical3A_309 : i32 to vector<16xi32>
    %shift_right_logical3A_311 = arith.shrui %get3A_303, %shift_right_logical3A_310 : vector<16xi32>
    %swap3A_312 = arith.constant 0 : i32
    %swap3A_313 = arith.index_cast %swap3A_312 : i32 to index
    %swap3A_314 = arith.constant 48 : index
    %swap3A_315 = tpu.vector_load %arg13[%swap3A_313, %swap3A_314] {strides = array<i32>} : memref<2x80xi32, #tpu.memory_space<vmem>>, vector<16xi32>,
    tpu.vector_store %arg13[%swap3A_313, %swap3A_314], %shift_right_logical3A_311 {strides = array<i32>} : memref<2x80xi32, #tpu.memory_space<vmem>>, vector<16xi32>,
    %get3A_316 = arith.constant 64 : index
    %get3A_317 = tpu.vector_load %arg11[%get3A_316] {strides = array<i32>} : memref<20400xi32, #tpu.memory_space<vmem>>, vector<16xi32>,
    %and3A_318 = arith.constant 65535 : i32
    %and3A_319 = vector.broadcast %and3A_318 : i32 to vector<16xi32>
    %and3A_320 = arith.andi %get3A_317, %and3A_319 : vector<16xi32>
    %swap3A_321 = arith.constant 64 : index
    %swap3A_322 = tpu.vector_load %arg12[%swap3A_321] {strides = array<i32>} : memref<160xi32, #tpu.memory_space<vmem>>, vector<16xi32>,
    tpu.vector_store %arg12[%swap3A_321], %and3A_320 {strides = array<i32>} : memref<160xi32, #tpu.memory_space<vmem>>, vector<16xi32>,
    %shift_right_logical3A_323 = arith.constant 16 : i32
    %shift_right_logical3A_324 = vector.broadcast %shift_right_logical3A_323 : i32 to vector<16xi32>
    %shift_right_logical3A_325 = arith.shrui %get3A_317, %shift_right_logical3A_324 : vector<16xi32>
    %swap3A_326 = arith.constant 0 : i32
    %swap3A_327 = arith.index_cast %swap3A_326 : i32 to index
    %swap3A_328 = arith.constant 64 : index
    %swap3A_329 = tpu.vector_load %arg13[%swap3A_327, %swap3A_328] {strides = array<i32>} : memref<2x80xi32, #tpu.memory_space<vmem>>, vector<16xi32>,
    tpu.vector_store %arg13[%swap3A_327, %swap3A_328], %shift_right_logical3A_325 {strides = array<i32>} : memref<2x80xi32, #tpu.memory_space<vmem>>, vector<16xi32>,
    %dma_start3A_330 = arith.constant 0 : i32
    %dma_start3A_331 = arith.constant 0 : i32
    %dma_start3A_332 = arith.constant 0 : i32
    %dma_start3A_333 = tpu.memref_slice %arg16[%dma_start3A_330, %dma_start3A_331, %dma_start3A_332] : memref<2x80x128xf32, #tpu.memory_space<vmem>> -> memref<1x80x128xf32, #tpu.memory_space<vmem>>
    %dma_start3A_334 = tpu.memref_squeeze %dma_start3A_333 : memref<1x80x128xf32, #tpu.memory_space<vmem>> -> memref<80x128xf32, #tpu.memory_space<vmem>>
    %dma_start3A_335 = arith.constant 0 : i32
    %dma_start3A_336 = tpu.memref_slice %arg12[%dma_start3A_335] : memref<160xi32, #tpu.memory_space<vmem>> -> memref<80xi32, #tpu.memory_space<vmem>>
    %dma_start3A_337 = arith.constant 0 : i32
    %dma_start3A_338 = arith.constant 0 : i32
    %dma_start3A_339 = tpu.memref_slice %arg2[%dma_start3A_337, %dma_start3A_338] : memref<10000x128xf32, #tpu.memory_space<hbm>> -> memref<10000x128xf32, #tpu.memory_space<hbm>>
    tpu.enqueue_indirect_dma source(%dma_start3A_339 : memref<10000x128xf32, #tpu.memory_space<hbm>>) target(%dma_start3A_334 : memref<80x128xf32, #tpu.memory_space<vmem>>) offsets(%dma_start3A_336 : memref<80xi32, #tpu.memory_space<vmem>>) semaphore(%arg18 : memref<!tpu.dma_semaphore, #tpu.memory_space<semaphore_mem>>)
    %get3A_340 = arith.constant 80 : index
    %get3A_341 = tpu.vector_load %arg11[%get3A_340] {strides = array<i32>} : memref<20400xi32, #tpu.memory_space<vmem>>, vector<16xi32>,
    %and3A_342 = arith.constant 65535 : i32
    %and3A_343 = vector.broadcast %and3A_342 : i32 to vector<16xi32>
    %and3A_344 = arith.andi %get3A_341, %and3A_343 : vector<16xi32>
    %swap3A_345 = arith.constant 80 : index
    %swap3A_346 = tpu.vector_load %arg12[%swap3A_345] {strides = array<i32>} : memref<160xi32, #tpu.memory_space<vmem>>, vector<16xi32>,
    tpu.vector_store %arg12[%swap3A_345], %and3A_344 {strides = array<i32>} : memref<160xi32, #tpu.memory_space<vmem>>, vector<16xi32>,
    %shift_right_logical3A_347 = arith.constant 16 : i32
    %shift_right_logical3A_348 = vector.broadcast %shift_right_logical3A_347 : i32 to vector<16xi32>
    %shift_right_logical3A_349 = arith.shrui %get3A_341, %shift_right_logical3A_348 : vector<16xi32>
    %swap3A_350 = arith.constant 1 : i32
    %swap3A_351 = arith.index_cast %swap3A_350 : i32 to index
    %swap3A_352 = arith.constant 0 : index
    %swap3A_353 = tpu.vector_load %arg13[%swap3A_351, %swap3A_352] {strides = array<i32>} : memref<2x80xi32, #tpu.memory_space<vmem>>, vector<16xi32>,
    tpu.vector_store %arg13[%swap3A_351, %swap3A_352], %shift_right_logical3A_349 {strides = array<i32>} : memref<2x80xi32, #tpu.memory_space<vmem>>, vector<16xi32>,
    %get3A_354 = arith.constant 96 : index
    %get3A_355 = tpu.vector_load %arg11[%get3A_354] {strides = array<i32>} : memref<20400xi32, #tpu.memory_space<vmem>>, vector<16xi32>,
    %and3A_356 = arith.constant 65535 : i32
    %and3A_357 = vector.broadcast %and3A_356 : i32 to vector<16xi32>
    %and3A_358 = arith.andi %get3A_355, %and3A_357 : vector<16xi32>
    %swap3A_359 = arith.constant 96 : index
    %swap3A_360 = tpu.vector_load %arg12[%swap3A_359] {strides = array<i32>} : memref<160xi32, #tpu.memory_space<vmem>>, vector<16xi32>,
    tpu.vector_store %arg12[%swap3A_359], %and3A_358 {strides = array<i32>} : memref<160xi32, #tpu.memory_space<vmem>>, vector<16xi32>,
    %shift_right_logical3A_361 = arith.constant 16 : i32
    %shift_right_logical3A_362 = vector.broadcast %shift_right_logical3A_361 : i32 to vector<16xi32>
    %shift_right_logical3A_363 = arith.shrui %get3A_355, %shift_right_logical3A_362 : vector<16xi32>
    %swap3A_364 = arith.constant 1 : i32
    %swap3A_365 = arith.index_cast %swap3A_364 : i32 to index
    %swap3A_366 = arith.constant 16 : index
    %swap3A_367 = tpu.vector_load %arg13[%swap3A_365, %swap3A_366] {strides = array<i32>} : memref<2x80xi32, #tpu.memory_space<vmem>>, vector<16xi32>,
    tpu.vector_store %arg13[%swap3A_365, %swap3A_366], %shift_right_logical3A_363 {strides = array<i32>} : memref<2x80xi32, #tpu.memory_space<vmem>>, vector<16xi32>,
    %get3A_368 = arith.constant 112 : index
    %get3A_369 = tpu.vector_load %arg11[%get3A_368] {strides = array<i32>} : memref<20400xi32, #tpu.memory_space<vmem>>, vector<16xi32>,
    %and3A_370 = arith.constant 65535 : i32
    %and3A_371 = vector.broadcast %and3A_370 : i32 to vector<16xi32>
    %and3A_372 = arith.andi %get3A_369, %and3A_371 : vector<16xi32>
    %swap3A_373 = arith.constant 112 : index
    %swap3A_374 = tpu.vector_load %arg12[%swap3A_373] {strides = array<i32>} : memref<160xi32, #tpu.memory_space<vmem>>, vector<16xi32>,
    tpu.vector_store %arg12[%swap3A_373], %and3A_372 {strides = array<i32>} : memref<160xi32, #tpu.memory_space<vmem>>, vector<16xi32>,
    %shift_right_logical3A_375 = arith.constant 16 : i32
    %shift_right_logical3A_376 = vector.broadcast %shift_right_logical3A_375 : i32 to vector<16xi32>
    %shift_right_logical3A_377 = arith.shrui %get3A_369, %shift_right_logical3A_376 : vector<16xi32>
    %swap3A_378 = arith.constant 1 : i32
    %swap3A_379 = arith.index_cast %swap3A_378 : i32 to index
    %swap3A_380 = arith.constant 32 : index
    %swap3A_381 = tpu.vector_load %arg13[%swap3A_379, %swap3A_380] {strides = array<i32>} : memref<2x80xi32, #tpu.memory_space<vmem>>, vector<16xi32>,
    tpu.vector_store %arg13[%swap3A_379, %swap3A_380], %shift_right_logical3A_377 {strides = array<i32>} : memref<2x80xi32, #tpu.memory_space<vmem>>, vector<16xi32>,
    %get3A_382 = arith.constant 128 : index
    %get3A_383 = tpu.vector_load %arg11[%get3A_382] {strides = array<i32>} : memref<20400xi32, #tpu.memory_space<vmem>>, vector<16xi32>,
    %and3A_384 = arith.constant 65535 : i32
    %and3A_385 = vector.broadcast %and3A_384 : i32 to vector<16xi32>
    %and3A_386 = arith.andi %get3A_383, %and3A_385 : vector<16xi32>
    %swap3A_387 = arith.constant 128 : index
    %swap3A_388 = tpu.vector_load %arg12[%swap3A_387] {strides = array<i32>} : memref<160xi32, #tpu.memory_space<vmem>>, vector<16xi32>,
    tpu.vector_store %arg12[%swap3A_387], %and3A_386 {strides = array<i32>} : memref<160xi32, #tpu.memory_space<vmem>>, vector<16xi32>,
    %shift_right_logical3A_389 = arith.constant 16 : i32
    %shift_right_logical3A_390 = vector.broadcast %shift_right_logical3A_389 : i32 to vector<16xi32>
    %shift_right_logical3A_391 = arith.shrui %get3A_383, %shift_right_logical3A_390 : vector<16xi32>
    %swap3A_392 = arith.constant 1 : i32
    %swap3A_393 = arith.index_cast %swap3A_392 : i32 to index
    %swap3A_394 = arith.constant 48 : index
    %swap3A_395 = tpu.vector_load %arg13[%swap3A_393, %swap3A_394] {strides = array<i32>} : memref<2x80xi32, #tpu.memory_space<vmem>>, vector<16xi32>,
    tpu.vector_store %arg13[%swap3A_393, %swap3A_394], %shift_right_logical3A_391 {strides = array<i32>} : memref<2x80xi32, #tpu.memory_space<vmem>>, vector<16xi32>,
    %get3A_396 = arith.constant 144 : index
    %get3A_397 = tpu.vector_load %arg11[%get3A_396] {strides = array<i32>} : memref<20400xi32, #tpu.memory_space<vmem>>, vector<16xi32>,
    %and3A_398 = arith.constant 65535 : i32
    %and3A_399 = vector.broadcast %and3A_398 : i32 to vector<16xi32>
    %and3A_400 = arith.andi %get3A_397, %and3A_399 : vector<16xi32>
    %swap3A_401 = arith.constant 144 : index
    %swap3A_402 = tpu.vector_load %arg12[%swap3A_401] {strides = array<i32>} : memref<160xi32, #tpu.memory_space<vmem>>, vector<16xi32>,
    tpu.vector_store %arg12[%swap3A_401], %and3A_400 {strides = array<i32>} : memref<160xi32, #tpu.memory_space<vmem>>, vector<16xi32>,
    %shift_right_logical3A_403 = arith.constant 16 : i32
    %shift_right_logical3A_404 = vector.broadcast %shift_right_logical3A_403 : i32 to vector<16xi32>
    %shift_right_logical3A_405 = arith.shrui %get3A_397, %shift_right_logical3A_404 : vector<16xi32>
    %swap3A_406 = arith.constant 1 : i32
    %swap3A_407 = arith.index_cast %swap3A_406 : i32 to index
    %swap3A_408 = arith.constant 64 : index
    %swap3A_409 = tpu.vector_load %arg13[%swap3A_407, %swap3A_408] {strides = array<i32>} : memref<2x80xi32, #tpu.memory_space<vmem>>, vector<16xi32>,
    tpu.vector_store %arg13[%swap3A_407, %swap3A_408], %shift_right_logical3A_405 {strides = array<i32>} : memref<2x80xi32, #tpu.memory_space<vmem>>, vector<16xi32>,
    %dma_start3A_410 = arith.constant 1 : i32
    %dma_start3A_411 = arith.constant 0 : i32
    %dma_start3A_412 = arith.constant 0 : i32
    %dma_start3A_413 = tpu.memref_slice %arg16[%dma_start3A_410, %dma_start3A_411, %dma_start3A_412] : memref<2x80x128xf32, #tpu.memory_space<vmem>> -> memref<1x80x128xf32, #tpu.memory_space<vmem>>
    %dma_start3A_414 = tpu.memref_squeeze %dma_start3A_413 : memref<1x80x128xf32, #tpu.memory_space<vmem>> -> memref<80x128xf32, #tpu.memory_space<vmem>>
    %dma_start3A_415 = arith.constant 80 : i32
    %dma_start3A_416 = tpu.memref_slice %arg12[%dma_start3A_415] : memref<160xi32, #tpu.memory_space<vmem>> -> memref<80xi32, #tpu.memory_space<vmem>>
    %dma_start3A_417 = arith.constant 0 : i32
    %dma_start3A_418 = arith.constant 0 : i32
    %dma_start3A_419 = tpu.memref_slice %arg2[%dma_start3A_417, %dma_start3A_418] : memref<10000x128xf32, #tpu.memory_space<hbm>> -> memref<10000x128xf32, #tpu.memory_space<hbm>>
    tpu.enqueue_indirect_dma source(%dma_start3A_419 : memref<10000x128xf32, #tpu.memory_space<hbm>>) target(%dma_start3A_414 : memref<80x128xf32, #tpu.memory_space<vmem>>) offsets(%dma_start3A_416 : memref<80xi32, #tpu.memory_space<vmem>>) semaphore(%arg18 : memref<!tpu.dma_semaphore, #tpu.memory_space<semaphore_mem>>)
    %while3A = arith.constant 0 : i32
    %while3A_420 = arith.constant 0 : i32
    %while3A_421 = arith.subi %max3A_254, %while3A_420 : i32
    %while3A_422 = arith.addi %while3A_420, %while3A_421 : i32
    %while3A_423 = arith.constant 1 : i32
    %while3A_424 = arith.divsi %while3A_421, %while3A_423 : i32
    %while3A_425 = arith.muli %while3A_424, %while3A_423 : i32
    %while3A_426 = arith.addi %while3A_420, %while3A_425 : i32
    %while3A_427 = arith.constant 1 : i32
    scf.for %while3A_432 = %while3A_420 to %while3A_426 step %while3A_427  : i32 {
      %mul3A_433 = arith.constant 2 : i32
      %mul3A_434 = arith.muli %while3A_432, %mul3A_433 : i32
      %add3A_435 = arith.constant 0 : i32
      %add3A_436 = arith.addi %mul3A_434, %add3A_435 : i32
      %dma_wait3A_437 = arith.constant 0 : i32
      %dma_wait3A_438 = arith.constant 0 : i32
      %dma_wait3A_439 = arith.constant 0 : i32
      %dma_wait3A_440 = tpu.memref_slice %arg16[%dma_wait3A_437, %dma_wait3A_438, %dma_wait3A_439] : memref<2x80x128xf32, #tpu.memory_space<vmem>> -> memref<1x80x128xf32, #tpu.memory_space<vmem>>
      %dma_wait3A_441 = tpu.memref_squeeze %dma_wait3A_440 : memref<1x80x128xf32, #tpu.memory_space<vmem>> -> memref<80x128xf32, #tpu.memory_space<vmem>>
      %dma_wait3A_442 = arith.constant 0 : i32
      %dma_wait3A_443 = tpu.memref_slice %arg12[%dma_wait3A_442] : memref<160xi32, #tpu.memory_space<vmem>> -> memref<80xi32, #tpu.memory_space<vmem>>
      %dma_wait3A_444 = arith.constant 0 : i32
      %dma_wait3A_445 = arith.constant 0 : i32
      %dma_wait3A_446 = tpu.memref_slice %arg2[%dma_wait3A_444, %dma_wait3A_445] : memref<10000x128xf32, #tpu.memory_space<hbm>> -> memref<10000x128xf32, #tpu.memory_space<hbm>>
      tpu.wait_indirect_dma semaphore(%arg18 : memref<!tpu.dma_semaphore, #tpu.memory_space<semaphore_mem>>) src(%dma_wait3A_446 : memref<10000x128xf32, #tpu.memory_space<hbm>>) dst(%dma_wait3A_441 : memref<80x128xf32, #tpu.memory_space<vmem>>)
      %run_scoped3A = arith.constant 0 : i32
      %run_scoped3A_447 = arith.constant 0 : i32
      "tpu.region"() ({
        %run_scoped3A_661 = tpu.sem_alloc : memref<!tpu.dma_semaphore, #tpu.memory_space<semaphore_mem>>
        %dma_start3A_662 = arith.constant 0 : i32
        %dma_start3A_663 = arith.constant 0 : i32
        %dma_start3A_664 = tpu.memref_slice %arg16[%run_scoped3A, %dma_start3A_662, %dma_start3A_663] : memref<2x80x128xf32, #tpu.memory_space<vmem>> -> memref<1x80x128xf32, #tpu.memory_space<vmem>>
        %dma_start3A_665 = tpu.memref_squeeze %dma_start3A_664 : memref<1x80x128xf32, #tpu.memory_space<vmem>> -> memref<80x128xf32, #tpu.memory_space<vmem>>
        %dma_start3A_666 = arith.constant 0 : i32
        %dma_start3A_667 = tpu.memref_slice %arg13[%run_scoped3A_447, %dma_start3A_666] : memref<2x80xi32, #tpu.memory_space<vmem>> -> memref<1x80xi32, #tpu.memory_space<vmem>>
        %dma_start3A_668 = tpu.memref_squeeze %dma_start3A_667 : memref<1x80xi32, #tpu.memory_space<vmem>> -> memref<80xi32, #tpu.memory_space<vmem>>
        %dma_start3A_669 = arith.constant 0 : i32
        %dma_start3A_670 = arith.constant 0 : i32
        %dma_start3A_671 = tpu.memref_slice %arg17[%dma_start3A_669, %dma_start3A_670] : memref<5128x128xf32, #tpu.memory_space<vmem_shared>> -> memref<5128x128xf32, #tpu.memory_space<vmem_shared>>
        tpu.enqueue_indirect_dma source(%dma_start3A_665 : memref<80x128xf32, #tpu.memory_space<vmem>>) target(%dma_start3A_671 : memref<5128x128xf32, #tpu.memory_space<vmem_shared>>) offsets(%dma_start3A_668 : memref<80xi32, #tpu.memory_space<vmem>>) semaphore(%run_scoped3A_661 : memref<!tpu.dma_semaphore, #tpu.memory_space<semaphore_mem>>) {add = true}
        %dma_wait3A_672 = arith.constant 0 : i32
        %dma_wait3A_673 = arith.constant 0 : i32
        %dma_wait3A_674 = tpu.memref_slice %arg16[%run_scoped3A, %dma_wait3A_672, %dma_wait3A_673] : memref<2x80x128xf32, #tpu.memory_space<vmem>> -> memref<1x80x128xf32, #tpu.memory_space<vmem>>
        %dma_wait3A_675 = tpu.memref_squeeze %dma_wait3A_674 : memref<1x80x128xf32, #tpu.memory_space<vmem>> -> memref<80x128xf32, #tpu.memory_space<vmem>>
        %dma_wait3A_676 = arith.constant 0 : i32
        %dma_wait3A_677 = tpu.memref_slice %arg13[%run_scoped3A_447, %dma_wait3A_676] : memref<2x80xi32, #tpu.memory_space<vmem>> -> memref<1x80xi32, #tpu.memory_space<vmem>>
        %dma_wait3A_678 = tpu.memref_squeeze %dma_wait3A_677 : memref<1x80xi32, #tpu.memory_space<vmem>> -> memref<80xi32, #tpu.memory_space<vmem>>
        %dma_wait3A_679 = arith.constant 0 : i32
        %dma_wait3A_680 = arith.constant 0 : i32
        %dma_wait3A_681 = tpu.memref_slice %arg17[%dma_wait3A_679, %dma_wait3A_680] : memref<5128x128xf32, #tpu.memory_space<vmem_shared>> -> memref<5128x128xf32, #tpu.memory_space<vmem_shared>>
        tpu.wait_indirect_dma semaphore(%run_scoped3A_661 : memref<!tpu.dma_semaphore, #tpu.memory_space<semaphore_mem>>) src(%dma_wait3A_675 : memref<80x128xf32, #tpu.memory_space<vmem>>) dst(%dma_wait3A_681 : memref<5128x128xf32, #tpu.memory_space<vmem_shared>>)
        tpu.yield
      }) : () -> ()
      %add3A_448 = arith.constant 2 : i32
      %add3A_449 = arith.addi %add3A_436, %add3A_448 : i32
      %mul3A_450 = arith.constant 80 : i32
      %mul3A_451 = arith.muli %add3A_449, %mul3A_450 : i32
      %add3A_452 = arith.constant 0 : i32
      %add3A_453 = arith.addi %mul3A_451, %add3A_452 : i32
      %get3A_454 = arith.index_cast %add3A_453 : i32 to index
      %get3A_455 = tpu.vector_load %arg11[%get3A_454] {strides = array<i32>} : memref<20400xi32, #tpu.memory_space<vmem>>, vector<16xi32>,
      %and3A_456 = arith.constant 65535 : i32
      %and3A_457 = vector.broadcast %and3A_456 : i32 to vector<16xi32>
      %and3A_458 = arith.andi %get3A_455, %and3A_457 : vector<16xi32>
      %swap3A_459 = arith.constant 0 : index
      %swap3A_460 = tpu.vector_load %arg12[%swap3A_459] {strides = array<i32>} : memref<160xi32, #tpu.memory_space<vmem>>, vector<16xi32>,
      tpu.vector_store %arg12[%swap3A_459], %and3A_458 {strides = array<i32>} : memref<160xi32, #tpu.memory_space<vmem>>, vector<16xi32>,
      %shift_right_logical3A_461 = arith.constant 16 : i32
      %shift_right_logical3A_462 = vector.broadcast %shift_right_logical3A_461 : i32 to vector<16xi32>
      %shift_right_logical3A_463 = arith.shrui %get3A_455, %shift_right_logical3A_462 : vector<16xi32>
      %swap3A_464 = arith.constant 0 : i32
      %swap3A_465 = arith.index_cast %swap3A_464 : i32 to index
      %swap3A_466 = arith.constant 0 : index
      %swap3A_467 = tpu.vector_load %arg13[%swap3A_465, %swap3A_466] {strides = array<i32>} : memref<2x80xi32, #tpu.memory_space<vmem>>, vector<16xi32>,
      tpu.vector_store %arg13[%swap3A_465, %swap3A_466], %shift_right_logical3A_463 {strides = array<i32>} : memref<2x80xi32, #tpu.memory_space<vmem>>, vector<16xi32>,
      %mul3A_468 = arith.constant 80 : i32
      %mul3A_469 = arith.muli %add3A_449, %mul3A_468 : i32
      %add3A_470 = arith.constant 16 : i32
      %add3A_471 = arith.addi %mul3A_469, %add3A_470 : i32
      %get3A_472 = arith.index_cast %add3A_471 : i32 to index
      %get3A_473 = tpu.vector_load %arg11[%get3A_472] {strides = array<i32>} : memref<20400xi32, #tpu.memory_space<vmem>>, vector<16xi32>,
      %and3A_474 = arith.constant 65535 : i32
      %and3A_475 = vector.broadcast %and3A_474 : i32 to vector<16xi32>
      %and3A_476 = arith.andi %get3A_473, %and3A_475 : vector<16xi32>
      %swap3A_477 = arith.constant 16 : index
      %swap3A_478 = tpu.vector_load %arg12[%swap3A_477] {strides = array<i32>} : memref<160xi32, #tpu.memory_space<vmem>>, vector<16xi32>,
      tpu.vector_store %arg12[%swap3A_477], %and3A_476 {strides = array<i32>} : memref<160xi32, #tpu.memory_space<vmem>>, vector<16xi32>,
      %shift_right_logical3A_479 = arith.constant 16 : i32
      %shift_right_logical3A_480 = vector.broadcast %shift_right_logical3A_479 : i32 to vector<16xi32>
      %shift_right_logical3A_481 = arith.shrui %get3A_473, %shift_right_logical3A_480 : vector<16xi32>
      %swap3A_482 = arith.constant 0 : i32
      %swap3A_483 = arith.index_cast %swap3A_482 : i32 to index
      %swap3A_484 = arith.constant 16 : index
      %swap3A_485 = tpu.vector_load %arg13[%swap3A_483, %swap3A_484] {strides = array<i32>} : memref<2x80xi32, #tpu.memory_space<vmem>>, vector<16xi32>,
      tpu.vector_store %arg13[%swap3A_483, %swap3A_484], %shift_right_logical3A_481 {strides = array<i32>} : memref<2x80xi32, #tpu.memory_space<vmem>>, vector<16xi32>,
      %mul3A_486 = arith.constant 80 : i32
      %mul3A_487 = arith.muli %add3A_449, %mul3A_486 : i32
      %add3A_488 = arith.constant 32 : i32
      %add3A_489 = arith.addi %mul3A_487, %add3A_488 : i32
      %get3A_490 = arith.index_cast %add3A_489 : i32 to index
      %get3A_491 = tpu.vector_load %arg11[%get3A_490] {strides = array<i32>} : memref<20400xi32, #tpu.memory_space<vmem>>, vector<16xi32>,
      %and3A_492 = arith.constant 65535 : i32
      %and3A_493 = vector.broadcast %and3A_492 : i32 to vector<16xi32>
      %and3A_494 = arith.andi %get3A_491, %and3A_493 : vector<16xi32>
      %swap3A_495 = arith.constant 32 : index
      %swap3A_496 = tpu.vector_load %arg12[%swap3A_495] {strides = array<i32>} : memref<160xi32, #tpu.memory_space<vmem>>, vector<16xi32>,
      tpu.vector_store %arg12[%swap3A_495], %and3A_494 {strides = array<i32>} : memref<160xi32, #tpu.memory_space<vmem>>, vector<16xi32>,
      %shift_right_logical3A_497 = arith.constant 16 : i32
      %shift_right_logical3A_498 = vector.broadcast %shift_right_logical3A_497 : i32 to vector<16xi32>
      %shift_right_logical3A_499 = arith.shrui %get3A_491, %shift_right_logical3A_498 : vector<16xi32>
      %swap3A_500 = arith.constant 0 : i32
      %swap3A_501 = arith.index_cast %swap3A_500 : i32 to index
      %swap3A_502 = arith.constant 32 : index
      %swap3A_503 = tpu.vector_load %arg13[%swap3A_501, %swap3A_502] {strides = array<i32>} : memref<2x80xi32, #tpu.memory_space<vmem>>, vector<16xi32>,
      tpu.vector_store %arg13[%swap3A_501, %swap3A_502], %shift_right_logical3A_499 {strides = array<i32>} : memref<2x80xi32, #tpu.memory_space<vmem>>, vector<16xi32>,
      %mul3A_504 = arith.constant 80 : i32
      %mul3A_505 = arith.muli %add3A_449, %mul3A_504 : i32
      %add3A_506 = arith.constant 48 : i32
      %add3A_507 = arith.addi %mul3A_505, %add3A_506 : i32
      %get3A_508 = arith.index_cast %add3A_507 : i32 to index
      %get3A_509 = tpu.vector_load %arg11[%get3A_508] {strides = array<i32>} : memref<20400xi32, #tpu.memory_space<vmem>>, vector<16xi32>,
      %and3A_510 = arith.constant 65535 : i32
      %and3A_511 = vector.broadcast %and3A_510 : i32 to vector<16xi32>
      %and3A_512 = arith.andi %get3A_509, %and3A_511 : vector<16xi32>
      %swap3A_513 = arith.constant 48 : index
      %swap3A_514 = tpu.vector_load %arg12[%swap3A_513] {strides = array<i32>} : memref<160xi32, #tpu.memory_space<vmem>>, vector<16xi32>,
      tpu.vector_store %arg12[%swap3A_513], %and3A_512 {strides = array<i32>} : memref<160xi32, #tpu.memory_space<vmem>>, vector<16xi32>,
      %shift_right_logical3A_515 = arith.constant 16 : i32
      %shift_right_logical3A_516 = vector.broadcast %shift_right_logical3A_515 : i32 to vector<16xi32>
      %shift_right_logical3A_517 = arith.shrui %get3A_509, %shift_right_logical3A_516 : vector<16xi32>
      %swap3A_518 = arith.constant 0 : i32
      %swap3A_519 = arith.index_cast %swap3A_518 : i32 to index
      %swap3A_520 = arith.constant 48 : index
      %swap3A_521 = tpu.vector_load %arg13[%swap3A_519, %swap3A_520] {strides = array<i32>} : memref<2x80xi32, #tpu.memory_space<vmem>>, vector<16xi32>,
      tpu.vector_store %arg13[%swap3A_519, %swap3A_520], %shift_right_logical3A_517 {strides = array<i32>} : memref<2x80xi32, #tpu.memory_space<vmem>>, vector<16xi32>,
      %mul3A_522 = arith.constant 80 : i32
      %mul3A_523 = arith.muli %add3A_449, %mul3A_522 : i32
      %add3A_524 = arith.constant 64 : i32
      %add3A_525 = arith.addi %mul3A_523, %add3A_524 : i32
      %get3A_526 = arith.index_cast %add3A_525 : i32 to index
      %get3A_527 = tpu.vector_load %arg11[%get3A_526] {strides = array<i32>} : memref<20400xi32, #tpu.memory_space<vmem>>, vector<16xi32>,
      %and3A_528 = arith.constant 65535 : i32
      %and3A_529 = vector.broadcast %and3A_528 : i32 to vector<16xi32>
      %and3A_530 = arith.andi %get3A_527, %and3A_529 : vector<16xi32>
      %swap3A_531 = arith.constant 64 : index
      %swap3A_532 = tpu.vector_load %arg12[%swap3A_531] {strides = array<i32>} : memref<160xi32, #tpu.memory_space<vmem>>, vector<16xi32>,
      tpu.vector_store %arg12[%swap3A_531], %and3A_530 {strides = array<i32>} : memref<160xi32, #tpu.memory_space<vmem>>, vector<16xi32>,
      %shift_right_logical3A_533 = arith.constant 16 : i32
      %shift_right_logical3A_534 = vector.broadcast %shift_right_logical3A_533 : i32 to vector<16xi32>
      %shift_right_logical3A_535 = arith.shrui %get3A_527, %shift_right_logical3A_534 : vector<16xi32>
      %swap3A_536 = arith.constant 0 : i32
      %swap3A_537 = arith.index_cast %swap3A_536 : i32 to index
      %swap3A_538 = arith.constant 64 : index
      %swap3A_539 = tpu.vector_load %arg13[%swap3A_537, %swap3A_538] {strides = array<i32>} : memref<2x80xi32, #tpu.memory_space<vmem>>, vector<16xi32>,
      tpu.vector_store %arg13[%swap3A_537, %swap3A_538], %shift_right_logical3A_535 {strides = array<i32>} : memref<2x80xi32, #tpu.memory_space<vmem>>, vector<16xi32>,
      %add3A_540 = arith.constant 2 : i32
      %add3A_541 = arith.addi %add3A_436, %add3A_540 : i32
      %mul3A_542 = arith.constant 2 : i32
      %mul3A_543 = arith.muli %max3A_254, %mul3A_542 : i32
      %lt3A = arith.cmpi slt, %add3A_541, %mul3A_543 : i32
      %convert_element_type3A = arith.extui %lt3A : i1 to i32
      %cond3A = arith.constant 0 : i32
      %cond3A_544 = arith.cmpi ne, %convert_element_type3A, %cond3A : i32
      scf.if %cond3A_544 {
        %dma_start3A_661 = arith.constant 0 : i32
        %dma_start3A_662 = arith.constant 0 : i32
        %dma_start3A_663 = arith.constant 0 : i32
        %dma_start3A_664 = tpu.memref_slice %arg16[%dma_start3A_661, %dma_start3A_662, %dma_start3A_663] : memref<2x80x128xf32, #tpu.memory_space<vmem>> -> memref<1x80x128xf32, #tpu.memory_space<vmem>>
        %dma_start3A_665 = tpu.memref_squeeze %dma_start3A_664 : memref<1x80x128xf32, #tpu.memory_space<vmem>> -> memref<80x128xf32, #tpu.memory_space<vmem>>
        %dma_start3A_666 = arith.constant 0 : i32
        %dma_start3A_667 = tpu.memref_slice %arg12[%dma_start3A_666] : memref<160xi32, #tpu.memory_space<vmem>> -> memref<80xi32, #tpu.memory_space<vmem>>
        %dma_start3A_668 = arith.constant 0 : i32
        %dma_start3A_669 = arith.constant 0 : i32
        %dma_start3A_670 = tpu.memref_slice %arg2[%dma_start3A_668, %dma_start3A_669] : memref<10000x128xf32, #tpu.memory_space<hbm>> -> memref<10000x128xf32, #tpu.memory_space<hbm>>
        tpu.enqueue_indirect_dma source(%dma_start3A_670 : memref<10000x128xf32, #tpu.memory_space<hbm>>) target(%dma_start3A_665 : memref<80x128xf32, #tpu.memory_space<vmem>>) offsets(%dma_start3A_667 : memref<80xi32, #tpu.memory_space<vmem>>) semaphore(%arg18 : memref<!tpu.dma_semaphore, #tpu.memory_space<semaphore_mem>>)
      } else {
      }
      %mul3A_545 = arith.constant 2 : i32
      %mul3A_546 = arith.muli %while3A_432, %mul3A_545 : i32
      %add3A_547 = arith.constant 1 : i32
      %add3A_548 = arith.addi %mul3A_546, %add3A_547 : i32
      %dma_wait3A_549 = arith.constant 1 : i32
      %dma_wait3A_550 = arith.constant 0 : i32
      %dma_wait3A_551 = arith.constant 0 : i32
      %dma_wait3A_552 = tpu.memref_slice %arg16[%dma_wait3A_549, %dma_wait3A_550, %dma_wait3A_551] : memref<2x80x128xf32, #tpu.memory_space<vmem>> -> memref<1x80x128xf32, #tpu.memory_space<vmem>>
      %dma_wait3A_553 = tpu.memref_squeeze %dma_wait3A_552 : memref<1x80x128xf32, #tpu.memory_space<vmem>> -> memref<80x128xf32, #tpu.memory_space<vmem>>
      %dma_wait3A_554 = arith.constant 80 : i32
      %dma_wait3A_555 = tpu.memref_slice %arg12[%dma_wait3A_554] : memref<160xi32, #tpu.memory_space<vmem>> -> memref<80xi32, #tpu.memory_space<vmem>>
      %dma_wait3A_556 = arith.constant 0 : i32
      %dma_wait3A_557 = arith.constant 0 : i32
      %dma_wait3A_558 = tpu.memref_slice %arg2[%dma_wait3A_556, %dma_wait3A_557] : memref<10000x128xf32, #tpu.memory_space<hbm>> -> memref<10000x128xf32, #tpu.memory_space<hbm>>
      tpu.wait_indirect_dma semaphore(%arg18 : memref<!tpu.dma_semaphore, #tpu.memory_space<semaphore_mem>>) src(%dma_wait3A_558 : memref<10000x128xf32, #tpu.memory_space<hbm>>) dst(%dma_wait3A_553 : memref<80x128xf32, #tpu.memory_space<vmem>>)
      %run_scoped3A_559 = arith.constant 1 : i32
      %run_scoped3A_560 = arith.constant 1 : i32
      "tpu.region"() ({
        %run_scoped3A_661 = tpu.sem_alloc : memref<!tpu.dma_semaphore, #tpu.memory_space<semaphore_mem>>
        %dma_start3A_662 = arith.constant 0 : i32
        %dma_start3A_663 = arith.constant 0 : i32
        %dma_start3A_664 = tpu.memref_slice %arg16[%run_scoped3A_559, %dma_start3A_662, %dma_start3A_663] : memref<2x80x128xf32, #tpu.memory_space<vmem>> -> memref<1x80x128xf32, #tpu.memory_space<vmem>>
        %dma_start3A_665 = tpu.memref_squeeze %dma_start3A_664 : memref<1x80x128xf32, #tpu.memory_space<vmem>> -> memref<80x128xf32, #tpu.memory_space<vmem>>
        %dma_start3A_666 = arith.constant 0 : i32
        %dma_start3A_667 = tpu.memref_slice %arg13[%run_scoped3A_560, %dma_start3A_666] : memref<2x80xi32, #tpu.memory_space<vmem>> -> memref<1x80xi32, #tpu.memory_space<vmem>>
        %dma_start3A_668 = tpu.memref_squeeze %dma_start3A_667 : memref<1x80xi32, #tpu.memory_space<vmem>> -> memref<80xi32, #tpu.memory_space<vmem>>
        %dma_start3A_669 = arith.constant 0 : i32
        %dma_start3A_670 = arith.constant 0 : i32
        %dma_start3A_671 = tpu.memref_slice %arg17[%dma_start3A_669, %dma_start3A_670] : memref<5128x128xf32, #tpu.memory_space<vmem_shared>> -> memref<5128x128xf32, #tpu.memory_space<vmem_shared>>
        tpu.enqueue_indirect_dma source(%dma_start3A_665 : memref<80x128xf32, #tpu.memory_space<vmem>>) target(%dma_start3A_671 : memref<5128x128xf32, #tpu.memory_space<vmem_shared>>) offsets(%dma_start3A_668 : memref<80xi32, #tpu.memory_space<vmem>>) semaphore(%run_scoped3A_661 : memref<!tpu.dma_semaphore, #tpu.memory_space<semaphore_mem>>) {add = true}
        %dma_wait3A_672 = arith.constant 0 : i32
        %dma_wait3A_673 = arith.constant 0 : i32
        %dma_wait3A_674 = tpu.memref_slice %arg16[%run_scoped3A_559, %dma_wait3A_672, %dma_wait3A_673] : memref<2x80x128xf32, #tpu.memory_space<vmem>> -> memref<1x80x128xf32, #tpu.memory_space<vmem>>
        %dma_wait3A_675 = tpu.memref_squeeze %dma_wait3A_674 : memref<1x80x128xf32, #tpu.memory_space<vmem>> -> memref<80x128xf32, #tpu.memory_space<vmem>>
        %dma_wait3A_676 = arith.constant 0 : i32
        %dma_wait3A_677 = tpu.memref_slice %arg13[%run_scoped3A_560, %dma_wait3A_676] : memref<2x80xi32, #tpu.memory_space<vmem>> -> memref<1x80xi32, #tpu.memory_space<vmem>>
        %dma_wait3A_678 = tpu.memref_squeeze %dma_wait3A_677 : memref<1x80xi32, #tpu.memory_space<vmem>> -> memref<80xi32, #tpu.memory_space<vmem>>
        %dma_wait3A_679 = arith.constant 0 : i32
        %dma_wait3A_680 = arith.constant 0 : i32
        %dma_wait3A_681 = tpu.memref_slice %arg17[%dma_wait3A_679, %dma_wait3A_680] : memref<5128x128xf32, #tpu.memory_space<vmem_shared>> -> memref<5128x128xf32, #tpu.memory_space<vmem_shared>>
        tpu.wait_indirect_dma semaphore(%run_scoped3A_661 : memref<!tpu.dma_semaphore, #tpu.memory_space<semaphore_mem>>) src(%dma_wait3A_675 : memref<80x128xf32, #tpu.memory_space<vmem>>) dst(%dma_wait3A_681 : memref<5128x128xf32, #tpu.memory_space<vmem_shared>>)
        tpu.yield
      }) : () -> ()
      %add3A_561 = arith.constant 2 : i32
      %add3A_562 = arith.addi %add3A_548, %add3A_561 : i32
      %mul3A_563 = arith.constant 80 : i32
      %mul3A_564 = arith.muli %add3A_562, %mul3A_563 : i32
      %add3A_565 = arith.constant 0 : i32
      %add3A_566 = arith.addi %mul3A_564, %add3A_565 : i32
      %get3A_567 = arith.index_cast %add3A_566 : i32 to index
      %get3A_568 = tpu.vector_load %arg11[%get3A_567] {strides = array<i32>} : memref<20400xi32, #tpu.memory_space<vmem>>, vector<16xi32>,
      %and3A_569 = arith.constant 65535 : i32
      %and3A_570 = vector.broadcast %and3A_569 : i32 to vector<16xi32>
      %and3A_571 = arith.andi %get3A_568, %and3A_570 : vector<16xi32>
      %swap3A_572 = arith.constant 80 : index
      %swap3A_573 = tpu.vector_load %arg12[%swap3A_572] {strides = array<i32>} : memref<160xi32, #tpu.memory_space<vmem>>, vector<16xi32>,
      tpu.vector_store %arg12[%swap3A_572], %and3A_571 {strides = array<i32>} : memref<160xi32, #tpu.memory_space<vmem>>, vector<16xi32>,
      %shift_right_logical3A_574 = arith.constant 16 : i32
      %shift_right_logical3A_575 = vector.broadcast %shift_right_logical3A_574 : i32 to vector<16xi32>
      %shift_right_logical3A_576 = arith.shrui %get3A_568, %shift_right_logical3A_575 : vector<16xi32>
      %swap3A_577 = arith.constant 1 : i32
      %swap3A_578 = arith.index_cast %swap3A_577 : i32 to index
      %swap3A_579 = arith.constant 0 : index
      %swap3A_580 = tpu.vector_load %arg13[%swap3A_578, %swap3A_579] {strides = array<i32>} : memref<2x80xi32, #tpu.memory_space<vmem>>, vector<16xi32>,
      tpu.vector_store %arg13[%swap3A_578, %swap3A_579], %shift_right_logical3A_576 {strides = array<i32>} : memref<2x80xi32, #tpu.memory_space<vmem>>, vector<16xi32>,
      %mul3A_581 = arith.constant 80 : i32
      %mul3A_582 = arith.muli %add3A_562, %mul3A_581 : i32
      %add3A_583 = arith.constant 16 : i32
      %add3A_584 = arith.addi %mul3A_582, %add3A_583 : i32
      %get3A_585 = arith.index_cast %add3A_584 : i32 to index
      %get3A_586 = tpu.vector_load %arg11[%get3A_585] {strides = array<i32>} : memref<20400xi32, #tpu.memory_space<vmem>>, vector<16xi32>,
      %and3A_587 = arith.constant 65535 : i32
      %and3A_588 = vector.broadcast %and3A_587 : i32 to vector<16xi32>
      %and3A_589 = arith.andi %get3A_586, %and3A_588 : vector<16xi32>
      %swap3A_590 = arith.constant 96 : index
      %swap3A_591 = tpu.vector_load %arg12[%swap3A_590] {strides = array<i32>} : memref<160xi32, #tpu.memory_space<vmem>>, vector<16xi32>,
      tpu.vector_store %arg12[%swap3A_590], %and3A_589 {strides = array<i32>} : memref<160xi32, #tpu.memory_space<vmem>>, vector<16xi32>,
      %shift_right_logical3A_592 = arith.constant 16 : i32
      %shift_right_logical3A_593 = vector.broadcast %shift_right_logical3A_592 : i32 to vector<16xi32>
      %shift_right_logical3A_594 = arith.shrui %get3A_586, %shift_right_logical3A_593 : vector<16xi32>
      %swap3A_595 = arith.constant 1 : i32
      %swap3A_596 = arith.index_cast %swap3A_595 : i32 to index
      %swap3A_597 = arith.constant 16 : index
      %swap3A_598 = tpu.vector_load %arg13[%swap3A_596, %swap3A_597] {strides = array<i32>} : memref<2x80xi32, #tpu.memory_space<vmem>>, vector<16xi32>,
      tpu.vector_store %arg13[%swap3A_596, %swap3A_597], %shift_right_logical3A_594 {strides = array<i32>} : memref<2x80xi32, #tpu.memory_space<vmem>>, vector<16xi32>,
      %mul3A_599 = arith.constant 80 : i32
      %mul3A_600 = arith.muli %add3A_562, %mul3A_599 : i32
      %add3A_601 = arith.constant 32 : i32
      %add3A_602 = arith.addi %mul3A_600, %add3A_601 : i32
      %get3A_603 = arith.index_cast %add3A_602 : i32 to index
      %get3A_604 = tpu.vector_load %arg11[%get3A_603] {strides = array<i32>} : memref<20400xi32, #tpu.memory_space<vmem>>, vector<16xi32>,
      %and3A_605 = arith.constant 65535 : i32
      %and3A_606 = vector.broadcast %and3A_605 : i32 to vector<16xi32>
      %and3A_607 = arith.andi %get3A_604, %and3A_606 : vector<16xi32>
      %swap3A_608 = arith.constant 112 : index
      %swap3A_609 = tpu.vector_load %arg12[%swap3A_608] {strides = array<i32>} : memref<160xi32, #tpu.memory_space<vmem>>, vector<16xi32>,
      tpu.vector_store %arg12[%swap3A_608], %and3A_607 {strides = array<i32>} : memref<160xi32, #tpu.memory_space<vmem>>, vector<16xi32>,
      %shift_right_logical3A_610 = arith.constant 16 : i32
      %shift_right_logical3A_611 = vector.broadcast %shift_right_logical3A_610 : i32 to vector<16xi32>
      %shift_right_logical3A_612 = arith.shrui %get3A_604, %shift_right_logical3A_611 : vector<16xi32>
      %swap3A_613 = arith.constant 1 : i32
      %swap3A_614 = arith.index_cast %swap3A_613 : i32 to index
      %swap3A_615 = arith.constant 32 : index
      %swap3A_616 = tpu.vector_load %arg13[%swap3A_614, %swap3A_615] {strides = array<i32>} : memref<2x80xi32, #tpu.memory_space<vmem>>, vector<16xi32>,
      tpu.vector_store %arg13[%swap3A_614, %swap3A_615], %shift_right_logical3A_612 {strides = array<i32>} : memref<2x80xi32, #tpu.memory_space<vmem>>, vector<16xi32>,
      %mul3A_617 = arith.constant 80 : i32
      %mul3A_618 = arith.muli %add3A_562, %mul3A_617 : i32
      %add3A_619 = arith.constant 48 : i32
      %add3A_620 = arith.addi %mul3A_618, %add3A_619 : i32
      %get3A_621 = arith.index_cast %add3A_620 : i32 to index
      %get3A_622 = tpu.vector_load %arg11[%get3A_621] {strides = array<i32>} : memref<20400xi32, #tpu.memory_space<vmem>>, vector<16xi32>,
      %and3A_623 = arith.constant 65535 : i32
      %and3A_624 = vector.broadcast %and3A_623 : i32 to vector<16xi32>
      %and3A_625 = arith.andi %get3A_622, %and3A_624 : vector<16xi32>
      %swap3A_626 = arith.constant 128 : index
      %swap3A_627 = tpu.vector_load %arg12[%swap3A_626] {strides = array<i32>} : memref<160xi32, #tpu.memory_space<vmem>>, vector<16xi32>,
      tpu.vector_store %arg12[%swap3A_626], %and3A_625 {strides = array<i32>} : memref<160xi32, #tpu.memory_space<vmem>>, vector<16xi32>,
      %shift_right_logical3A_628 = arith.constant 16 : i32
      %shift_right_logical3A_629 = vector.broadcast %shift_right_logical3A_628 : i32 to vector<16xi32>
      %shift_right_logical3A_630 = arith.shrui %get3A_622, %shift_right_logical3A_629 : vector<16xi32>
      %swap3A_631 = arith.constant 1 : i32
      %swap3A_632 = arith.index_cast %swap3A_631 : i32 to index
      %swap3A_633 = arith.constant 48 : index
      %swap3A_634 = tpu.vector_load %arg13[%swap3A_632, %swap3A_633] {strides = array<i32>} : memref<2x80xi32, #tpu.memory_space<vmem>>, vector<16xi32>,
      tpu.vector_store %arg13[%swap3A_632, %swap3A_633], %shift_right_logical3A_630 {strides = array<i32>} : memref<2x80xi32, #tpu.memory_space<vmem>>, vector<16xi32>,
      %mul3A_635 = arith.constant 80 : i32
      %mul3A_636 = arith.muli %add3A_562, %mul3A_635 : i32
      %add3A_637 = arith.constant 64 : i32
      %add3A_638 = arith.addi %mul3A_636, %add3A_637 : i32
      %get3A_639 = arith.index_cast %add3A_638 : i32 to index
      %get3A_640 = tpu.vector_load %arg11[%get3A_639] {strides = array<i32>} : memref<20400xi32, #tpu.memory_space<vmem>>, vector<16xi32>,
      %and3A_641 = arith.constant 65535 : i32
      %and3A_642 = vector.broadcast %and3A_641 : i32 to vector<16xi32>
      %and3A_643 = arith.andi %get3A_640, %and3A_642 : vector<16xi32>
      %swap3A_644 = arith.constant 144 : index
      %swap3A_645 = tpu.vector_load %arg12[%swap3A_644] {strides = array<i32>} : memref<160xi32, #tpu.memory_space<vmem>>, vector<16xi32>,
      tpu.vector_store %arg12[%swap3A_644], %and3A_643 {strides = array<i32>} : memref<160xi32, #tpu.memory_space<vmem>>, vector<16xi32>,
      %shift_right_logical3A_646 = arith.constant 16 : i32
      %shift_right_logical3A_647 = vector.broadcast %shift_right_logical3A_646 : i32 to vector<16xi32>
      %shift_right_logical3A_648 = arith.shrui %get3A_640, %shift_right_logical3A_647 : vector<16xi32>
      %swap3A_649 = arith.constant 1 : i32
      %swap3A_650 = arith.index_cast %swap3A_649 : i32 to index
      %swap3A_651 = arith.constant 64 : index
      %swap3A_652 = tpu.vector_load %arg13[%swap3A_650, %swap3A_651] {strides = array<i32>} : memref<2x80xi32, #tpu.memory_space<vmem>>, vector<16xi32>,
      tpu.vector_store %arg13[%swap3A_650, %swap3A_651], %shift_right_logical3A_648 {strides = array<i32>} : memref<2x80xi32, #tpu.memory_space<vmem>>, vector<16xi32>,
      %add3A_653 = arith.constant 2 : i32
      %add3A_654 = arith.addi %add3A_548, %add3A_653 : i32
      %mul3A_655 = arith.constant 2 : i32
      %mul3A_656 = arith.muli %max3A_254, %mul3A_655 : i32
      %lt3A_657 = arith.cmpi slt, %add3A_654, %mul3A_656 : i32
      %convert_element_type3A_658 = arith.extui %lt3A_657 : i1 to i32
      %cond3A_659 = arith.constant 0 : i32
      %cond3A_660 = arith.cmpi ne, %convert_element_type3A_658, %cond3A_659 : i32
      scf.if %cond3A_660 {
        %dma_start3A_661 = arith.constant 1 : i32
        %dma_start3A_662 = arith.constant 0 : i32
        %dma_start3A_663 = arith.constant 0 : i32
        %dma_start3A_664 = tpu.memref_slice %arg16[%dma_start3A_661, %dma_start3A_662, %dma_start3A_663] : memref<2x80x128xf32, #tpu.memory_space<vmem>> -> memref<1x80x128xf32, #tpu.memory_space<vmem>>
        %dma_start3A_665 = tpu.memref_squeeze %dma_start3A_664 : memref<1x80x128xf32, #tpu.memory_space<vmem>> -> memref<80x128xf32, #tpu.memory_space<vmem>>
        %dma_start3A_666 = arith.constant 80 : i32
        %dma_start3A_667 = tpu.memref_slice %arg12[%dma_start3A_666] : memref<160xi32, #tpu.memory_space<vmem>> -> memref<80xi32, #tpu.memory_space<vmem>>
        %dma_start3A_668 = arith.constant 0 : i32
        %dma_start3A_669 = arith.constant 0 : i32
        %dma_start3A_670 = tpu.memref_slice %arg2[%dma_start3A_668, %dma_start3A_669] : memref<10000x128xf32, #tpu.memory_space<hbm>> -> memref<10000x128xf32, #tpu.memory_space<hbm>>
        tpu.enqueue_indirect_dma source(%dma_start3A_670 : memref<10000x128xf32, #tpu.memory_space<hbm>>) target(%dma_start3A_665 : memref<80x128xf32, #tpu.memory_space<vmem>>) offsets(%dma_start3A_667 : memref<80xi32, #tpu.memory_space<vmem>>) semaphore(%arg18 : memref<!tpu.dma_semaphore, #tpu.memory_space<semaphore_mem>>)
      } else {
      }
    }
    %while3A_428 = arith.constant 1 : i32
    scf.for %while3A_432 = %while3A_426 to %while3A_422 step %while3A_428  : i32 {
      %mul3A_433 = arith.constant 2 : i32
      %mul3A_434 = arith.muli %while3A_432, %mul3A_433 : i32
      %add3A_435 = arith.constant 0 : i32
      %add3A_436 = arith.addi %mul3A_434, %add3A_435 : i32
      %dma_wait3A_437 = arith.constant 0 : i32
      %dma_wait3A_438 = arith.constant 0 : i32
      %dma_wait3A_439 = arith.constant 0 : i32
      %dma_wait3A_440 = tpu.memref_slice %arg16[%dma_wait3A_437, %dma_wait3A_438, %dma_wait3A_439] : memref<2x80x128xf32, #tpu.memory_space<vmem>> -> memref<1x80x128xf32, #tpu.memory_space<vmem>>
      %dma_wait3A_441 = tpu.memref_squeeze %dma_wait3A_440 : memref<1x80x128xf32, #tpu.memory_space<vmem>> -> memref<80x128xf32, #tpu.memory_space<vmem>>
      %dma_wait3A_442 = arith.constant 0 : i32
      %dma_wait3A_443 = tpu.memref_slice %arg12[%dma_wait3A_442] : memref<160xi32, #tpu.memory_space<vmem>> -> memref<80xi32, #tpu.memory_space<vmem>>
      %dma_wait3A_444 = arith.constant 0 : i32
      %dma_wait3A_445 = arith.constant 0 : i32
      %dma_wait3A_446 = tpu.memref_slice %arg2[%dma_wait3A_444, %dma_wait3A_445] : memref<10000x128xf32, #tpu.memory_space<hbm>> -> memref<10000x128xf32, #tpu.memory_space<hbm>>
      tpu.wait_indirect_dma semaphore(%arg18 : memref<!tpu.dma_semaphore, #tpu.memory_space<semaphore_mem>>) src(%dma_wait3A_446 : memref<10000x128xf32, #tpu.memory_space<hbm>>) dst(%dma_wait3A_441 : memref<80x128xf32, #tpu.memory_space<vmem>>)
      %run_scoped3A = arith.constant 0 : i32
      %run_scoped3A_447 = arith.constant 0 : i32
      "tpu.region"() ({
        %run_scoped3A_661 = tpu.sem_alloc : memref<!tpu.dma_semaphore, #tpu.memory_space<semaphore_mem>>
        %dma_start3A_662 = arith.constant 0 : i32
        %dma_start3A_663 = arith.constant 0 : i32
        %dma_start3A_664 = tpu.memref_slice %arg16[%run_scoped3A, %dma_start3A_662, %dma_start3A_663] : memref<2x80x128xf32, #tpu.memory_space<vmem>> -> memref<1x80x128xf32, #tpu.memory_space<vmem>>
        %dma_start3A_665 = tpu.memref_squeeze %dma_start3A_664 : memref<1x80x128xf32, #tpu.memory_space<vmem>> -> memref<80x128xf32, #tpu.memory_space<vmem>>
        %dma_start3A_666 = arith.constant 0 : i32
        %dma_start3A_667 = tpu.memref_slice %arg13[%run_scoped3A_447, %dma_start3A_666] : memref<2x80xi32, #tpu.memory_space<vmem>> -> memref<1x80xi32, #tpu.memory_space<vmem>>
        %dma_start3A_668 = tpu.memref_squeeze %dma_start3A_667 : memref<1x80xi32, #tpu.memory_space<vmem>> -> memref<80xi32, #tpu.memory_space<vmem>>
        %dma_start3A_669 = arith.constant 0 : i32
        %dma_start3A_670 = arith.constant 0 : i32
        %dma_start3A_671 = tpu.memref_slice %arg17[%dma_start3A_669, %dma_start3A_670] : memref<5128x128xf32, #tpu.memory_space<vmem_shared>> -> memref<5128x128xf32, #tpu.memory_space<vmem_shared>>
        tpu.enqueue_indirect_dma source(%dma_start3A_665 : memref<80x128xf32, #tpu.memory_space<vmem>>) target(%dma_start3A_671 : memref<5128x128xf32, #tpu.memory_space<vmem_shared>>) offsets(%dma_start3A_668 : memref<80xi32, #tpu.memory_space<vmem>>) semaphore(%run_scoped3A_661 : memref<!tpu.dma_semaphore, #tpu.memory_space<semaphore_mem>>) {add = true}
        %dma_wait3A_672 = arith.constant 0 : i32
        %dma_wait3A_673 = arith.constant 0 : i32
        %dma_wait3A_674 = tpu.memref_slice %arg16[%run_scoped3A, %dma_wait3A_672, %dma_wait3A_673] : memref<2x80x128xf32, #tpu.memory_space<vmem>> -> memref<1x80x128xf32, #tpu.memory_space<vmem>>
        %dma_wait3A_675 = tpu.memref_squeeze %dma_wait3A_674 : memref<1x80x128xf32, #tpu.memory_space<vmem>> -> memref<80x128xf32, #tpu.memory_space<vmem>>
        %dma_wait3A_676 = arith.constant 0 : i32
        %dma_wait3A_677 = tpu.memref_slice %arg13[%run_scoped3A_447, %dma_wait3A_676] : memref<2x80xi32, #tpu.memory_space<vmem>> -> memref<1x80xi32, #tpu.memory_space<vmem>>
        %dma_wait3A_678 = tpu.memref_squeeze %dma_wait3A_677 : memref<1x80xi32, #tpu.memory_space<vmem>> -> memref<80xi32, #tpu.memory_space<vmem>>
        %dma_wait3A_679 = arith.constant 0 : i32
        %dma_wait3A_680 = arith.constant 0 : i32
        %dma_wait3A_681 = tpu.memref_slice %arg17[%dma_wait3A_679, %dma_wait3A_680] : memref<5128x128xf32, #tpu.memory_space<vmem_shared>> -> memref<5128x128xf32, #tpu.memory_space<vmem_shared>>
        tpu.wait_indirect_dma semaphore(%run_scoped3A_661 : memref<!tpu.dma_semaphore, #tpu.memory_space<semaphore_mem>>) src(%dma_wait3A_675 : memref<80x128xf32, #tpu.memory_space<vmem>>) dst(%dma_wait3A_681 : memref<5128x128xf32, #tpu.memory_space<vmem_shared>>)
        tpu.yield
      }) : () -> ()
      %add3A_448 = arith.constant 2 : i32
      %add3A_449 = arith.addi %add3A_436, %add3A_448 : i32
      %mul3A_450 = arith.constant 80 : i32
      %mul3A_451 = arith.muli %add3A_449, %mul3A_450 : i32
      %add3A_452 = arith.constant 0 : i32
      %add3A_453 = arith.addi %mul3A_451, %add3A_452 : i32
      %get3A_454 = arith.index_cast %add3A_453 : i32 to index
      %get3A_455 = tpu.vector_load %arg11[%get3A_454] {strides = array<i32>} : memref<20400xi32, #tpu.memory_space<vmem>>, vector<16xi32>,
      %and3A_456 = arith.constant 65535 : i32
      %and3A_457 = vector.broadcast %and3A_456 : i32 to vector<16xi32>
      %and3A_458 = arith.andi %get3A_455, %and3A_457 : vector<16xi32>
      %swap3A_459 = arith.constant 0 : index
      %swap3A_460 = tpu.vector_load %arg12[%swap3A_459] {strides = array<i32>} : memref<160xi32, #tpu.memory_space<vmem>>, vector<16xi32>,
      tpu.vector_store %arg12[%swap3A_459], %and3A_458 {strides = array<i32>} : memref<160xi32, #tpu.memory_space<vmem>>, vector<16xi32>,
      %shift_right_logical3A_461 = arith.constant 16 : i32
      %shift_right_logical3A_462 = vector.broadcast %shift_right_logical3A_461 : i32 to vector<16xi32>
      %shift_right_logical3A_463 = arith.shrui %get3A_455, %shift_right_logical3A_462 : vector<16xi32>
      %swap3A_464 = arith.constant 0 : i32
      %swap3A_465 = arith.index_cast %swap3A_464 : i32 to index
      %swap3A_466 = arith.constant 0 : index
      %swap3A_467 = tpu.vector_load %arg13[%swap3A_465, %swap3A_466] {strides = array<i32>} : memref<2x80xi32, #tpu.memory_space<vmem>>, vector<16xi32>,
      tpu.vector_store %arg13[%swap3A_465, %swap3A_466], %shift_right_logical3A_463 {strides = array<i32>} : memref<2x80xi32, #tpu.memory_space<vmem>>, vector<16xi32>,
      %mul3A_468 = arith.constant 80 : i32
      %mul3A_469 = arith.muli %add3A_449, %mul3A_468 : i32
      %add3A_470 = arith.constant 16 : i32
      %add3A_471 = arith.addi %mul3A_469, %add3A_470 : i32
      %get3A_472 = arith.index_cast %add3A_471 : i32 to index
      %get3A_473 = tpu.vector_load %arg11[%get3A_472] {strides = array<i32>} : memref<20400xi32, #tpu.memory_space<vmem>>, vector<16xi32>,
      %and3A_474 = arith.constant 65535 : i32
      %and3A_475 = vector.broadcast %and3A_474 : i32 to vector<16xi32>
      %and3A_476 = arith.andi %get3A_473, %and3A_475 : vector<16xi32>
      %swap3A_477 = arith.constant 16 : index
      %swap3A_478 = tpu.vector_load %arg12[%swap3A_477] {strides = array<i32>} : memref<160xi32, #tpu.memory_space<vmem>>, vector<16xi32>,
      tpu.vector_store %arg12[%swap3A_477], %and3A_476 {strides = array<i32>} : memref<160xi32, #tpu.memory_space<vmem>>, vector<16xi32>,
      %shift_right_logical3A_479 = arith.constant 16 : i32
      %shift_right_logical3A_480 = vector.broadcast %shift_right_logical3A_479 : i32 to vector<16xi32>
      %shift_right_logical3A_481 = arith.shrui %get3A_473, %shift_right_logical3A_480 : vector<16xi32>
      %swap3A_482 = arith.constant 0 : i32
      %swap3A_483 = arith.index_cast %swap3A_482 : i32 to index
      %swap3A_484 = arith.constant 16 : index
      %swap3A_485 = tpu.vector_load %arg13[%swap3A_483, %swap3A_484] {strides = array<i32>} : memref<2x80xi32, #tpu.memory_space<vmem>>, vector<16xi32>,
      tpu.vector_store %arg13[%swap3A_483, %swap3A_484], %shift_right_logical3A_481 {strides = array<i32>} : memref<2x80xi32, #tpu.memory_space<vmem>>, vector<16xi32>,
      %mul3A_486 = arith.constant 80 : i32
      %mul3A_487 = arith.muli %add3A_449, %mul3A_486 : i32
      %add3A_488 = arith.constant 32 : i32
      %add3A_489 = arith.addi %mul3A_487, %add3A_488 : i32
      %get3A_490 = arith.index_cast %add3A_489 : i32 to index
      %get3A_491 = tpu.vector_load %arg11[%get3A_490] {strides = array<i32>} : memref<20400xi32, #tpu.memory_space<vmem>>, vector<16xi32>,
      %and3A_492 = arith.constant 65535 : i32
      %and3A_493 = vector.broadcast %and3A_492 : i32 to vector<16xi32>
      %and3A_494 = arith.andi %get3A_491, %and3A_493 : vector<16xi32>
      %swap3A_495 = arith.constant 32 : index
      %swap3A_496 = tpu.vector_load %arg12[%swap3A_495] {strides = array<i32>} : memref<160xi32, #tpu.memory_space<vmem>>, vector<16xi32>,
      tpu.vector_store %arg12[%swap3A_495], %and3A_494 {strides = array<i32>} : memref<160xi32, #tpu.memory_space<vmem>>, vector<16xi32>,
      %shift_right_logical3A_497 = arith.constant 16 : i32
      %shift_right_logical3A_498 = vector.broadcast %shift_right_logical3A_497 : i32 to vector<16xi32>
      %shift_right_logical3A_499 = arith.shrui %get3A_491, %shift_right_logical3A_498 : vector<16xi32>
      %swap3A_500 = arith.constant 0 : i32
      %swap3A_501 = arith.index_cast %swap3A_500 : i32 to index
      %swap3A_502 = arith.constant 32 : index
      %swap3A_503 = tpu.vector_load %arg13[%swap3A_501, %swap3A_502] {strides = array<i32>} : memref<2x80xi32, #tpu.memory_space<vmem>>, vector<16xi32>,
      tpu.vector_store %arg13[%swap3A_501, %swap3A_502], %shift_right_logical3A_499 {strides = array<i32>} : memref<2x80xi32, #tpu.memory_space<vmem>>, vector<16xi32>,
      %mul3A_504 = arith.constant 80 : i32
      %mul3A_505 = arith.muli %add3A_449, %mul3A_504 : i32
      %add3A_506 = arith.constant 48 : i32
      %add3A_507 = arith.addi %mul3A_505, %add3A_506 : i32
      %get3A_508 = arith.index_cast %add3A_507 : i32 to index
      %get3A_509 = tpu.vector_load %arg11[%get3A_508] {strides = array<i32>} : memref<20400xi32, #tpu.memory_space<vmem>>, vector<16xi32>,
      %and3A_510 = arith.constant 65535 : i32
      %and3A_511 = vector.broadcast %and3A_510 : i32 to vector<16xi32>
      %and3A_512 = arith.andi %get3A_509, %and3A_511 : vector<16xi32>
      %swap3A_513 = arith.constant 48 : index
      %swap3A_514 = tpu.vector_load %arg12[%swap3A_513] {strides = array<i32>} : memref<160xi32, #tpu.memory_space<vmem>>, vector<16xi32>,
      tpu.vector_store %arg12[%swap3A_513], %and3A_512 {strides = array<i32>} : memref<160xi32, #tpu.memory_space<vmem>>, vector<16xi32>,
      %shift_right_logical3A_515 = arith.constant 16 : i32
      %shift_right_logical3A_516 = vector.broadcast %shift_right_logical3A_515 : i32 to vector<16xi32>
      %shift_right_logical3A_517 = arith.shrui %get3A_509, %shift_right_logical3A_516 : vector<16xi32>
      %swap3A_518 = arith.constant 0 : i32
      %swap3A_519 = arith.index_cast %swap3A_518 : i32 to index
      %swap3A_520 = arith.constant 48 : index
      %swap3A_521 = tpu.vector_load %arg13[%swap3A_519, %swap3A_520] {strides = array<i32>} : memref<2x80xi32, #tpu.memory_space<vmem>>, vector<16xi32>,
      tpu.vector_store %arg13[%swap3A_519, %swap3A_520], %shift_right_logical3A_517 {strides = array<i32>} : memref<2x80xi32, #tpu.memory_space<vmem>>, vector<16xi32>,
      %mul3A_522 = arith.constant 80 : i32
      %mul3A_523 = arith.muli %add3A_449, %mul3A_522 : i32
      %add3A_524 = arith.constant 64 : i32
      %add3A_525 = arith.addi %mul3A_523, %add3A_524 : i32
      %get3A_526 = arith.index_cast %add3A_525 : i32 to index
      %get3A_527 = tpu.vector_load %arg11[%get3A_526] {strides = array<i32>} : memref<20400xi32, #tpu.memory_space<vmem>>, vector<16xi32>,
      %and3A_528 = arith.constant 65535 : i32
      %and3A_529 = vector.broadcast %and3A_528 : i32 to vector<16xi32>
      %and3A_530 = arith.andi %get3A_527, %and3A_529 : vector<16xi32>
      %swap3A_531 = arith.constant 64 : index
      %swap3A_532 = tpu.vector_load %arg12[%swap3A_531] {strides = array<i32>} : memref<160xi32, #tpu.memory_space<vmem>>, vector<16xi32>,
      tpu.vector_store %arg12[%swap3A_531], %and3A_530 {strides = array<i32>} : memref<160xi32, #tpu.memory_space<vmem>>, vector<16xi32>,
      %shift_right_logical3A_533 = arith.constant 16 : i32
      %shift_right_logical3A_534 = vector.broadcast %shift_right_logical3A_533 : i32 to vector<16xi32>
      %shift_right_logical3A_535 = arith.shrui %get3A_527, %shift_right_logical3A_534 : vector<16xi32>
      %swap3A_536 = arith.constant 0 : i32
      %swap3A_537 = arith.index_cast %swap3A_536 : i32 to index
      %swap3A_538 = arith.constant 64 : index
      %swap3A_539 = tpu.vector_load %arg13[%swap3A_537, %swap3A_538] {strides = array<i32>} : memref<2x80xi32, #tpu.memory_space<vmem>>, vector<16xi32>,
      tpu.vector_store %arg13[%swap3A_537, %swap3A_538], %shift_right_logical3A_535 {strides = array<i32>} : memref<2x80xi32, #tpu.memory_space<vmem>>, vector<16xi32>,
      %add3A_540 = arith.constant 2 : i32
      %add3A_541 = arith.addi %add3A_436, %add3A_540 : i32
      %mul3A_542 = arith.constant 2 : i32
      %mul3A_543 = arith.muli %max3A_254, %mul3A_542 : i32
      %lt3A = arith.cmpi slt, %add3A_541, %mul3A_543 : i32
      %convert_element_type3A = arith.extui %lt3A : i1 to i32
      %cond3A = arith.constant 0 : i32
      %cond3A_544 = arith.cmpi ne, %convert_element_type3A, %cond3A : i32
      scf.if %cond3A_544 {
        %dma_start3A_661 = arith.constant 0 : i32
        %dma_start3A_662 = arith.constant 0 : i32
        %dma_start3A_663 = arith.constant 0 : i32
        %dma_start3A_664 = tpu.memref_slice %arg16[%dma_start3A_661, %dma_start3A_662, %dma_start3A_663] : memref<2x80x128xf32, #tpu.memory_space<vmem>> -> memref<1x80x128xf32, #tpu.memory_space<vmem>>
        %dma_start3A_665 = tpu.memref_squeeze %dma_start3A_664 : memref<1x80x128xf32, #tpu.memory_space<vmem>> -> memref<80x128xf32, #tpu.memory_space<vmem>>
        %dma_start3A_666 = arith.constant 0 : i32
        %dma_start3A_667 = tpu.memref_slice %arg12[%dma_start3A_666] : memref<160xi32, #tpu.memory_space<vmem>> -> memref<80xi32, #tpu.memory_space<vmem>>
        %dma_start3A_668 = arith.constant 0 : i32
        %dma_start3A_669 = arith.constant 0 : i32
        %dma_start3A_670 = tpu.memref_slice %arg2[%dma_start3A_668, %dma_start3A_669] : memref<10000x128xf32, #tpu.memory_space<hbm>> -> memref<10000x128xf32, #tpu.memory_space<hbm>>
        tpu.enqueue_indirect_dma source(%dma_start3A_670 : memref<10000x128xf32, #tpu.memory_space<hbm>>) target(%dma_start3A_665 : memref<80x128xf32, #tpu.memory_space<vmem>>) offsets(%dma_start3A_667 : memref<80xi32, #tpu.memory_space<vmem>>) semaphore(%arg18 : memref<!tpu.dma_semaphore, #tpu.memory_space<semaphore_mem>>)
      } else {
      }
      %mul3A_545 = arith.constant 2 : i32
      %mul3A_546 = arith.muli %while3A_432, %mul3A_545 : i32
      %add3A_547 = arith.constant 1 : i32
      %add3A_548 = arith.addi %mul3A_546, %add3A_547 : i32
      %dma_wait3A_549 = arith.constant 1 : i32
      %dma_wait3A_550 = arith.constant 0 : i32
      %dma_wait3A_551 = arith.constant 0 : i32
      %dma_wait3A_552 = tpu.memref_slice %arg16[%dma_wait3A_549, %dma_wait3A_550, %dma_wait3A_551] : memref<2x80x128xf32, #tpu.memory_space<vmem>> -> memref<1x80x128xf32, #tpu.memory_space<vmem>>
      %dma_wait3A_553 = tpu.memref_squeeze %dma_wait3A_552 : memref<1x80x128xf32, #tpu.memory_space<vmem>> -> memref<80x128xf32, #tpu.memory_space<vmem>>
      %dma_wait3A_554 = arith.constant 80 : i32
      %dma_wait3A_555 = tpu.memref_slice %arg12[%dma_wait3A_554] : memref<160xi32, #tpu.memory_space<vmem>> -> memref<80xi32, #tpu.memory_space<vmem>>
      %dma_wait3A_556 = arith.constant 0 : i32
      %dma_wait3A_557 = arith.constant 0 : i32
      %dma_wait3A_558 = tpu.memref_slice %arg2[%dma_wait3A_556, %dma_wait3A_557] : memref<10000x128xf32, #tpu.memory_space<hbm>> -> memref<10000x128xf32, #tpu.memory_space<hbm>>
      tpu.wait_indirect_dma semaphore(%arg18 : memref<!tpu.dma_semaphore, #tpu.memory_space<semaphore_mem>>) src(%dma_wait3A_558 : memref<10000x128xf32, #tpu.memory_space<hbm>>) dst(%dma_wait3A_553 : memref<80x128xf32, #tpu.memory_space<vmem>>)
      %run_scoped3A_559 = arith.constant 1 : i32
      %run_scoped3A_560 = arith.constant 1 : i32
      "tpu.region"() ({
        %run_scoped3A_661 = tpu.sem_alloc : memref<!tpu.dma_semaphore, #tpu.memory_space<semaphore_mem>>
        %dma_start3A_662 = arith.constant 0 : i32
        %dma_start3A_663 = arith.constant 0 : i32
        %dma_start3A_664 = tpu.memref_slice %arg16[%run_scoped3A_559, %dma_start3A_662, %dma_start3A_663] : memref<2x80x128xf32, #tpu.memory_space<vmem>> -> memref<1x80x128xf32, #tpu.memory_space<vmem>>
        %dma_start3A_665 = tpu.memref_squeeze %dma_start3A_664 : memref<1x80x128xf32, #tpu.memory_space<vmem>> -> memref<80x128xf32, #tpu.memory_space<vmem>>
        %dma_start3A_666 = arith.constant 0 : i32
        %dma_start3A_667 = tpu.memref_slice %arg13[%run_scoped3A_560, %dma_start3A_666] : memref<2x80xi32, #tpu.memory_space<vmem>> -> memref<1x80xi32, #tpu.memory_space<vmem>>
        %dma_start3A_668 = tpu.memref_squeeze %dma_start3A_667 : memref<1x80xi32, #tpu.memory_space<vmem>> -> memref<80xi32, #tpu.memory_space<vmem>>
        %dma_start3A_669 = arith.constant 0 : i32
        %dma_start3A_670 = arith.constant 0 : i32
        %dma_start3A_671 = tpu.memref_slice %arg17[%dma_start3A_669, %dma_start3A_670] : memref<5128x128xf32, #tpu.memory_space<vmem_shared>> -> memref<5128x128xf32, #tpu.memory_space<vmem_shared>>
        tpu.enqueue_indirect_dma source(%dma_start3A_665 : memref<80x128xf32, #tpu.memory_space<vmem>>) target(%dma_start3A_671 : memref<5128x128xf32, #tpu.memory_space<vmem_shared>>) offsets(%dma_start3A_668 : memref<80xi32, #tpu.memory_space<vmem>>) semaphore(%run_scoped3A_661 : memref<!tpu.dma_semaphore, #tpu.memory_space<semaphore_mem>>) {add = true}
        %dma_wait3A_672 = arith.constant 0 : i32
        %dma_wait3A_673 = arith.constant 0 : i32
        %dma_wait3A_674 = tpu.memref_slice %arg16[%run_scoped3A_559, %dma_wait3A_672, %dma_wait3A_673] : memref<2x80x128xf32, #tpu.memory_space<vmem>> -> memref<1x80x128xf32, #tpu.memory_space<vmem>>
        %dma_wait3A_675 = tpu.memref_squeeze %dma_wait3A_674 : memref<1x80x128xf32, #tpu.memory_space<vmem>> -> memref<80x128xf32, #tpu.memory_space<vmem>>
        %dma_wait3A_676 = arith.constant 0 : i32
        %dma_wait3A_677 = tpu.memref_slice %arg13[%run_scoped3A_560, %dma_wait3A_676] : memref<2x80xi32, #tpu.memory_space<vmem>> -> memref<1x80xi32, #tpu.memory_space<vmem>>
        %dma_wait3A_678 = tpu.memref_squeeze %dma_wait3A_677 : memref<1x80xi32, #tpu.memory_space<vmem>> -> memref<80xi32, #tpu.memory_space<vmem>>
        %dma_wait3A_679 = arith.constant 0 : i32
        %dma_wait3A_680 = arith.constant 0 : i32
        %dma_wait3A_681 = tpu.memref_slice %arg17[%dma_wait3A_679, %dma_wait3A_680] : memref<5128x128xf32, #tpu.memory_space<vmem_shared>> -> memref<5128x128xf32, #tpu.memory_space<vmem_shared>>
        tpu.wait_indirect_dma semaphore(%run_scoped3A_661 : memref<!tpu.dma_semaphore, #tpu.memory_space<semaphore_mem>>) src(%dma_wait3A_675 : memref<80x128xf32, #tpu.memory_space<vmem>>) dst(%dma_wait3A_681 : memref<5128x128xf32, #tpu.memory_space<vmem_shared>>)
        tpu.yield
      }) : () -> ()
      %add3A_561 = arith.constant 2 : i32
      %add3A_562 = arith.addi %add3A_548, %add3A_561 : i32
      %mul3A_563 = arith.constant 80 : i32
      %mul3A_564 = arith.muli %add3A_562, %mul3A_563 : i32
      %add3A_565 = arith.constant 0 : i32
      %add3A_566 = arith.addi %mul3A_564, %add3A_565 : i32
      %get3A_567 = arith.index_cast %add3A_566 : i32 to index
      %get3A_568 = tpu.vector_load %arg11[%get3A_567] {strides = array<i32>} : memref<20400xi32, #tpu.memory_space<vmem>>, vector<16xi32>,
      %and3A_569 = arith.constant 65535 : i32
      %and3A_570 = vector.broadcast %and3A_569 : i32 to vector<16xi32>
      %and3A_571 = arith.andi %get3A_568, %and3A_570 : vector<16xi32>
      %swap3A_572 = arith.constant 80 : index
      %swap3A_573 = tpu.vector_load %arg12[%swap3A_572] {strides = array<i32>} : memref<160xi32, #tpu.memory_space<vmem>>, vector<16xi32>,
      tpu.vector_store %arg12[%swap3A_572], %and3A_571 {strides = array<i32>} : memref<160xi32, #tpu.memory_space<vmem>>, vector<16xi32>,
      %shift_right_logical3A_574 = arith.constant 16 : i32
      %shift_right_logical3A_575 = vector.broadcast %shift_right_logical3A_574 : i32 to vector<16xi32>
      %shift_right_logical3A_576 = arith.shrui %get3A_568, %shift_right_logical3A_575 : vector<16xi32>
      %swap3A_577 = arith.constant 1 : i32
      %swap3A_578 = arith.index_cast %swap3A_577 : i32 to index
      %swap3A_579 = arith.constant 0 : index
      %swap3A_580 = tpu.vector_load %arg13[%swap3A_578, %swap3A_579] {strides = array<i32>} : memref<2x80xi32, #tpu.memory_space<vmem>>, vector<16xi32>,
      tpu.vector_store %arg13[%swap3A_578, %swap3A_579], %shift_right_logical3A_576 {strides = array<i32>} : memref<2x80xi32, #tpu.memory_space<vmem>>, vector<16xi32>,
      %mul3A_581 = arith.constant 80 : i32
      %mul3A_582 = arith.muli %add3A_562, %mul3A_581 : i32
      %add3A_583 = arith.constant 16 : i32
      %add3A_584 = arith.addi %mul3A_582, %add3A_583 : i32
      %get3A_585 = arith.index_cast %add3A_584 : i32 to index
      %get3A_586 = tpu.vector_load %arg11[%get3A_585] {strides = array<i32>} : memref<20400xi32, #tpu.memory_space<vmem>>, vector<16xi32>,
      %and3A_587 = arith.constant 65535 : i32
      %and3A_588 = vector.broadcast %and3A_587 : i32 to vector<16xi32>
      %and3A_589 = arith.andi %get3A_586, %and3A_588 : vector<16xi32>
      %swap3A_590 = arith.constant 96 : index
      %swap3A_591 = tpu.vector_load %arg12[%swap3A_590] {strides = array<i32>} : memref<160xi32, #tpu.memory_space<vmem>>, vector<16xi32>,
      tpu.vector_store %arg12[%swap3A_590], %and3A_589 {strides = array<i32>} : memref<160xi32, #tpu.memory_space<vmem>>, vector<16xi32>,
      %shift_right_logical3A_592 = arith.constant 16 : i32
      %shift_right_logical3A_593 = vector.broadcast %shift_right_logical3A_592 : i32 to vector<16xi32>
      %shift_right_logical3A_594 = arith.shrui %get3A_586, %shift_right_logical3A_593 : vector<16xi32>
      %swap3A_595 = arith.constant 1 : i32
      %swap3A_596 = arith.index_cast %swap3A_595 : i32 to index
      %swap3A_597 = arith.constant 16 : index
      %swap3A_598 = tpu.vector_load %arg13[%swap3A_596, %swap3A_597] {strides = array<i32>} : memref<2x80xi32, #tpu.memory_space<vmem>>, vector<16xi32>,
      tpu.vector_store %arg13[%swap3A_596, %swap3A_597], %shift_right_logical3A_594 {strides = array<i32>} : memref<2x80xi32, #tpu.memory_space<vmem>>, vector<16xi32>,
      %mul3A_599 = arith.constant 80 : i32
      %mul3A_600 = arith.muli %add3A_562, %mul3A_599 : i32
      %add3A_601 = arith.constant 32 : i32
      %add3A_602 = arith.addi %mul3A_600, %add3A_601 : i32
      %get3A_603 = arith.index_cast %add3A_602 : i32 to index
      %get3A_604 = tpu.vector_load %arg11[%get3A_603] {strides = array<i32>} : memref<20400xi32, #tpu.memory_space<vmem>>, vector<16xi32>,
      %and3A_605 = arith.constant 65535 : i32
      %and3A_606 = vector.broadcast %and3A_605 : i32 to vector<16xi32>
      %and3A_607 = arith.andi %get3A_604, %and3A_606 : vector<16xi32>
      %swap3A_608 = arith.constant 112 : index
      %swap3A_609 = tpu.vector_load %arg12[%swap3A_608] {strides = array<i32>} : memref<160xi32, #tpu.memory_space<vmem>>, vector<16xi32>,
      tpu.vector_store %arg12[%swap3A_608], %and3A_607 {strides = array<i32>} : memref<160xi32, #tpu.memory_space<vmem>>, vector<16xi32>,
      %shift_right_logical3A_610 = arith.constant 16 : i32
      %shift_right_logical3A_611 = vector.broadcast %shift_right_logical3A_610 : i32 to vector<16xi32>
      %shift_right_logical3A_612 = arith.shrui %get3A_604, %shift_right_logical3A_611 : vector<16xi32>
      %swap3A_613 = arith.constant 1 : i32
      %swap3A_614 = arith.index_cast %swap3A_613 : i32 to index
      %swap3A_615 = arith.constant 32 : index
      %swap3A_616 = tpu.vector_load %arg13[%swap3A_614, %swap3A_615] {strides = array<i32>} : memref<2x80xi32, #tpu.memory_space<vmem>>, vector<16xi32>,
      tpu.vector_store %arg13[%swap3A_614, %swap3A_615], %shift_right_logical3A_612 {strides = array<i32>} : memref<2x80xi32, #tpu.memory_space<vmem>>, vector<16xi32>,
      %mul3A_617 = arith.constant 80 : i32
      %mul3A_618 = arith.muli %add3A_562, %mul3A_617 : i32
      %add3A_619 = arith.constant 48 : i32
      %add3A_620 = arith.addi %mul3A_618, %add3A_619 : i32
      %get3A_621 = arith.index_cast %add3A_620 : i32 to index
      %get3A_622 = tpu.vector_load %arg11[%get3A_621] {strides = array<i32>} : memref<20400xi32, #tpu.memory_space<vmem>>, vector<16xi32>,
      %and3A_623 = arith.constant 65535 : i32
      %and3A_624 = vector.broadcast %and3A_623 : i32 to vector<16xi32>
      %and3A_625 = arith.andi %get3A_622, %and3A_624 : vector<16xi32>
      %swap3A_626 = arith.constant 128 : index
      %swap3A_627 = tpu.vector_load %arg12[%swap3A_626] {strides = array<i32>} : memref<160xi32, #tpu.memory_space<vmem>>, vector<16xi32>,
      tpu.vector_store %arg12[%swap3A_626], %and3A_625 {strides = array<i32>} : memref<160xi32, #tpu.memory_space<vmem>>, vector<16xi32>,
      %shift_right_logical3A_628 = arith.constant 16 : i32
      %shift_right_logical3A_629 = vector.broadcast %shift_right_logical3A_628 : i32 to vector<16xi32>
      %shift_right_logical3A_630 = arith.shrui %get3A_622, %shift_right_logical3A_629 : vector<16xi32>
      %swap3A_631 = arith.constant 1 : i32
      %swap3A_632 = arith.index_cast %swap3A_631 : i32 to index
      %swap3A_633 = arith.constant 48 : index
      %swap3A_634 = tpu.vector_load %arg13[%swap3A_632, %swap3A_633] {strides = array<i32>} : memref<2x80xi32, #tpu.memory_space<vmem>>, vector<16xi32>,
      tpu.vector_store %arg13[%swap3A_632, %swap3A_633], %shift_right_logical3A_630 {strides = array<i32>} : memref<2x80xi32, #tpu.memory_space<vmem>>, vector<16xi32>,
      %mul3A_635 = arith.constant 80 : i32
      %mul3A_636 = arith.muli %add3A_562, %mul3A_635 : i32
      %add3A_637 = arith.constant 64 : i32
      %add3A_638 = arith.addi %mul3A_636, %add3A_637 : i32
      %get3A_639 = arith.index_cast %add3A_638 : i32 to index
      %get3A_640 = tpu.vector_load %arg11[%get3A_639] {strides = array<i32>} : memref<20400xi32, #tpu.memory_space<vmem>>, vector<16xi32>,
      %and3A_641 = arith.constant 65535 : i32
      %and3A_642 = vector.broadcast %and3A_641 : i32 to vector<16xi32>
      %and3A_643 = arith.andi %get3A_640, %and3A_642 : vector<16xi32>
      %swap3A_644 = arith.constant 144 : index
      %swap3A_645 = tpu.vector_load %arg12[%swap3A_644] {strides = array<i32>} : memref<160xi32, #tpu.memory_space<vmem>>, vector<16xi32>,
      tpu.vector_store %arg12[%swap3A_644], %and3A_643 {strides = array<i32>} : memref<160xi32, #tpu.memory_space<vmem>>, vector<16xi32>,
      %shift_right_logical3A_646 = arith.constant 16 : i32
      %shift_right_logical3A_647 = vector.broadcast %shift_right_logical3A_646 : i32 to vector<16xi32>
      %shift_right_logical3A_648 = arith.shrui %get3A_640, %shift_right_logical3A_647 : vector<16xi32>
      %swap3A_649 = arith.constant 1 : i32
      %swap3A_650 = arith.index_cast %swap3A_649 : i32 to index
      %swap3A_651 = arith.constant 64 : index
      %swap3A_652 = tpu.vector_load %arg13[%swap3A_650, %swap3A_651] {strides = array<i32>} : memref<2x80xi32, #tpu.memory_space<vmem>>, vector<16xi32>,
      tpu.vector_store %arg13[%swap3A_650, %swap3A_651], %shift_right_logical3A_648 {strides = array<i32>} : memref<2x80xi32, #tpu.memory_space<vmem>>, vector<16xi32>,
      %add3A_653 = arith.constant 2 : i32
      %add3A_654 = arith.addi %add3A_548, %add3A_653 : i32
      %mul3A_655 = arith.constant 2 : i32
      %mul3A_656 = arith.muli %max3A_254, %mul3A_655 : i32
      %lt3A_657 = arith.cmpi slt, %add3A_654, %mul3A_656 : i32
      %convert_element_type3A_658 = arith.extui %lt3A_657 : i1 to i32
      %cond3A_659 = arith.constant 0 : i32
      %cond3A_660 = arith.cmpi ne, %convert_element_type3A_658, %cond3A_659 : i32
      scf.if %cond3A_660 {
        %dma_start3A_661 = arith.constant 1 : i32
        %dma_start3A_662 = arith.constant 0 : i32
        %dma_start3A_663 = arith.constant 0 : i32
        %dma_start3A_664 = tpu.memref_slice %arg16[%dma_start3A_661, %dma_start3A_662, %dma_start3A_663] : memref<2x80x128xf32, #tpu.memory_space<vmem>> -> memref<1x80x128xf32, #tpu.memory_space<vmem>>
        %dma_start3A_665 = tpu.memref_squeeze %dma_start3A_664 : memref<1x80x128xf32, #tpu.memory_space<vmem>> -> memref<80x128xf32, #tpu.memory_space<vmem>>
        %dma_start3A_666 = arith.constant 80 : i32
        %dma_start3A_667 = tpu.memref_slice %arg12[%dma_start3A_666] : memref<160xi32, #tpu.memory_space<vmem>> -> memref<80xi32, #tpu.memory_space<vmem>>
        %dma_start3A_668 = arith.constant 0 : i32
        %dma_start3A_669 = arith.constant 0 : i32
        %dma_start3A_670 = tpu.memref_slice %arg2[%dma_start3A_668, %dma_start3A_669] : memref<10000x128xf32, #tpu.memory_space<hbm>> -> memref<10000x128xf32, #tpu.memory_space<hbm>>
        tpu.enqueue_indirect_dma source(%dma_start3A_670 : memref<10000x128xf32, #tpu.memory_space<hbm>>) target(%dma_start3A_665 : memref<80x128xf32, #tpu.memory_space<vmem>>) offsets(%dma_start3A_667 : memref<80xi32, #tpu.memory_space<vmem>>) semaphore(%arg18 : memref<!tpu.dma_semaphore, #tpu.memory_space<semaphore_mem>>)
      } else {
      }
    }
    %barrier3A_429 = arith.constant 0 : index
    tpu.barrier barrier_id(%barrier3A_429)
    %mul3A_430 = arith.constant 320 : i32
    %mul3A_431 = arith.muli %arg1, %mul3A_430 : i32
    "tpu.region"() ({
      %run_scoped3A = tpu.sem_alloc : memref<!tpu.dma_semaphore, #tpu.memory_space<semaphore_mem>>
      %dma_start3A_432 = arith.constant 0 : i32
      %dma_start3A_433 = tpu.memref_slice %arg6[%arg0, %mul3A_431, %dma_start3A_432] : memref<2x5120x128xf32, #tpu.memory_space<hbm>> -> memref<1x320x128xf32, #tpu.memory_space<hbm>>
      %dma_start3A_434 = tpu.memref_squeeze %dma_start3A_433 : memref<1x320x128xf32, #tpu.memory_space<hbm>> -> memref<320x128xf32, #tpu.memory_space<hbm>>
      %dma_start3A_435 = arith.constant 0 : i32
      %dma_start3A_436 = tpu.memref_slice %arg17[%mul3A_431, %dma_start3A_435] : memref<5128x128xf32, #tpu.memory_space<vmem_shared>> -> memref<320x128xf32, #tpu.memory_space<vmem_shared>>
      tpu.enqueue_dma source(%dma_start3A_436 : memref<320x128xf32, #tpu.memory_space<vmem_shared>>) target(%dma_start3A_434 : memref<320x128xf32, #tpu.memory_space<hbm>>) target_semaphore(%run_scoped3A : memref<!tpu.dma_semaphore, #tpu.memory_space<semaphore_mem>>)
      %dma_wait3A_437 = arith.constant 0 : i32
      %dma_wait3A_438 = tpu.memref_slice %arg6[%arg0, %mul3A_431, %dma_wait3A_437] : memref<2x5120x128xf32, #tpu.memory_space<hbm>> -> memref<1x320x128xf32, #tpu.memory_space<hbm>>
      %dma_wait3A_439 = tpu.memref_squeeze %dma_wait3A_438 : memref<1x320x128xf32, #tpu.memory_space<hbm>> -> memref<320x128xf32, #tpu.memory_space<hbm>>
      %dma_wait3A_440 = arith.constant 0 : i32
      %dma_wait3A_441 = tpu.memref_slice %arg17[%mul3A_431, %dma_wait3A_440] : memref<5128x128xf32, #tpu.memory_space<vmem_shared>> -> memref<320x128xf32, #tpu.memory_space<vmem_shared>>
      tpu.wait_dma2 semaphore(%run_scoped3A : memref<!tpu.dma_semaphore, #tpu.memory_space<semaphore_mem>>) src(%dma_wait3A_441 : memref<320x128xf32, #tpu.memory_space<vmem_shared>>) dst(%dma_wait3A_439 : memref<320x128xf32, #tpu.memory_space<hbm>>)
      tpu.yield
    }) : () -> ()
    return
  }
}

#map = affine_map<(d0, d1) -> (0, 0)>
#map1 = affine_map<(d0, d1) -> (0, 0, 0)>
module attributes {stable_mosaic.version = 14 : i64} {
  func.func @agg_kernel(%arg0: i32, %arg1: i32, %arg2: memref<10000x128xf32, #tpu.memory_space<hbm>>, %arg3: memref<2x16x20400xi32, #tpu.memory_space<hbm>>, %arg4: memref<2x16x16xi32, #tpu.memory_space<hbm>>, %arg5: memref<160x128xf32, #tpu.memory_space<hbm>>, %arg6: memref<2x5120x128xf32, #tpu.memory_space<hbm>>, %arg7: memref<20400xi32, #tpu.memory_space<vmem>>, %arg8: memref<160xi32, #tpu.memory_space<vmem>>, %arg9: memref<2x80xi32, #tpu.memory_space<vmem>>, %arg10: memref<16xi32, #tpu.memory_space<vmem>>, %arg11: memref<2x80x128xf32, #tpu.memory_space<vmem>>, %arg12: memref<5128x128xf32, #tpu.memory_space<vmem_shared>>, %arg13: memref<!tpu.dma_semaphore, #tpu.memory_space<semaphore_mem>>) attributes {dimension_semantics = [#tpu.dimension_semantics<core_parallel>, #tpu.dimension_semantics<subcore_parallel>], iteration_bounds = array<i64: 2, 16>, scalar_prefetch = 0 : i64, scratch_operands = 7 : i64, tpu.core_type = #tpu.core_type<sc_vector_subcore>, window_params = [{transform_indices = #map}, {transform_indices = #map1}, {transform_indices = #map1}, {transform_indices = #map}, {transform_indices = #map1}]} {
    %mul3A = arith.constant 320 : i32
    %mul3A_0 = arith.muli %arg1, %mul3A : i32
    %add3A = arith.constant 0 : i32
    %add3A_1 = arith.addi %mul3A_0, %add3A : i32
    %dma_start3A = arith.constant 0 : i32
    %dma_start3A_2 = tpu.memref_slice %arg12[%add3A_1, %dma_start3A] : memref<5128x128xf32, #tpu.memory_space<vmem_shared>> -> memref<160x128xf32, #tpu.memory_space<vmem_shared>>
    tpu.enqueue_dma source(%arg5 : memref<160x128xf32, #tpu.memory_space<hbm>>) target(%dma_start3A_2 : memref<160x128xf32, #tpu.memory_space<vmem_shared>>) target_semaphore(%arg13 : memref<!tpu.dma_semaphore, #tpu.memory_space<semaphore_mem>>)
    %add3A_3 = arith.constant 160 : i32
    %add3A_4 = arith.addi %mul3A_0, %add3A_3 : i32
    %dma_start3A_5 = arith.constant 0 : i32
    %dma_start3A_6 = tpu.memref_slice %arg12[%add3A_4, %dma_start3A_5] : memref<5128x128xf32, #tpu.memory_space<vmem_shared>> -> memref<160x128xf32, #tpu.memory_space<vmem_shared>>
    tpu.enqueue_dma source(%arg5 : memref<160x128xf32, #tpu.memory_space<hbm>>) target(%dma_start3A_6 : memref<160x128xf32, #tpu.memory_space<vmem_shared>>) target_semaphore(%arg13 : memref<!tpu.dma_semaphore, #tpu.memory_space<semaphore_mem>>)
    "tpu.region"() ({
      %run_scoped3A = tpu.sem_alloc : memref<!tpu.dma_semaphore, #tpu.memory_space<semaphore_mem>>
      %dma_start3A_237 = arith.constant 0 : i32
      %dma_start3A_238 = tpu.memref_slice %arg3[%arg0, %arg1, %dma_start3A_237] : memref<2x16x20400xi32, #tpu.memory_space<hbm>> -> memref<1x1x20400xi32, #tpu.memory_space<hbm>>
      %dma_start3A_239 = tpu.memref_squeeze %dma_start3A_238 : memref<1x1x20400xi32, #tpu.memory_space<hbm>> -> memref<20400xi32, #tpu.memory_space<hbm>>
      %dma_start3A_240 = arith.constant 0 : i32
      %dma_start3A_241 = tpu.memref_slice %arg3[%arg0, %arg1, %dma_start3A_240] : memref<2x16x20400xi32, #tpu.memory_space<hbm>> -> memref<1x1x20400xi32, #tpu.memory_space<hbm>>
      %dma_start3A_242 = tpu.memref_squeeze %dma_start3A_241 : memref<1x1x20400xi32, #tpu.memory_space<hbm>> -> memref<20400xi32, #tpu.memory_space<hbm>>
      tpu.enqueue_dma source(%dma_start3A_242 : memref<20400xi32, #tpu.memory_space<hbm>>) target(%arg7 : memref<20400xi32, #tpu.memory_space<vmem>>) target_semaphore(%run_scoped3A : memref<!tpu.dma_semaphore, #tpu.memory_space<semaphore_mem>>)
      %dma_wait3A_243 = arith.constant 0 : i32
      %dma_wait3A_244 = tpu.memref_slice %arg3[%arg0, %arg1, %dma_wait3A_243] : memref<2x16x20400xi32, #tpu.memory_space<hbm>> -> memref<1x1x20400xi32, #tpu.memory_space<hbm>>
      %dma_wait3A_245 = tpu.memref_squeeze %dma_wait3A_244 : memref<1x1x20400xi32, #tpu.memory_space<hbm>> -> memref<20400xi32, #tpu.memory_space<hbm>>
      %dma_wait3A_246 = arith.constant 0 : i32
      %dma_wait3A_247 = tpu.memref_slice %arg3[%arg0, %arg1, %dma_wait3A_246] : memref<2x16x20400xi32, #tpu.memory_space<hbm>> -> memref<1x1x20400xi32, #tpu.memory_space<hbm>>
      %dma_wait3A_248 = tpu.memref_squeeze %dma_wait3A_247 : memref<1x1x20400xi32, #tpu.memory_space<hbm>> -> memref<20400xi32, #tpu.memory_space<hbm>>
      tpu.wait_dma2 semaphore(%run_scoped3A : memref<!tpu.dma_semaphore, #tpu.memory_space<semaphore_mem>>) src(%dma_wait3A_248 : memref<20400xi32, #tpu.memory_space<hbm>>) dst(%arg7 : memref<20400xi32, #tpu.memory_space<vmem>>)
      tpu.yield
    }) : () -> ()
    "tpu.region"() ({
      %run_scoped3A = tpu.sem_alloc : memref<!tpu.dma_semaphore, #tpu.memory_space<semaphore_mem>>
      %dma_start3A_237 = arith.constant 0 : i32
      %dma_start3A_238 = tpu.memref_slice %arg4[%arg0, %arg1, %dma_start3A_237] : memref<2x16x16xi32, #tpu.memory_space<hbm>> -> memref<1x1x16xi32, #tpu.memory_space<hbm>>
      %dma_start3A_239 = tpu.memref_squeeze %dma_start3A_238 : memref<1x1x16xi32, #tpu.memory_space<hbm>> -> memref<16xi32, #tpu.memory_space<hbm>>
      %dma_start3A_240 = arith.constant 0 : i32
      %dma_start3A_241 = tpu.memref_slice %arg4[%arg0, %arg1, %dma_start3A_240] : memref<2x16x16xi32, #tpu.memory_space<hbm>> -> memref<1x1x16xi32, #tpu.memory_space<hbm>>
      %dma_start3A_242 = tpu.memref_squeeze %dma_start3A_241 : memref<1x1x16xi32, #tpu.memory_space<hbm>> -> memref<16xi32, #tpu.memory_space<hbm>>
      tpu.enqueue_dma source(%dma_start3A_242 : memref<16xi32, #tpu.memory_space<hbm>>) target(%arg10 : memref<16xi32, #tpu.memory_space<vmem>>) target_semaphore(%run_scoped3A : memref<!tpu.dma_semaphore, #tpu.memory_space<semaphore_mem>>)
      %dma_wait3A_243 = arith.constant 0 : i32
      %dma_wait3A_244 = tpu.memref_slice %arg4[%arg0, %arg1, %dma_wait3A_243] : memref<2x16x16xi32, #tpu.memory_space<hbm>> -> memref<1x1x16xi32, #tpu.memory_space<hbm>>
      %dma_wait3A_245 = tpu.memref_squeeze %dma_wait3A_244 : memref<1x1x16xi32, #tpu.memory_space<hbm>> -> memref<16xi32, #tpu.memory_space<hbm>>
      %dma_wait3A_246 = arith.constant 0 : i32
      %dma_wait3A_247 = tpu.memref_slice %arg4[%arg0, %arg1, %dma_wait3A_246] : memref<2x16x16xi32, #tpu.memory_space<hbm>> -> memref<1x1x16xi32, #tpu.memory_space<hbm>>
      %dma_wait3A_248 = tpu.memref_squeeze %dma_wait3A_247 : memref<1x1x16xi32, #tpu.memory_space<hbm>> -> memref<16xi32, #tpu.memory_space<hbm>>
      tpu.wait_dma2 semaphore(%run_scoped3A : memref<!tpu.dma_semaphore, #tpu.memory_space<semaphore_mem>>) src(%dma_wait3A_248 : memref<16xi32, #tpu.memory_space<hbm>>) dst(%arg10 : memref<16xi32, #tpu.memory_space<vmem>>)
      tpu.yield
    }) : () -> ()
    %get3A = arith.constant 0 : index
    %get3A_7 = tpu.vector_load %arg10[%get3A] {strides = array<i32>} : memref<16xi32, #tpu.memory_space<vmem>>, vector<16xi32>,
    %reduce_max3A = arith.constant true
    %reduce_max3A_8 = vector.broadcast %reduce_max3A : i1 to vector<16xi1>
    %reduce_max3A_9 = arith.constant -2147483648 : i32
    %reduce_max3A_10 = vector.broadcast %reduce_max3A_9 : i32 to vector<16xi32>
    %reduce_max3A_11 = arith.xori %get3A_7, %reduce_max3A_10 : vector<16xi32>
    %reduce_max3A_12 = tpu.scan <max>, %reduce_max3A_11 masked %reduce_max3A_8 : vector<16xi32>, vector<16xi1> -> vector<16xi32>
    %reduce_max3A_13 = arith.xori %reduce_max3A_12, %reduce_max3A_10 : vector<16xi32>
    %reduce_max3A_14 = vector.extract %reduce_max3A_13[15] : i32 from vector<16xi32>
    %add3A_15 = arith.constant 80 : i32
    %add3A_16 = arith.addi %reduce_max3A_14, %add3A_15 : i32
    %sub3A = arith.constant 1 : i32
    %sub3A_17 = arith.subi %add3A_16, %sub3A : i32
    %jit3A = arith.constant 80 : i32
    %div3A = arith.divsi %sub3A_17, %jit3A : i32
    %sign3A = arith.constant 0 : i32
    %sign3A_18 = arith.cmpi sgt, %sub3A_17, %sign3A : i32
    %sign3A_19 = arith.extui %sign3A_18 : i1 to i32
    %sign3A_20 = arith.constant 0 : i32
    %sign3A_21 = arith.cmpi slt, %sub3A_17, %sign3A_20 : i32
    %sign3A_22 = arith.extui %sign3A_21 : i1 to i32
    %sign3A_23 = arith.subi %sign3A_19, %sign3A_22 : i32
    %sign3A_24 = arith.constant 0 : i32
    %sign3A_25 = arith.cmpi sgt, %jit3A, %sign3A_24 : i32
    %sign3A_26 = arith.extui %sign3A_25 : i1 to i32
    %sign3A_27 = arith.constant 0 : i32
    %sign3A_28 = arith.cmpi slt, %jit3A, %sign3A_27 : i32
    %sign3A_29 = arith.extui %sign3A_28 : i1 to i32
    %sign3A_30 = arith.subi %sign3A_26, %sign3A_29 : i32
    %ne3A = arith.cmpi ne, %sign3A_23, %sign3A_30 : i32
    %rem3A = arith.remsi %sub3A_17, %jit3A : i32
    %ne3A_31 = arith.constant 0 : i32
    %ne3A_32 = arith.cmpi ne, %rem3A, %ne3A_31 : i32
    %and3A = arith.andi %ne3A, %ne3A_32 : i1
    %sub3A_33 = arith.constant 1 : i32
    %sub3A_34 = arith.subi %div3A, %sub3A_33 : i32
    %select_n3A = arith.select %and3A, %sub3A_34, %div3A : i32
    %add3A_35 = arith.constant 2 : i32
    %add3A_36 = arith.addi %select_n3A, %add3A_35 : i32
    %sub3A_37 = arith.constant 1 : i32
    %sub3A_38 = arith.subi %add3A_36, %sub3A_37 : i32
    %jit3A_39 = arith.constant 2 : i32
    %div3A_40 = arith.divsi %sub3A_38, %jit3A_39 : i32
    %sign3A_41 = arith.constant 0 : i32
    %sign3A_42 = arith.cmpi sgt, %sub3A_38, %sign3A_41 : i32
    %sign3A_43 = arith.extui %sign3A_42 : i1 to i32
    %sign3A_44 = arith.constant 0 : i32
    %sign3A_45 = arith.cmpi slt, %sub3A_38, %sign3A_44 : i32
    %sign3A_46 = arith.extui %sign3A_45 : i1 to i32
    %sign3A_47 = arith.subi %sign3A_43, %sign3A_46 : i32
    %sign3A_48 = arith.constant 0 : i32
    %sign3A_49 = arith.cmpi sgt, %jit3A_39, %sign3A_48 : i32
    %sign3A_50 = arith.extui %sign3A_49 : i1 to i32
    %sign3A_51 = arith.constant 0 : i32
    %sign3A_52 = arith.cmpi slt, %jit3A_39, %sign3A_51 : i32
    %sign3A_53 = arith.extui %sign3A_52 : i1 to i32
    %sign3A_54 = arith.subi %sign3A_50, %sign3A_53 : i32
    %ne3A_55 = arith.cmpi ne, %sign3A_47, %sign3A_54 : i32
    %rem3A_56 = arith.remsi %sub3A_38, %jit3A_39 : i32
    %ne3A_57 = arith.constant 0 : i32
    %ne3A_58 = arith.cmpi ne, %rem3A_56, %ne3A_57 : i32
    %and3A_59 = arith.andi %ne3A_55, %ne3A_58 : i1
    %sub3A_60 = arith.constant 1 : i32
    %sub3A_61 = arith.subi %div3A_40, %sub3A_60 : i32
    %select_n3A_62 = arith.select %and3A_59, %sub3A_61, %div3A_40 : i32
    %max3A = arith.constant 1 : i32
    %max3A_63 = arith.maxsi %select_n3A_62, %max3A : i32
    %dma_wait3A = arith.constant 0 : i32
    %dma_wait3A_64 = tpu.memref_slice %arg12[%add3A_1, %dma_wait3A] : memref<5128x128xf32, #tpu.memory_space<vmem_shared>> -> memref<160x128xf32, #tpu.memory_space<vmem_shared>>
    tpu.wait_dma2 semaphore(%arg13 : memref<!tpu.dma_semaphore, #tpu.memory_space<semaphore_mem>>) src(%arg5 : memref<160x128xf32, #tpu.memory_space<hbm>>) dst(%dma_wait3A_64 : memref<160x128xf32, #tpu.memory_space<vmem_shared>>)
    %dma_wait3A_65 = arith.constant 0 : i32
    %dma_wait3A_66 = tpu.memref_slice %arg12[%add3A_4, %dma_wait3A_65] : memref<5128x128xf32, #tpu.memory_space<vmem_shared>> -> memref<160x128xf32, #tpu.memory_space<vmem_shared>>
    tpu.wait_dma2 semaphore(%arg13 : memref<!tpu.dma_semaphore, #tpu.memory_space<semaphore_mem>>) src(%arg5 : memref<160x128xf32, #tpu.memory_space<hbm>>) dst(%dma_wait3A_66 : memref<160x128xf32, #tpu.memory_space<vmem_shared>>)
    %barrier3A = arith.constant 0 : index
    tpu.barrier barrier_id(%barrier3A)
    %get3A_67 = arith.constant 0 : index
    %get3A_68 = tpu.vector_load %arg7[%get3A_67] {strides = array<i32>} : memref<20400xi32, #tpu.memory_space<vmem>>, vector<16xi32>,
    %and3A_69 = arith.constant 65535 : i32
    %and3A_70 = vector.broadcast %and3A_69 : i32 to vector<16xi32>
    %and3A_71 = arith.andi %get3A_68, %and3A_70 : vector<16xi32>
    %swap3A = arith.constant 0 : index
    %swap3A_72 = tpu.vector_load %arg8[%swap3A] {strides = array<i32>} : memref<160xi32, #tpu.memory_space<vmem>>, vector<16xi32>,
    tpu.vector_store %arg8[%swap3A], %and3A_71 {strides = array<i32>} : memref<160xi32, #tpu.memory_space<vmem>>, vector<16xi32>,
    %shift_right_logical3A = arith.constant 16 : i32
    %shift_right_logical3A_73 = vector.broadcast %shift_right_logical3A : i32 to vector<16xi32>
    %shift_right_logical3A_74 = arith.shrui %get3A_68, %shift_right_logical3A_73 : vector<16xi32>
    %swap3A_75 = arith.constant 0 : i32
    %swap3A_76 = arith.index_cast %swap3A_75 : i32 to index
    %swap3A_77 = arith.constant 0 : index
    %swap3A_78 = tpu.vector_load %arg9[%swap3A_76, %swap3A_77] {strides = array<i32>} : memref<2x80xi32, #tpu.memory_space<vmem>>, vector<16xi32>,
    tpu.vector_store %arg9[%swap3A_76, %swap3A_77], %shift_right_logical3A_74 {strides = array<i32>} : memref<2x80xi32, #tpu.memory_space<vmem>>, vector<16xi32>,
    %get3A_79 = arith.constant 16 : index
    %get3A_80 = tpu.vector_load %arg7[%get3A_79] {strides = array<i32>} : memref<20400xi32, #tpu.memory_space<vmem>>, vector<16xi32>,
    %and3A_81 = arith.constant 65535 : i32
    %and3A_82 = vector.broadcast %and3A_81 : i32 to vector<16xi32>
    %and3A_83 = arith.andi %get3A_80, %and3A_82 : vector<16xi32>
    %swap3A_84 = arith.constant 16 : index
    %swap3A_85 = tpu.vector_load %arg8[%swap3A_84] {strides = array<i32>} : memref<160xi32, #tpu.memory_space<vmem>>, vector<16xi32>,
    tpu.vector_store %arg8[%swap3A_84], %and3A_83 {strides = array<i32>} : memref<160xi32, #tpu.memory_space<vmem>>, vector<16xi32>,
    %shift_right_logical3A_86 = arith.constant 16 : i32
    %shift_right_logical3A_87 = vector.broadcast %shift_right_logical3A_86 : i32 to vector<16xi32>
    %shift_right_logical3A_88 = arith.shrui %get3A_80, %shift_right_logical3A_87 : vector<16xi32>
    %swap3A_89 = arith.constant 0 : i32
    %swap3A_90 = arith.index_cast %swap3A_89 : i32 to index
    %swap3A_91 = arith.constant 16 : index
    %swap3A_92 = tpu.vector_load %arg9[%swap3A_90, %swap3A_91] {strides = array<i32>} : memref<2x80xi32, #tpu.memory_space<vmem>>, vector<16xi32>,
    tpu.vector_store %arg9[%swap3A_90, %swap3A_91], %shift_right_logical3A_88 {strides = array<i32>} : memref<2x80xi32, #tpu.memory_space<vmem>>, vector<16xi32>,
    %get3A_93 = arith.constant 32 : index
    %get3A_94 = tpu.vector_load %arg7[%get3A_93] {strides = array<i32>} : memref<20400xi32, #tpu.memory_space<vmem>>, vector<16xi32>,
    %and3A_95 = arith.constant 65535 : i32
    %and3A_96 = vector.broadcast %and3A_95 : i32 to vector<16xi32>
    %and3A_97 = arith.andi %get3A_94, %and3A_96 : vector<16xi32>
    %swap3A_98 = arith.constant 32 : index
    %swap3A_99 = tpu.vector_load %arg8[%swap3A_98] {strides = array<i32>} : memref<160xi32, #tpu.memory_space<vmem>>, vector<16xi32>,
    tpu.vector_store %arg8[%swap3A_98], %and3A_97 {strides = array<i32>} : memref<160xi32, #tpu.memory_space<vmem>>, vector<16xi32>,
    %shift_right_logical3A_100 = arith.constant 16 : i32
    %shift_right_logical3A_101 = vector.broadcast %shift_right_logical3A_100 : i32 to vector<16xi32>
    %shift_right_logical3A_102 = arith.shrui %get3A_94, %shift_right_logical3A_101 : vector<16xi32>
    %swap3A_103 = arith.constant 0 : i32
    %swap3A_104 = arith.index_cast %swap3A_103 : i32 to index
    %swap3A_105 = arith.constant 32 : index
    %swap3A_106 = tpu.vector_load %arg9[%swap3A_104, %swap3A_105] {strides = array<i32>} : memref<2x80xi32, #tpu.memory_space<vmem>>, vector<16xi32>,
    tpu.vector_store %arg9[%swap3A_104, %swap3A_105], %shift_right_logical3A_102 {strides = array<i32>} : memref<2x80xi32, #tpu.memory_space<vmem>>, vector<16xi32>,
    %get3A_107 = arith.constant 48 : index
    %get3A_108 = tpu.vector_load %arg7[%get3A_107] {strides = array<i32>} : memref<20400xi32, #tpu.memory_space<vmem>>, vector<16xi32>,
    %and3A_109 = arith.constant 65535 : i32
    %and3A_110 = vector.broadcast %and3A_109 : i32 to vector<16xi32>
    %and3A_111 = arith.andi %get3A_108, %and3A_110 : vector<16xi32>
    %swap3A_112 = arith.constant 48 : index
    %swap3A_113 = tpu.vector_load %arg8[%swap3A_112] {strides = array<i32>} : memref<160xi32, #tpu.memory_space<vmem>>, vector<16xi32>,
    tpu.vector_store %arg8[%swap3A_112], %and3A_111 {strides = array<i32>} : memref<160xi32, #tpu.memory_space<vmem>>, vector<16xi32>,
    %shift_right_logical3A_114 = arith.constant 16 : i32
    %shift_right_logical3A_115 = vector.broadcast %shift_right_logical3A_114 : i32 to vector<16xi32>
    %shift_right_logical3A_116 = arith.shrui %get3A_108, %shift_right_logical3A_115 : vector<16xi32>
    %swap3A_117 = arith.constant 0 : i32
    %swap3A_118 = arith.index_cast %swap3A_117 : i32 to index
    %swap3A_119 = arith.constant 48 : index
    %swap3A_120 = tpu.vector_load %arg9[%swap3A_118, %swap3A_119] {strides = array<i32>} : memref<2x80xi32, #tpu.memory_space<vmem>>, vector<16xi32>,
    tpu.vector_store %arg9[%swap3A_118, %swap3A_119], %shift_right_logical3A_116 {strides = array<i32>} : memref<2x80xi32, #tpu.memory_space<vmem>>, vector<16xi32>,
    %get3A_121 = arith.constant 64 : index
    %get3A_122 = tpu.vector_load %arg7[%get3A_121] {strides = array<i32>} : memref<20400xi32, #tpu.memory_space<vmem>>, vector<16xi32>,
    %and3A_123 = arith.constant 65535 : i32
    %and3A_124 = vector.broadcast %and3A_123 : i32 to vector<16xi32>
    %and3A_125 = arith.andi %get3A_122, %and3A_124 : vector<16xi32>
    %swap3A_126 = arith.constant 64 : index
    %swap3A_127 = tpu.vector_load %arg8[%swap3A_126] {strides = array<i32>} : memref<160xi32, #tpu.memory_space<vmem>>, vector<16xi32>,
    tpu.vector_store %arg8[%swap3A_126], %and3A_125 {strides = array<i32>} : memref<160xi32, #tpu.memory_space<vmem>>, vector<16xi32>,
    %shift_right_logical3A_128 = arith.constant 16 : i32
    %shift_right_logical3A_129 = vector.broadcast %shift_right_logical3A_128 : i32 to vector<16xi32>
    %shift_right_logical3A_130 = arith.shrui %get3A_122, %shift_right_logical3A_129 : vector<16xi32>
    %swap3A_131 = arith.constant 0 : i32
    %swap3A_132 = arith.index_cast %swap3A_131 : i32 to index
    %swap3A_133 = arith.constant 64 : index
    %swap3A_134 = tpu.vector_load %arg9[%swap3A_132, %swap3A_133] {strides = array<i32>} : memref<2x80xi32, #tpu.memory_space<vmem>>, vector<16xi32>,
    tpu.vector_store %arg9[%swap3A_132, %swap3A_133], %shift_right_logical3A_130 {strides = array<i32>} : memref<2x80xi32, #tpu.memory_space<vmem>>, vector<16xi32>,
    %dma_start3A_135 = arith.constant 0 : i32
    %dma_start3A_136 = arith.constant 0 : i32
    %dma_start3A_137 = arith.constant 0 : i32
    %dma_start3A_138 = tpu.memref_slice %arg11[%dma_start3A_135, %dma_start3A_136, %dma_start3A_137] : memref<2x80x128xf32, #tpu.memory_space<vmem>> -> memref<1x80x128xf32, #tpu.memory_space<vmem>>
    %dma_start3A_139 = tpu.memref_squeeze %dma_start3A_138 : memref<1x80x128xf32, #tpu.memory_space<vmem>> -> memref<80x128xf32, #tpu.memory_space<vmem>>
    %dma_start3A_140 = arith.constant 0 : i32
    %dma_start3A_141 = tpu.memref_slice %arg8[%dma_start3A_140] : memref<160xi32, #tpu.memory_space<vmem>> -> memref<80xi32, #tpu.memory_space<vmem>>
    %dma_start3A_142 = arith.constant 0 : i32
    %dma_start3A_143 = arith.constant 0 : i32
    %dma_start3A_144 = tpu.memref_slice %arg2[%dma_start3A_142, %dma_start3A_143] : memref<10000x128xf32, #tpu.memory_space<hbm>> -> memref<10000x128xf32, #tpu.memory_space<hbm>>
    tpu.enqueue_indirect_dma source(%dma_start3A_144 : memref<10000x128xf32, #tpu.memory_space<hbm>>) target(%dma_start3A_139 : memref<80x128xf32, #tpu.memory_space<vmem>>) offsets(%dma_start3A_141 : memref<80xi32, #tpu.memory_space<vmem>>) semaphore(%arg13 : memref<!tpu.dma_semaphore, #tpu.memory_space<semaphore_mem>>)
    %get3A_145 = arith.constant 80 : index
    %get3A_146 = tpu.vector_load %arg7[%get3A_145] {strides = array<i32>} : memref<20400xi32, #tpu.memory_space<vmem>>, vector<16xi32>,
    %and3A_147 = arith.constant 65535 : i32
    %and3A_148 = vector.broadcast %and3A_147 : i32 to vector<16xi32>
    %and3A_149 = arith.andi %get3A_146, %and3A_148 : vector<16xi32>
    %swap3A_150 = arith.constant 80 : index
    %swap3A_151 = tpu.vector_load %arg8[%swap3A_150] {strides = array<i32>} : memref<160xi32, #tpu.memory_space<vmem>>, vector<16xi32>,
    tpu.vector_store %arg8[%swap3A_150], %and3A_149 {strides = array<i32>} : memref<160xi32, #tpu.memory_space<vmem>>, vector<16xi32>,
    %shift_right_logical3A_152 = arith.constant 16 : i32
    %shift_right_logical3A_153 = vector.broadcast %shift_right_logical3A_152 : i32 to vector<16xi32>
    %shift_right_logical3A_154 = arith.shrui %get3A_146, %shift_right_logical3A_153 : vector<16xi32>
    %swap3A_155 = arith.constant 1 : i32
    %swap3A_156 = arith.index_cast %swap3A_155 : i32 to index
    %swap3A_157 = arith.constant 0 : index
    %swap3A_158 = tpu.vector_load %arg9[%swap3A_156, %swap3A_157] {strides = array<i32>} : memref<2x80xi32, #tpu.memory_space<vmem>>, vector<16xi32>,
    tpu.vector_store %arg9[%swap3A_156, %swap3A_157], %shift_right_logical3A_154 {strides = array<i32>} : memref<2x80xi32, #tpu.memory_space<vmem>>, vector<16xi32>,
    %get3A_159 = arith.constant 96 : index
    %get3A_160 = tpu.vector_load %arg7[%get3A_159] {strides = array<i32>} : memref<20400xi32, #tpu.memory_space<vmem>>, vector<16xi32>,
    %and3A_161 = arith.constant 65535 : i32
    %and3A_162 = vector.broadcast %and3A_161 : i32 to vector<16xi32>
    %and3A_163 = arith.andi %get3A_160, %and3A_162 : vector<16xi32>
    %swap3A_164 = arith.constant 96 : index
    %swap3A_165 = tpu.vector_load %arg8[%swap3A_164] {strides = array<i32>} : memref<160xi32, #tpu.memory_space<vmem>>, vector<16xi32>,
    tpu.vector_store %arg8[%swap3A_164], %and3A_163 {strides = array<i32>} : memref<160xi32, #tpu.memory_space<vmem>>, vector<16xi32>,
    %shift_right_logical3A_166 = arith.constant 16 : i32
    %shift_right_logical3A_167 = vector.broadcast %shift_right_logical3A_166 : i32 to vector<16xi32>
    %shift_right_logical3A_168 = arith.shrui %get3A_160, %shift_right_logical3A_167 : vector<16xi32>
    %swap3A_169 = arith.constant 1 : i32
    %swap3A_170 = arith.index_cast %swap3A_169 : i32 to index
    %swap3A_171 = arith.constant 16 : index
    %swap3A_172 = tpu.vector_load %arg9[%swap3A_170, %swap3A_171] {strides = array<i32>} : memref<2x80xi32, #tpu.memory_space<vmem>>, vector<16xi32>,
    tpu.vector_store %arg9[%swap3A_170, %swap3A_171], %shift_right_logical3A_168 {strides = array<i32>} : memref<2x80xi32, #tpu.memory_space<vmem>>, vector<16xi32>,
    %get3A_173 = arith.constant 112 : index
    %get3A_174 = tpu.vector_load %arg7[%get3A_173] {strides = array<i32>} : memref<20400xi32, #tpu.memory_space<vmem>>, vector<16xi32>,
    %and3A_175 = arith.constant 65535 : i32
    %and3A_176 = vector.broadcast %and3A_175 : i32 to vector<16xi32>
    %and3A_177 = arith.andi %get3A_174, %and3A_176 : vector<16xi32>
    %swap3A_178 = arith.constant 112 : index
    %swap3A_179 = tpu.vector_load %arg8[%swap3A_178] {strides = array<i32>} : memref<160xi32, #tpu.memory_space<vmem>>, vector<16xi32>,
    tpu.vector_store %arg8[%swap3A_178], %and3A_177 {strides = array<i32>} : memref<160xi32, #tpu.memory_space<vmem>>, vector<16xi32>,
    %shift_right_logical3A_180 = arith.constant 16 : i32
    %shift_right_logical3A_181 = vector.broadcast %shift_right_logical3A_180 : i32 to vector<16xi32>
    %shift_right_logical3A_182 = arith.shrui %get3A_174, %shift_right_logical3A_181 : vector<16xi32>
    %swap3A_183 = arith.constant 1 : i32
    %swap3A_184 = arith.index_cast %swap3A_183 : i32 to index
    %swap3A_185 = arith.constant 32 : index
    %swap3A_186 = tpu.vector_load %arg9[%swap3A_184, %swap3A_185] {strides = array<i32>} : memref<2x80xi32, #tpu.memory_space<vmem>>, vector<16xi32>,
    tpu.vector_store %arg9[%swap3A_184, %swap3A_185], %shift_right_logical3A_182 {strides = array<i32>} : memref<2x80xi32, #tpu.memory_space<vmem>>, vector<16xi32>,
    %get3A_187 = arith.constant 128 : index
    %get3A_188 = tpu.vector_load %arg7[%get3A_187] {strides = array<i32>} : memref<20400xi32, #tpu.memory_space<vmem>>, vector<16xi32>,
    %and3A_189 = arith.constant 65535 : i32
    %and3A_190 = vector.broadcast %and3A_189 : i32 to vector<16xi32>
    %and3A_191 = arith.andi %get3A_188, %and3A_190 : vector<16xi32>
    %swap3A_192 = arith.constant 128 : index
    %swap3A_193 = tpu.vector_load %arg8[%swap3A_192] {strides = array<i32>} : memref<160xi32, #tpu.memory_space<vmem>>, vector<16xi32>,
    tpu.vector_store %arg8[%swap3A_192], %and3A_191 {strides = array<i32>} : memref<160xi32, #tpu.memory_space<vmem>>, vector<16xi32>,
    %shift_right_logical3A_194 = arith.constant 16 : i32
    %shift_right_logical3A_195 = vector.broadcast %shift_right_logical3A_194 : i32 to vector<16xi32>
    %shift_right_logical3A_196 = arith.shrui %get3A_188, %shift_right_logical3A_195 : vector<16xi32>
    %swap3A_197 = arith.constant 1 : i32
    %swap3A_198 = arith.index_cast %swap3A_197 : i32 to index
    %swap3A_199 = arith.constant 48 : index
    %swap3A_200 = tpu.vector_load %arg9[%swap3A_198, %swap3A_199] {strides = array<i32>} : memref<2x80xi32, #tpu.memory_space<vmem>>, vector<16xi32>,
    tpu.vector_store %arg9[%swap3A_198, %swap3A_199], %shift_right_logical3A_196 {strides = array<i32>} : memref<2x80xi32, #tpu.memory_space<vmem>>, vector<16xi32>,
    %get3A_201 = arith.constant 144 : index
    %get3A_202 = tpu.vector_load %arg7[%get3A_201] {strides = array<i32>} : memref<20400xi32, #tpu.memory_space<vmem>>, vector<16xi32>,
    %and3A_203 = arith.constant 65535 : i32
    %and3A_204 = vector.broadcast %and3A_203 : i32 to vector<16xi32>
    %and3A_205 = arith.andi %get3A_202, %and3A_204 : vector<16xi32>
    %swap3A_206 = arith.constant 144 : index
    %swap3A_207 = tpu.vector_load %arg8[%swap3A_206] {strides = array<i32>} : memref<160xi32, #tpu.memory_space<vmem>>, vector<16xi32>,
    tpu.vector_store %arg8[%swap3A_206], %and3A_205 {strides = array<i32>} : memref<160xi32, #tpu.memory_space<vmem>>, vector<16xi32>,
    %shift_right_logical3A_208 = arith.constant 16 : i32
    %shift_right_logical3A_209 = vector.broadcast %shift_right_logical3A_208 : i32 to vector<16xi32>
    %shift_right_logical3A_210 = arith.shrui %get3A_202, %shift_right_logical3A_209 : vector<16xi32>
    %swap3A_211 = arith.constant 1 : i32
    %swap3A_212 = arith.index_cast %swap3A_211 : i32 to index
    %swap3A_213 = arith.constant 64 : index
    %swap3A_214 = tpu.vector_load %arg9[%swap3A_212, %swap3A_213] {strides = array<i32>} : memref<2x80xi32, #tpu.memory_space<vmem>>, vector<16xi32>,
    tpu.vector_store %arg9[%swap3A_212, %swap3A_213], %shift_right_logical3A_210 {strides = array<i32>} : memref<2x80xi32, #tpu.memory_space<vmem>>, vector<16xi32>,
    %dma_start3A_215 = arith.constant 1 : i32
    %dma_start3A_216 = arith.constant 0 : i32
    %dma_start3A_217 = arith.constant 0 : i32
    %dma_start3A_218 = tpu.memref_slice %arg11[%dma_start3A_215, %dma_start3A_216, %dma_start3A_217] : memref<2x80x128xf32, #tpu.memory_space<vmem>> -> memref<1x80x128xf32, #tpu.memory_space<vmem>>
    %dma_start3A_219 = tpu.memref_squeeze %dma_start3A_218 : memref<1x80x128xf32, #tpu.memory_space<vmem>> -> memref<80x128xf32, #tpu.memory_space<vmem>>
    %dma_start3A_220 = arith.constant 80 : i32
    %dma_start3A_221 = tpu.memref_slice %arg8[%dma_start3A_220] : memref<160xi32, #tpu.memory_space<vmem>> -> memref<80xi32, #tpu.memory_space<vmem>>
    %dma_start3A_222 = arith.constant 0 : i32
    %dma_start3A_223 = arith.constant 0 : i32
    %dma_start3A_224 = tpu.memref_slice %arg2[%dma_start3A_222, %dma_start3A_223] : memref<10000x128xf32, #tpu.memory_space<hbm>> -> memref<10000x128xf32, #tpu.memory_space<hbm>>
    tpu.enqueue_indirect_dma source(%dma_start3A_224 : memref<10000x128xf32, #tpu.memory_space<hbm>>) target(%dma_start3A_219 : memref<80x128xf32, #tpu.memory_space<vmem>>) offsets(%dma_start3A_221 : memref<80xi32, #tpu.memory_space<vmem>>) semaphore(%arg13 : memref<!tpu.dma_semaphore, #tpu.memory_space<semaphore_mem>>)
    %while3A = arith.constant 0 : i32
    %while3A_225 = arith.constant 0 : i32
    %while3A_226 = arith.subi %max3A_63, %while3A_225 : i32
    %while3A_227 = arith.addi %while3A_225, %while3A_226 : i32
    %while3A_228 = arith.constant 1 : i32
    %while3A_229 = arith.divsi %while3A_226, %while3A_228 : i32
    %while3A_230 = arith.muli %while3A_229, %while3A_228 : i32
    %while3A_231 = arith.addi %while3A_225, %while3A_230 : i32
    %while3A_232 = arith.constant 1 : i32
    scf.for %while3A_237 = %while3A_225 to %while3A_231 step %while3A_232  : i32 {
      %mul3A_238 = arith.constant 2 : i32
      %mul3A_239 = arith.muli %while3A_237, %mul3A_238 : i32
      %add3A_240 = arith.constant 0 : i32
      %add3A_241 = arith.addi %mul3A_239, %add3A_240 : i32
      %dma_wait3A_242 = arith.constant 0 : i32
      %dma_wait3A_243 = arith.constant 0 : i32
      %dma_wait3A_244 = arith.constant 0 : i32
      %dma_wait3A_245 = tpu.memref_slice %arg11[%dma_wait3A_242, %dma_wait3A_243, %dma_wait3A_244] : memref<2x80x128xf32, #tpu.memory_space<vmem>> -> memref<1x80x128xf32, #tpu.memory_space<vmem>>
      %dma_wait3A_246 = tpu.memref_squeeze %dma_wait3A_245 : memref<1x80x128xf32, #tpu.memory_space<vmem>> -> memref<80x128xf32, #tpu.memory_space<vmem>>
      %dma_wait3A_247 = arith.constant 0 : i32
      %dma_wait3A_248 = tpu.memref_slice %arg8[%dma_wait3A_247] : memref<160xi32, #tpu.memory_space<vmem>> -> memref<80xi32, #tpu.memory_space<vmem>>
      %dma_wait3A_249 = arith.constant 0 : i32
      %dma_wait3A_250 = arith.constant 0 : i32
      %dma_wait3A_251 = tpu.memref_slice %arg2[%dma_wait3A_249, %dma_wait3A_250] : memref<10000x128xf32, #tpu.memory_space<hbm>> -> memref<10000x128xf32, #tpu.memory_space<hbm>>
      tpu.wait_indirect_dma semaphore(%arg13 : memref<!tpu.dma_semaphore, #tpu.memory_space<semaphore_mem>>) src(%dma_wait3A_251 : memref<10000x128xf32, #tpu.memory_space<hbm>>) dst(%dma_wait3A_246 : memref<80x128xf32, #tpu.memory_space<vmem>>)
      %run_scoped3A = arith.constant 0 : i32
      %run_scoped3A_252 = arith.constant 0 : i32
      "tpu.region"() ({
        %run_scoped3A_466 = tpu.sem_alloc : memref<!tpu.dma_semaphore, #tpu.memory_space<semaphore_mem>>
        %dma_start3A_467 = arith.constant 0 : i32
        %dma_start3A_468 = arith.constant 0 : i32
        %dma_start3A_469 = tpu.memref_slice %arg11[%run_scoped3A, %dma_start3A_467, %dma_start3A_468] : memref<2x80x128xf32, #tpu.memory_space<vmem>> -> memref<1x80x128xf32, #tpu.memory_space<vmem>>
        %dma_start3A_470 = tpu.memref_squeeze %dma_start3A_469 : memref<1x80x128xf32, #tpu.memory_space<vmem>> -> memref<80x128xf32, #tpu.memory_space<vmem>>
        %dma_start3A_471 = arith.constant 0 : i32
        %dma_start3A_472 = tpu.memref_slice %arg9[%run_scoped3A_252, %dma_start3A_471] : memref<2x80xi32, #tpu.memory_space<vmem>> -> memref<1x80xi32, #tpu.memory_space<vmem>>
        %dma_start3A_473 = tpu.memref_squeeze %dma_start3A_472 : memref<1x80xi32, #tpu.memory_space<vmem>> -> memref<80xi32, #tpu.memory_space<vmem>>
        %dma_start3A_474 = arith.constant 0 : i32
        %dma_start3A_475 = arith.constant 0 : i32
        %dma_start3A_476 = tpu.memref_slice %arg12[%dma_start3A_474, %dma_start3A_475] : memref<5128x128xf32, #tpu.memory_space<vmem_shared>> -> memref<5128x128xf32, #tpu.memory_space<vmem_shared>>
        tpu.enqueue_indirect_dma source(%dma_start3A_470 : memref<80x128xf32, #tpu.memory_space<vmem>>) target(%dma_start3A_476 : memref<5128x128xf32, #tpu.memory_space<vmem_shared>>) offsets(%dma_start3A_473 : memref<80xi32, #tpu.memory_space<vmem>>) semaphore(%run_scoped3A_466 : memref<!tpu.dma_semaphore, #tpu.memory_space<semaphore_mem>>) {add = true}
        %dma_wait3A_477 = arith.constant 0 : i32
        %dma_wait3A_478 = arith.constant 0 : i32
        %dma_wait3A_479 = tpu.memref_slice %arg11[%run_scoped3A, %dma_wait3A_477, %dma_wait3A_478] : memref<2x80x128xf32, #tpu.memory_space<vmem>> -> memref<1x80x128xf32, #tpu.memory_space<vmem>>
        %dma_wait3A_480 = tpu.memref_squeeze %dma_wait3A_479 : memref<1x80x128xf32, #tpu.memory_space<vmem>> -> memref<80x128xf32, #tpu.memory_space<vmem>>
        %dma_wait3A_481 = arith.constant 0 : i32
        %dma_wait3A_482 = tpu.memref_slice %arg9[%run_scoped3A_252, %dma_wait3A_481] : memref<2x80xi32, #tpu.memory_space<vmem>> -> memref<1x80xi32, #tpu.memory_space<vmem>>
        %dma_wait3A_483 = tpu.memref_squeeze %dma_wait3A_482 : memref<1x80xi32, #tpu.memory_space<vmem>> -> memref<80xi32, #tpu.memory_space<vmem>>
        %dma_wait3A_484 = arith.constant 0 : i32
        %dma_wait3A_485 = arith.constant 0 : i32
        %dma_wait3A_486 = tpu.memref_slice %arg12[%dma_wait3A_484, %dma_wait3A_485] : memref<5128x128xf32, #tpu.memory_space<vmem_shared>> -> memref<5128x128xf32, #tpu.memory_space<vmem_shared>>
        tpu.wait_indirect_dma semaphore(%run_scoped3A_466 : memref<!tpu.dma_semaphore, #tpu.memory_space<semaphore_mem>>) src(%dma_wait3A_480 : memref<80x128xf32, #tpu.memory_space<vmem>>) dst(%dma_wait3A_486 : memref<5128x128xf32, #tpu.memory_space<vmem_shared>>)
        tpu.yield
      }) : () -> ()
      %add3A_253 = arith.constant 2 : i32
      %add3A_254 = arith.addi %add3A_241, %add3A_253 : i32
      %mul3A_255 = arith.constant 80 : i32
      %mul3A_256 = arith.muli %add3A_254, %mul3A_255 : i32
      %add3A_257 = arith.constant 0 : i32
      %add3A_258 = arith.addi %mul3A_256, %add3A_257 : i32
      %get3A_259 = arith.index_cast %add3A_258 : i32 to index
      %get3A_260 = tpu.vector_load %arg7[%get3A_259] {strides = array<i32>} : memref<20400xi32, #tpu.memory_space<vmem>>, vector<16xi32>,
      %and3A_261 = arith.constant 65535 : i32
      %and3A_262 = vector.broadcast %and3A_261 : i32 to vector<16xi32>
      %and3A_263 = arith.andi %get3A_260, %and3A_262 : vector<16xi32>
      %swap3A_264 = arith.constant 0 : index
      %swap3A_265 = tpu.vector_load %arg8[%swap3A_264] {strides = array<i32>} : memref<160xi32, #tpu.memory_space<vmem>>, vector<16xi32>,
      tpu.vector_store %arg8[%swap3A_264], %and3A_263 {strides = array<i32>} : memref<160xi32, #tpu.memory_space<vmem>>, vector<16xi32>,
      %shift_right_logical3A_266 = arith.constant 16 : i32
      %shift_right_logical3A_267 = vector.broadcast %shift_right_logical3A_266 : i32 to vector<16xi32>
      %shift_right_logical3A_268 = arith.shrui %get3A_260, %shift_right_logical3A_267 : vector<16xi32>
      %swap3A_269 = arith.constant 0 : i32
      %swap3A_270 = arith.index_cast %swap3A_269 : i32 to index
      %swap3A_271 = arith.constant 0 : index
      %swap3A_272 = tpu.vector_load %arg9[%swap3A_270, %swap3A_271] {strides = array<i32>} : memref<2x80xi32, #tpu.memory_space<vmem>>, vector<16xi32>,
      tpu.vector_store %arg9[%swap3A_270, %swap3A_271], %shift_right_logical3A_268 {strides = array<i32>} : memref<2x80xi32, #tpu.memory_space<vmem>>, vector<16xi32>,
      %mul3A_273 = arith.constant 80 : i32
      %mul3A_274 = arith.muli %add3A_254, %mul3A_273 : i32
      %add3A_275 = arith.constant 16 : i32
      %add3A_276 = arith.addi %mul3A_274, %add3A_275 : i32
      %get3A_277 = arith.index_cast %add3A_276 : i32 to index
      %get3A_278 = tpu.vector_load %arg7[%get3A_277] {strides = array<i32>} : memref<20400xi32, #tpu.memory_space<vmem>>, vector<16xi32>,
      %and3A_279 = arith.constant 65535 : i32
      %and3A_280 = vector.broadcast %and3A_279 : i32 to vector<16xi32>
      %and3A_281 = arith.andi %get3A_278, %and3A_280 : vector<16xi32>
      %swap3A_282 = arith.constant 16 : index
      %swap3A_283 = tpu.vector_load %arg8[%swap3A_282] {strides = array<i32>} : memref<160xi32, #tpu.memory_space<vmem>>, vector<16xi32>,
      tpu.vector_store %arg8[%swap3A_282], %and3A_281 {strides = array<i32>} : memref<160xi32, #tpu.memory_space<vmem>>, vector<16xi32>,
      %shift_right_logical3A_284 = arith.constant 16 : i32
      %shift_right_logical3A_285 = vector.broadcast %shift_right_logical3A_284 : i32 to vector<16xi32>
      %shift_right_logical3A_286 = arith.shrui %get3A_278, %shift_right_logical3A_285 : vector<16xi32>
      %swap3A_287 = arith.constant 0 : i32
      %swap3A_288 = arith.index_cast %swap3A_287 : i32 to index
      %swap3A_289 = arith.constant 16 : index
      %swap3A_290 = tpu.vector_load %arg9[%swap3A_288, %swap3A_289] {strides = array<i32>} : memref<2x80xi32, #tpu.memory_space<vmem>>, vector<16xi32>,
      tpu.vector_store %arg9[%swap3A_288, %swap3A_289], %shift_right_logical3A_286 {strides = array<i32>} : memref<2x80xi32, #tpu.memory_space<vmem>>, vector<16xi32>,
      %mul3A_291 = arith.constant 80 : i32
      %mul3A_292 = arith.muli %add3A_254, %mul3A_291 : i32
      %add3A_293 = arith.constant 32 : i32
      %add3A_294 = arith.addi %mul3A_292, %add3A_293 : i32
      %get3A_295 = arith.index_cast %add3A_294 : i32 to index
      %get3A_296 = tpu.vector_load %arg7[%get3A_295] {strides = array<i32>} : memref<20400xi32, #tpu.memory_space<vmem>>, vector<16xi32>,
      %and3A_297 = arith.constant 65535 : i32
      %and3A_298 = vector.broadcast %and3A_297 : i32 to vector<16xi32>
      %and3A_299 = arith.andi %get3A_296, %and3A_298 : vector<16xi32>
      %swap3A_300 = arith.constant 32 : index
      %swap3A_301 = tpu.vector_load %arg8[%swap3A_300] {strides = array<i32>} : memref<160xi32, #tpu.memory_space<vmem>>, vector<16xi32>,
      tpu.vector_store %arg8[%swap3A_300], %and3A_299 {strides = array<i32>} : memref<160xi32, #tpu.memory_space<vmem>>, vector<16xi32>,
      %shift_right_logical3A_302 = arith.constant 16 : i32
      %shift_right_logical3A_303 = vector.broadcast %shift_right_logical3A_302 : i32 to vector<16xi32>
      %shift_right_logical3A_304 = arith.shrui %get3A_296, %shift_right_logical3A_303 : vector<16xi32>
      %swap3A_305 = arith.constant 0 : i32
      %swap3A_306 = arith.index_cast %swap3A_305 : i32 to index
      %swap3A_307 = arith.constant 32 : index
      %swap3A_308 = tpu.vector_load %arg9[%swap3A_306, %swap3A_307] {strides = array<i32>} : memref<2x80xi32, #tpu.memory_space<vmem>>, vector<16xi32>,
      tpu.vector_store %arg9[%swap3A_306, %swap3A_307], %shift_right_logical3A_304 {strides = array<i32>} : memref<2x80xi32, #tpu.memory_space<vmem>>, vector<16xi32>,
      %mul3A_309 = arith.constant 80 : i32
      %mul3A_310 = arith.muli %add3A_254, %mul3A_309 : i32
      %add3A_311 = arith.constant 48 : i32
      %add3A_312 = arith.addi %mul3A_310, %add3A_311 : i32
      %get3A_313 = arith.index_cast %add3A_312 : i32 to index
      %get3A_314 = tpu.vector_load %arg7[%get3A_313] {strides = array<i32>} : memref<20400xi32, #tpu.memory_space<vmem>>, vector<16xi32>,
      %and3A_315 = arith.constant 65535 : i32
      %and3A_316 = vector.broadcast %and3A_315 : i32 to vector<16xi32>
      %and3A_317 = arith.andi %get3A_314, %and3A_316 : vector<16xi32>
      %swap3A_318 = arith.constant 48 : index
      %swap3A_319 = tpu.vector_load %arg8[%swap3A_318] {strides = array<i32>} : memref<160xi32, #tpu.memory_space<vmem>>, vector<16xi32>,
      tpu.vector_store %arg8[%swap3A_318], %and3A_317 {strides = array<i32>} : memref<160xi32, #tpu.memory_space<vmem>>, vector<16xi32>,
      %shift_right_logical3A_320 = arith.constant 16 : i32
      %shift_right_logical3A_321 = vector.broadcast %shift_right_logical3A_320 : i32 to vector<16xi32>
      %shift_right_logical3A_322 = arith.shrui %get3A_314, %shift_right_logical3A_321 : vector<16xi32>
      %swap3A_323 = arith.constant 0 : i32
      %swap3A_324 = arith.index_cast %swap3A_323 : i32 to index
      %swap3A_325 = arith.constant 48 : index
      %swap3A_326 = tpu.vector_load %arg9[%swap3A_324, %swap3A_325] {strides = array<i32>} : memref<2x80xi32, #tpu.memory_space<vmem>>, vector<16xi32>,
      tpu.vector_store %arg9[%swap3A_324, %swap3A_325], %shift_right_logical3A_322 {strides = array<i32>} : memref<2x80xi32, #tpu.memory_space<vmem>>, vector<16xi32>,
      %mul3A_327 = arith.constant 80 : i32
      %mul3A_328 = arith.muli %add3A_254, %mul3A_327 : i32
      %add3A_329 = arith.constant 64 : i32
      %add3A_330 = arith.addi %mul3A_328, %add3A_329 : i32
      %get3A_331 = arith.index_cast %add3A_330 : i32 to index
      %get3A_332 = tpu.vector_load %arg7[%get3A_331] {strides = array<i32>} : memref<20400xi32, #tpu.memory_space<vmem>>, vector<16xi32>,
      %and3A_333 = arith.constant 65535 : i32
      %and3A_334 = vector.broadcast %and3A_333 : i32 to vector<16xi32>
      %and3A_335 = arith.andi %get3A_332, %and3A_334 : vector<16xi32>
      %swap3A_336 = arith.constant 64 : index
      %swap3A_337 = tpu.vector_load %arg8[%swap3A_336] {strides = array<i32>} : memref<160xi32, #tpu.memory_space<vmem>>, vector<16xi32>,
      tpu.vector_store %arg8[%swap3A_336], %and3A_335 {strides = array<i32>} : memref<160xi32, #tpu.memory_space<vmem>>, vector<16xi32>,
      %shift_right_logical3A_338 = arith.constant 16 : i32
      %shift_right_logical3A_339 = vector.broadcast %shift_right_logical3A_338 : i32 to vector<16xi32>
      %shift_right_logical3A_340 = arith.shrui %get3A_332, %shift_right_logical3A_339 : vector<16xi32>
      %swap3A_341 = arith.constant 0 : i32
      %swap3A_342 = arith.index_cast %swap3A_341 : i32 to index
      %swap3A_343 = arith.constant 64 : index
      %swap3A_344 = tpu.vector_load %arg9[%swap3A_342, %swap3A_343] {strides = array<i32>} : memref<2x80xi32, #tpu.memory_space<vmem>>, vector<16xi32>,
      tpu.vector_store %arg9[%swap3A_342, %swap3A_343], %shift_right_logical3A_340 {strides = array<i32>} : memref<2x80xi32, #tpu.memory_space<vmem>>, vector<16xi32>,
      %add3A_345 = arith.constant 2 : i32
      %add3A_346 = arith.addi %add3A_241, %add3A_345 : i32
      %mul3A_347 = arith.constant 2 : i32
      %mul3A_348 = arith.muli %max3A_63, %mul3A_347 : i32
      %lt3A = arith.cmpi slt, %add3A_346, %mul3A_348 : i32
      %convert_element_type3A = arith.extui %lt3A : i1 to i32
      %cond3A = arith.constant 0 : i32
      %cond3A_349 = arith.cmpi ne, %convert_element_type3A, %cond3A : i32
      scf.if %cond3A_349 {
        %dma_start3A_466 = arith.constant 0 : i32
        %dma_start3A_467 = arith.constant 0 : i32
        %dma_start3A_468 = arith.constant 0 : i32
        %dma_start3A_469 = tpu.memref_slice %arg11[%dma_start3A_466, %dma_start3A_467, %dma_start3A_468] : memref<2x80x128xf32, #tpu.memory_space<vmem>> -> memref<1x80x128xf32, #tpu.memory_space<vmem>>
        %dma_start3A_470 = tpu.memref_squeeze %dma_start3A_469 : memref<1x80x128xf32, #tpu.memory_space<vmem>> -> memref<80x128xf32, #tpu.memory_space<vmem>>
        %dma_start3A_471 = arith.constant 0 : i32
        %dma_start3A_472 = tpu.memref_slice %arg8[%dma_start3A_471] : memref<160xi32, #tpu.memory_space<vmem>> -> memref<80xi32, #tpu.memory_space<vmem>>
        %dma_start3A_473 = arith.constant 0 : i32
        %dma_start3A_474 = arith.constant 0 : i32
        %dma_start3A_475 = tpu.memref_slice %arg2[%dma_start3A_473, %dma_start3A_474] : memref<10000x128xf32, #tpu.memory_space<hbm>> -> memref<10000x128xf32, #tpu.memory_space<hbm>>
        tpu.enqueue_indirect_dma source(%dma_start3A_475 : memref<10000x128xf32, #tpu.memory_space<hbm>>) target(%dma_start3A_470 : memref<80x128xf32, #tpu.memory_space<vmem>>) offsets(%dma_start3A_472 : memref<80xi32, #tpu.memory_space<vmem>>) semaphore(%arg13 : memref<!tpu.dma_semaphore, #tpu.memory_space<semaphore_mem>>)
      } else {
      }
      %mul3A_350 = arith.constant 2 : i32
      %mul3A_351 = arith.muli %while3A_237, %mul3A_350 : i32
      %add3A_352 = arith.constant 1 : i32
      %add3A_353 = arith.addi %mul3A_351, %add3A_352 : i32
      %dma_wait3A_354 = arith.constant 1 : i32
      %dma_wait3A_355 = arith.constant 0 : i32
      %dma_wait3A_356 = arith.constant 0 : i32
      %dma_wait3A_357 = tpu.memref_slice %arg11[%dma_wait3A_354, %dma_wait3A_355, %dma_wait3A_356] : memref<2x80x128xf32, #tpu.memory_space<vmem>> -> memref<1x80x128xf32, #tpu.memory_space<vmem>>
      %dma_wait3A_358 = tpu.memref_squeeze %dma_wait3A_357 : memref<1x80x128xf32, #tpu.memory_space<vmem>> -> memref<80x128xf32, #tpu.memory_space<vmem>>
      %dma_wait3A_359 = arith.constant 80 : i32
      %dma_wait3A_360 = tpu.memref_slice %arg8[%dma_wait3A_359] : memref<160xi32, #tpu.memory_space<vmem>> -> memref<80xi32, #tpu.memory_space<vmem>>
      %dma_wait3A_361 = arith.constant 0 : i32
      %dma_wait3A_362 = arith.constant 0 : i32
      %dma_wait3A_363 = tpu.memref_slice %arg2[%dma_wait3A_361, %dma_wait3A_362] : memref<10000x128xf32, #tpu.memory_space<hbm>> -> memref<10000x128xf32, #tpu.memory_space<hbm>>
      tpu.wait_indirect_dma semaphore(%arg13 : memref<!tpu.dma_semaphore, #tpu.memory_space<semaphore_mem>>) src(%dma_wait3A_363 : memref<10000x128xf32, #tpu.memory_space<hbm>>) dst(%dma_wait3A_358 : memref<80x128xf32, #tpu.memory_space<vmem>>)
      %run_scoped3A_364 = arith.constant 1 : i32
      %run_scoped3A_365 = arith.constant 1 : i32
      "tpu.region"() ({
        %run_scoped3A_466 = tpu.sem_alloc : memref<!tpu.dma_semaphore, #tpu.memory_space<semaphore_mem>>
        %dma_start3A_467 = arith.constant 0 : i32
        %dma_start3A_468 = arith.constant 0 : i32
        %dma_start3A_469 = tpu.memref_slice %arg11[%run_scoped3A_364, %dma_start3A_467, %dma_start3A_468] : memref<2x80x128xf32, #tpu.memory_space<vmem>> -> memref<1x80x128xf32, #tpu.memory_space<vmem>>
        %dma_start3A_470 = tpu.memref_squeeze %dma_start3A_469 : memref<1x80x128xf32, #tpu.memory_space<vmem>> -> memref<80x128xf32, #tpu.memory_space<vmem>>
        %dma_start3A_471 = arith.constant 0 : i32
        %dma_start3A_472 = tpu.memref_slice %arg9[%run_scoped3A_365, %dma_start3A_471] : memref<2x80xi32, #tpu.memory_space<vmem>> -> memref<1x80xi32, #tpu.memory_space<vmem>>
        %dma_start3A_473 = tpu.memref_squeeze %dma_start3A_472 : memref<1x80xi32, #tpu.memory_space<vmem>> -> memref<80xi32, #tpu.memory_space<vmem>>
        %dma_start3A_474 = arith.constant 0 : i32
        %dma_start3A_475 = arith.constant 0 : i32
        %dma_start3A_476 = tpu.memref_slice %arg12[%dma_start3A_474, %dma_start3A_475] : memref<5128x128xf32, #tpu.memory_space<vmem_shared>> -> memref<5128x128xf32, #tpu.memory_space<vmem_shared>>
        tpu.enqueue_indirect_dma source(%dma_start3A_470 : memref<80x128xf32, #tpu.memory_space<vmem>>) target(%dma_start3A_476 : memref<5128x128xf32, #tpu.memory_space<vmem_shared>>) offsets(%dma_start3A_473 : memref<80xi32, #tpu.memory_space<vmem>>) semaphore(%run_scoped3A_466 : memref<!tpu.dma_semaphore, #tpu.memory_space<semaphore_mem>>) {add = true}
        %dma_wait3A_477 = arith.constant 0 : i32
        %dma_wait3A_478 = arith.constant 0 : i32
        %dma_wait3A_479 = tpu.memref_slice %arg11[%run_scoped3A_364, %dma_wait3A_477, %dma_wait3A_478] : memref<2x80x128xf32, #tpu.memory_space<vmem>> -> memref<1x80x128xf32, #tpu.memory_space<vmem>>
        %dma_wait3A_480 = tpu.memref_squeeze %dma_wait3A_479 : memref<1x80x128xf32, #tpu.memory_space<vmem>> -> memref<80x128xf32, #tpu.memory_space<vmem>>
        %dma_wait3A_481 = arith.constant 0 : i32
        %dma_wait3A_482 = tpu.memref_slice %arg9[%run_scoped3A_365, %dma_wait3A_481] : memref<2x80xi32, #tpu.memory_space<vmem>> -> memref<1x80xi32, #tpu.memory_space<vmem>>
        %dma_wait3A_483 = tpu.memref_squeeze %dma_wait3A_482 : memref<1x80xi32, #tpu.memory_space<vmem>> -> memref<80xi32, #tpu.memory_space<vmem>>
        %dma_wait3A_484 = arith.constant 0 : i32
        %dma_wait3A_485 = arith.constant 0 : i32
        %dma_wait3A_486 = tpu.memref_slice %arg12[%dma_wait3A_484, %dma_wait3A_485] : memref<5128x128xf32, #tpu.memory_space<vmem_shared>> -> memref<5128x128xf32, #tpu.memory_space<vmem_shared>>
        tpu.wait_indirect_dma semaphore(%run_scoped3A_466 : memref<!tpu.dma_semaphore, #tpu.memory_space<semaphore_mem>>) src(%dma_wait3A_480 : memref<80x128xf32, #tpu.memory_space<vmem>>) dst(%dma_wait3A_486 : memref<5128x128xf32, #tpu.memory_space<vmem_shared>>)
        tpu.yield
      }) : () -> ()
      %add3A_366 = arith.constant 2 : i32
      %add3A_367 = arith.addi %add3A_353, %add3A_366 : i32
      %mul3A_368 = arith.constant 80 : i32
      %mul3A_369 = arith.muli %add3A_367, %mul3A_368 : i32
      %add3A_370 = arith.constant 0 : i32
      %add3A_371 = arith.addi %mul3A_369, %add3A_370 : i32
      %get3A_372 = arith.index_cast %add3A_371 : i32 to index
      %get3A_373 = tpu.vector_load %arg7[%get3A_372] {strides = array<i32>} : memref<20400xi32, #tpu.memory_space<vmem>>, vector<16xi32>,
      %and3A_374 = arith.constant 65535 : i32
      %and3A_375 = vector.broadcast %and3A_374 : i32 to vector<16xi32>
      %and3A_376 = arith.andi %get3A_373, %and3A_375 : vector<16xi32>
      %swap3A_377 = arith.constant 80 : index
      %swap3A_378 = tpu.vector_load %arg8[%swap3A_377] {strides = array<i32>} : memref<160xi32, #tpu.memory_space<vmem>>, vector<16xi32>,
      tpu.vector_store %arg8[%swap3A_377], %and3A_376 {strides = array<i32>} : memref<160xi32, #tpu.memory_space<vmem>>, vector<16xi32>,
      %shift_right_logical3A_379 = arith.constant 16 : i32
      %shift_right_logical3A_380 = vector.broadcast %shift_right_logical3A_379 : i32 to vector<16xi32>
      %shift_right_logical3A_381 = arith.shrui %get3A_373, %shift_right_logical3A_380 : vector<16xi32>
      %swap3A_382 = arith.constant 1 : i32
      %swap3A_383 = arith.index_cast %swap3A_382 : i32 to index
      %swap3A_384 = arith.constant 0 : index
      %swap3A_385 = tpu.vector_load %arg9[%swap3A_383, %swap3A_384] {strides = array<i32>} : memref<2x80xi32, #tpu.memory_space<vmem>>, vector<16xi32>,
      tpu.vector_store %arg9[%swap3A_383, %swap3A_384], %shift_right_logical3A_381 {strides = array<i32>} : memref<2x80xi32, #tpu.memory_space<vmem>>, vector<16xi32>,
      %mul3A_386 = arith.constant 80 : i32
      %mul3A_387 = arith.muli %add3A_367, %mul3A_386 : i32
      %add3A_388 = arith.constant 16 : i32
      %add3A_389 = arith.addi %mul3A_387, %add3A_388 : i32
      %get3A_390 = arith.index_cast %add3A_389 : i32 to index
      %get3A_391 = tpu.vector_load %arg7[%get3A_390] {strides = array<i32>} : memref<20400xi32, #tpu.memory_space<vmem>>, vector<16xi32>,
      %and3A_392 = arith.constant 65535 : i32
      %and3A_393 = vector.broadcast %and3A_392 : i32 to vector<16xi32>
      %and3A_394 = arith.andi %get3A_391, %and3A_393 : vector<16xi32>
      %swap3A_395 = arith.constant 96 : index
      %swap3A_396 = tpu.vector_load %arg8[%swap3A_395] {strides = array<i32>} : memref<160xi32, #tpu.memory_space<vmem>>, vector<16xi32>,
      tpu.vector_store %arg8[%swap3A_395], %and3A_394 {strides = array<i32>} : memref<160xi32, #tpu.memory_space<vmem>>, vector<16xi32>,
      %shift_right_logical3A_397 = arith.constant 16 : i32
      %shift_right_logical3A_398 = vector.broadcast %shift_right_logical3A_397 : i32 to vector<16xi32>
      %shift_right_logical3A_399 = arith.shrui %get3A_391, %shift_right_logical3A_398 : vector<16xi32>
      %swap3A_400 = arith.constant 1 : i32
      %swap3A_401 = arith.index_cast %swap3A_400 : i32 to index
      %swap3A_402 = arith.constant 16 : index
      %swap3A_403 = tpu.vector_load %arg9[%swap3A_401, %swap3A_402] {strides = array<i32>} : memref<2x80xi32, #tpu.memory_space<vmem>>, vector<16xi32>,
      tpu.vector_store %arg9[%swap3A_401, %swap3A_402], %shift_right_logical3A_399 {strides = array<i32>} : memref<2x80xi32, #tpu.memory_space<vmem>>, vector<16xi32>,
      %mul3A_404 = arith.constant 80 : i32
      %mul3A_405 = arith.muli %add3A_367, %mul3A_404 : i32
      %add3A_406 = arith.constant 32 : i32
      %add3A_407 = arith.addi %mul3A_405, %add3A_406 : i32
      %get3A_408 = arith.index_cast %add3A_407 : i32 to index
      %get3A_409 = tpu.vector_load %arg7[%get3A_408] {strides = array<i32>} : memref<20400xi32, #tpu.memory_space<vmem>>, vector<16xi32>,
      %and3A_410 = arith.constant 65535 : i32
      %and3A_411 = vector.broadcast %and3A_410 : i32 to vector<16xi32>
      %and3A_412 = arith.andi %get3A_409, %and3A_411 : vector<16xi32>
      %swap3A_413 = arith.constant 112 : index
      %swap3A_414 = tpu.vector_load %arg8[%swap3A_413] {strides = array<i32>} : memref<160xi32, #tpu.memory_space<vmem>>, vector<16xi32>,
      tpu.vector_store %arg8[%swap3A_413], %and3A_412 {strides = array<i32>} : memref<160xi32, #tpu.memory_space<vmem>>, vector<16xi32>,
      %shift_right_logical3A_415 = arith.constant 16 : i32
      %shift_right_logical3A_416 = vector.broadcast %shift_right_logical3A_415 : i32 to vector<16xi32>
      %shift_right_logical3A_417 = arith.shrui %get3A_409, %shift_right_logical3A_416 : vector<16xi32>
      %swap3A_418 = arith.constant 1 : i32
      %swap3A_419 = arith.index_cast %swap3A_418 : i32 to index
      %swap3A_420 = arith.constant 32 : index
      %swap3A_421 = tpu.vector_load %arg9[%swap3A_419, %swap3A_420] {strides = array<i32>} : memref<2x80xi32, #tpu.memory_space<vmem>>, vector<16xi32>,
      tpu.vector_store %arg9[%swap3A_419, %swap3A_420], %shift_right_logical3A_417 {strides = array<i32>} : memref<2x80xi32, #tpu.memory_space<vmem>>, vector<16xi32>,
      %mul3A_422 = arith.constant 80 : i32
      %mul3A_423 = arith.muli %add3A_367, %mul3A_422 : i32
      %add3A_424 = arith.constant 48 : i32
      %add3A_425 = arith.addi %mul3A_423, %add3A_424 : i32
      %get3A_426 = arith.index_cast %add3A_425 : i32 to index
      %get3A_427 = tpu.vector_load %arg7[%get3A_426] {strides = array<i32>} : memref<20400xi32, #tpu.memory_space<vmem>>, vector<16xi32>,
      %and3A_428 = arith.constant 65535 : i32
      %and3A_429 = vector.broadcast %and3A_428 : i32 to vector<16xi32>
      %and3A_430 = arith.andi %get3A_427, %and3A_429 : vector<16xi32>
      %swap3A_431 = arith.constant 128 : index
      %swap3A_432 = tpu.vector_load %arg8[%swap3A_431] {strides = array<i32>} : memref<160xi32, #tpu.memory_space<vmem>>, vector<16xi32>,
      tpu.vector_store %arg8[%swap3A_431], %and3A_430 {strides = array<i32>} : memref<160xi32, #tpu.memory_space<vmem>>, vector<16xi32>,
      %shift_right_logical3A_433 = arith.constant 16 : i32
      %shift_right_logical3A_434 = vector.broadcast %shift_right_logical3A_433 : i32 to vector<16xi32>
      %shift_right_logical3A_435 = arith.shrui %get3A_427, %shift_right_logical3A_434 : vector<16xi32>
      %swap3A_436 = arith.constant 1 : i32
      %swap3A_437 = arith.index_cast %swap3A_436 : i32 to index
      %swap3A_438 = arith.constant 48 : index
      %swap3A_439 = tpu.vector_load %arg9[%swap3A_437, %swap3A_438] {strides = array<i32>} : memref<2x80xi32, #tpu.memory_space<vmem>>, vector<16xi32>,
      tpu.vector_store %arg9[%swap3A_437, %swap3A_438], %shift_right_logical3A_435 {strides = array<i32>} : memref<2x80xi32, #tpu.memory_space<vmem>>, vector<16xi32>,
      %mul3A_440 = arith.constant 80 : i32
      %mul3A_441 = arith.muli %add3A_367, %mul3A_440 : i32
      %add3A_442 = arith.constant 64 : i32
      %add3A_443 = arith.addi %mul3A_441, %add3A_442 : i32
      %get3A_444 = arith.index_cast %add3A_443 : i32 to index
      %get3A_445 = tpu.vector_load %arg7[%get3A_444] {strides = array<i32>} : memref<20400xi32, #tpu.memory_space<vmem>>, vector<16xi32>,
      %and3A_446 = arith.constant 65535 : i32
      %and3A_447 = vector.broadcast %and3A_446 : i32 to vector<16xi32>
      %and3A_448 = arith.andi %get3A_445, %and3A_447 : vector<16xi32>
      %swap3A_449 = arith.constant 144 : index
      %swap3A_450 = tpu.vector_load %arg8[%swap3A_449] {strides = array<i32>} : memref<160xi32, #tpu.memory_space<vmem>>, vector<16xi32>,
      tpu.vector_store %arg8[%swap3A_449], %and3A_448 {strides = array<i32>} : memref<160xi32, #tpu.memory_space<vmem>>, vector<16xi32>,
      %shift_right_logical3A_451 = arith.constant 16 : i32
      %shift_right_logical3A_452 = vector.broadcast %shift_right_logical3A_451 : i32 to vector<16xi32>
      %shift_right_logical3A_453 = arith.shrui %get3A_445, %shift_right_logical3A_452 : vector<16xi32>
      %swap3A_454 = arith.constant 1 : i32
      %swap3A_455 = arith.index_cast %swap3A_454 : i32 to index
      %swap3A_456 = arith.constant 64 : index
      %swap3A_457 = tpu.vector_load %arg9[%swap3A_455, %swap3A_456] {strides = array<i32>} : memref<2x80xi32, #tpu.memory_space<vmem>>, vector<16xi32>,
      tpu.vector_store %arg9[%swap3A_455, %swap3A_456], %shift_right_logical3A_453 {strides = array<i32>} : memref<2x80xi32, #tpu.memory_space<vmem>>, vector<16xi32>,
      %add3A_458 = arith.constant 2 : i32
      %add3A_459 = arith.addi %add3A_353, %add3A_458 : i32
      %mul3A_460 = arith.constant 2 : i32
      %mul3A_461 = arith.muli %max3A_63, %mul3A_460 : i32
      %lt3A_462 = arith.cmpi slt, %add3A_459, %mul3A_461 : i32
      %convert_element_type3A_463 = arith.extui %lt3A_462 : i1 to i32
      %cond3A_464 = arith.constant 0 : i32
      %cond3A_465 = arith.cmpi ne, %convert_element_type3A_463, %cond3A_464 : i32
      scf.if %cond3A_465 {
        %dma_start3A_466 = arith.constant 1 : i32
        %dma_start3A_467 = arith.constant 0 : i32
        %dma_start3A_468 = arith.constant 0 : i32
        %dma_start3A_469 = tpu.memref_slice %arg11[%dma_start3A_466, %dma_start3A_467, %dma_start3A_468] : memref<2x80x128xf32, #tpu.memory_space<vmem>> -> memref<1x80x128xf32, #tpu.memory_space<vmem>>
        %dma_start3A_470 = tpu.memref_squeeze %dma_start3A_469 : memref<1x80x128xf32, #tpu.memory_space<vmem>> -> memref<80x128xf32, #tpu.memory_space<vmem>>
        %dma_start3A_471 = arith.constant 80 : i32
        %dma_start3A_472 = tpu.memref_slice %arg8[%dma_start3A_471] : memref<160xi32, #tpu.memory_space<vmem>> -> memref<80xi32, #tpu.memory_space<vmem>>
        %dma_start3A_473 = arith.constant 0 : i32
        %dma_start3A_474 = arith.constant 0 : i32
        %dma_start3A_475 = tpu.memref_slice %arg2[%dma_start3A_473, %dma_start3A_474] : memref<10000x128xf32, #tpu.memory_space<hbm>> -> memref<10000x128xf32, #tpu.memory_space<hbm>>
        tpu.enqueue_indirect_dma source(%dma_start3A_475 : memref<10000x128xf32, #tpu.memory_space<hbm>>) target(%dma_start3A_470 : memref<80x128xf32, #tpu.memory_space<vmem>>) offsets(%dma_start3A_472 : memref<80xi32, #tpu.memory_space<vmem>>) semaphore(%arg13 : memref<!tpu.dma_semaphore, #tpu.memory_space<semaphore_mem>>)
      } else {
      }
    }
    %while3A_233 = arith.constant 1 : i32
    scf.for %while3A_237 = %while3A_231 to %while3A_227 step %while3A_233  : i32 {
      %mul3A_238 = arith.constant 2 : i32
      %mul3A_239 = arith.muli %while3A_237, %mul3A_238 : i32
      %add3A_240 = arith.constant 0 : i32
      %add3A_241 = arith.addi %mul3A_239, %add3A_240 : i32
      %dma_wait3A_242 = arith.constant 0 : i32
      %dma_wait3A_243 = arith.constant 0 : i32
      %dma_wait3A_244 = arith.constant 0 : i32
      %dma_wait3A_245 = tpu.memref_slice %arg11[%dma_wait3A_242, %dma_wait3A_243, %dma_wait3A_244] : memref<2x80x128xf32, #tpu.memory_space<vmem>> -> memref<1x80x128xf32, #tpu.memory_space<vmem>>
      %dma_wait3A_246 = tpu.memref_squeeze %dma_wait3A_245 : memref<1x80x128xf32, #tpu.memory_space<vmem>> -> memref<80x128xf32, #tpu.memory_space<vmem>>
      %dma_wait3A_247 = arith.constant 0 : i32
      %dma_wait3A_248 = tpu.memref_slice %arg8[%dma_wait3A_247] : memref<160xi32, #tpu.memory_space<vmem>> -> memref<80xi32, #tpu.memory_space<vmem>>
      %dma_wait3A_249 = arith.constant 0 : i32
      %dma_wait3A_250 = arith.constant 0 : i32
      %dma_wait3A_251 = tpu.memref_slice %arg2[%dma_wait3A_249, %dma_wait3A_250] : memref<10000x128xf32, #tpu.memory_space<hbm>> -> memref<10000x128xf32, #tpu.memory_space<hbm>>
      tpu.wait_indirect_dma semaphore(%arg13 : memref<!tpu.dma_semaphore, #tpu.memory_space<semaphore_mem>>) src(%dma_wait3A_251 : memref<10000x128xf32, #tpu.memory_space<hbm>>) dst(%dma_wait3A_246 : memref<80x128xf32, #tpu.memory_space<vmem>>)
      %run_scoped3A = arith.constant 0 : i32
      %run_scoped3A_252 = arith.constant 0 : i32
      "tpu.region"() ({
        %run_scoped3A_466 = tpu.sem_alloc : memref<!tpu.dma_semaphore, #tpu.memory_space<semaphore_mem>>
        %dma_start3A_467 = arith.constant 0 : i32
        %dma_start3A_468 = arith.constant 0 : i32
        %dma_start3A_469 = tpu.memref_slice %arg11[%run_scoped3A, %dma_start3A_467, %dma_start3A_468] : memref<2x80x128xf32, #tpu.memory_space<vmem>> -> memref<1x80x128xf32, #tpu.memory_space<vmem>>
        %dma_start3A_470 = tpu.memref_squeeze %dma_start3A_469 : memref<1x80x128xf32, #tpu.memory_space<vmem>> -> memref<80x128xf32, #tpu.memory_space<vmem>>
        %dma_start3A_471 = arith.constant 0 : i32
        %dma_start3A_472 = tpu.memref_slice %arg9[%run_scoped3A_252, %dma_start3A_471] : memref<2x80xi32, #tpu.memory_space<vmem>> -> memref<1x80xi32, #tpu.memory_space<vmem>>
        %dma_start3A_473 = tpu.memref_squeeze %dma_start3A_472 : memref<1x80xi32, #tpu.memory_space<vmem>> -> memref<80xi32, #tpu.memory_space<vmem>>
        %dma_start3A_474 = arith.constant 0 : i32
        %dma_start3A_475 = arith.constant 0 : i32
        %dma_start3A_476 = tpu.memref_slice %arg12[%dma_start3A_474, %dma_start3A_475] : memref<5128x128xf32, #tpu.memory_space<vmem_shared>> -> memref<5128x128xf32, #tpu.memory_space<vmem_shared>>
        tpu.enqueue_indirect_dma source(%dma_start3A_470 : memref<80x128xf32, #tpu.memory_space<vmem>>) target(%dma_start3A_476 : memref<5128x128xf32, #tpu.memory_space<vmem_shared>>) offsets(%dma_start3A_473 : memref<80xi32, #tpu.memory_space<vmem>>) semaphore(%run_scoped3A_466 : memref<!tpu.dma_semaphore, #tpu.memory_space<semaphore_mem>>) {add = true}
        %dma_wait3A_477 = arith.constant 0 : i32
        %dma_wait3A_478 = arith.constant 0 : i32
        %dma_wait3A_479 = tpu.memref_slice %arg11[%run_scoped3A, %dma_wait3A_477, %dma_wait3A_478] : memref<2x80x128xf32, #tpu.memory_space<vmem>> -> memref<1x80x128xf32, #tpu.memory_space<vmem>>
        %dma_wait3A_480 = tpu.memref_squeeze %dma_wait3A_479 : memref<1x80x128xf32, #tpu.memory_space<vmem>> -> memref<80x128xf32, #tpu.memory_space<vmem>>
        %dma_wait3A_481 = arith.constant 0 : i32
        %dma_wait3A_482 = tpu.memref_slice %arg9[%run_scoped3A_252, %dma_wait3A_481] : memref<2x80xi32, #tpu.memory_space<vmem>> -> memref<1x80xi32, #tpu.memory_space<vmem>>
        %dma_wait3A_483 = tpu.memref_squeeze %dma_wait3A_482 : memref<1x80xi32, #tpu.memory_space<vmem>> -> memref<80xi32, #tpu.memory_space<vmem>>
        %dma_wait3A_484 = arith.constant 0 : i32
        %dma_wait3A_485 = arith.constant 0 : i32
        %dma_wait3A_486 = tpu.memref_slice %arg12[%dma_wait3A_484, %dma_wait3A_485] : memref<5128x128xf32, #tpu.memory_space<vmem_shared>> -> memref<5128x128xf32, #tpu.memory_space<vmem_shared>>
        tpu.wait_indirect_dma semaphore(%run_scoped3A_466 : memref<!tpu.dma_semaphore, #tpu.memory_space<semaphore_mem>>) src(%dma_wait3A_480 : memref<80x128xf32, #tpu.memory_space<vmem>>) dst(%dma_wait3A_486 : memref<5128x128xf32, #tpu.memory_space<vmem_shared>>)
        tpu.yield
      }) : () -> ()
      %add3A_253 = arith.constant 2 : i32
      %add3A_254 = arith.addi %add3A_241, %add3A_253 : i32
      %mul3A_255 = arith.constant 80 : i32
      %mul3A_256 = arith.muli %add3A_254, %mul3A_255 : i32
      %add3A_257 = arith.constant 0 : i32
      %add3A_258 = arith.addi %mul3A_256, %add3A_257 : i32
      %get3A_259 = arith.index_cast %add3A_258 : i32 to index
      %get3A_260 = tpu.vector_load %arg7[%get3A_259] {strides = array<i32>} : memref<20400xi32, #tpu.memory_space<vmem>>, vector<16xi32>,
      %and3A_261 = arith.constant 65535 : i32
      %and3A_262 = vector.broadcast %and3A_261 : i32 to vector<16xi32>
      %and3A_263 = arith.andi %get3A_260, %and3A_262 : vector<16xi32>
      %swap3A_264 = arith.constant 0 : index
      %swap3A_265 = tpu.vector_load %arg8[%swap3A_264] {strides = array<i32>} : memref<160xi32, #tpu.memory_space<vmem>>, vector<16xi32>,
      tpu.vector_store %arg8[%swap3A_264], %and3A_263 {strides = array<i32>} : memref<160xi32, #tpu.memory_space<vmem>>, vector<16xi32>,
      %shift_right_logical3A_266 = arith.constant 16 : i32
      %shift_right_logical3A_267 = vector.broadcast %shift_right_logical3A_266 : i32 to vector<16xi32>
      %shift_right_logical3A_268 = arith.shrui %get3A_260, %shift_right_logical3A_267 : vector<16xi32>
      %swap3A_269 = arith.constant 0 : i32
      %swap3A_270 = arith.index_cast %swap3A_269 : i32 to index
      %swap3A_271 = arith.constant 0 : index
      %swap3A_272 = tpu.vector_load %arg9[%swap3A_270, %swap3A_271] {strides = array<i32>} : memref<2x80xi32, #tpu.memory_space<vmem>>, vector<16xi32>,
      tpu.vector_store %arg9[%swap3A_270, %swap3A_271], %shift_right_logical3A_268 {strides = array<i32>} : memref<2x80xi32, #tpu.memory_space<vmem>>, vector<16xi32>,
      %mul3A_273 = arith.constant 80 : i32
      %mul3A_274 = arith.muli %add3A_254, %mul3A_273 : i32
      %add3A_275 = arith.constant 16 : i32
      %add3A_276 = arith.addi %mul3A_274, %add3A_275 : i32
      %get3A_277 = arith.index_cast %add3A_276 : i32 to index
      %get3A_278 = tpu.vector_load %arg7[%get3A_277] {strides = array<i32>} : memref<20400xi32, #tpu.memory_space<vmem>>, vector<16xi32>,
      %and3A_279 = arith.constant 65535 : i32
      %and3A_280 = vector.broadcast %and3A_279 : i32 to vector<16xi32>
      %and3A_281 = arith.andi %get3A_278, %and3A_280 : vector<16xi32>
      %swap3A_282 = arith.constant 16 : index
      %swap3A_283 = tpu.vector_load %arg8[%swap3A_282] {strides = array<i32>} : memref<160xi32, #tpu.memory_space<vmem>>, vector<16xi32>,
      tpu.vector_store %arg8[%swap3A_282], %and3A_281 {strides = array<i32>} : memref<160xi32, #tpu.memory_space<vmem>>, vector<16xi32>,
      %shift_right_logical3A_284 = arith.constant 16 : i32
      %shift_right_logical3A_285 = vector.broadcast %shift_right_logical3A_284 : i32 to vector<16xi32>
      %shift_right_logical3A_286 = arith.shrui %get3A_278, %shift_right_logical3A_285 : vector<16xi32>
      %swap3A_287 = arith.constant 0 : i32
      %swap3A_288 = arith.index_cast %swap3A_287 : i32 to index
      %swap3A_289 = arith.constant 16 : index
      %swap3A_290 = tpu.vector_load %arg9[%swap3A_288, %swap3A_289] {strides = array<i32>} : memref<2x80xi32, #tpu.memory_space<vmem>>, vector<16xi32>,
      tpu.vector_store %arg9[%swap3A_288, %swap3A_289], %shift_right_logical3A_286 {strides = array<i32>} : memref<2x80xi32, #tpu.memory_space<vmem>>, vector<16xi32>,
      %mul3A_291 = arith.constant 80 : i32
      %mul3A_292 = arith.muli %add3A_254, %mul3A_291 : i32
      %add3A_293 = arith.constant 32 : i32
      %add3A_294 = arith.addi %mul3A_292, %add3A_293 : i32
      %get3A_295 = arith.index_cast %add3A_294 : i32 to index
      %get3A_296 = tpu.vector_load %arg7[%get3A_295] {strides = array<i32>} : memref<20400xi32, #tpu.memory_space<vmem>>, vector<16xi32>,
      %and3A_297 = arith.constant 65535 : i32
      %and3A_298 = vector.broadcast %and3A_297 : i32 to vector<16xi32>
      %and3A_299 = arith.andi %get3A_296, %and3A_298 : vector<16xi32>
      %swap3A_300 = arith.constant 32 : index
      %swap3A_301 = tpu.vector_load %arg8[%swap3A_300] {strides = array<i32>} : memref<160xi32, #tpu.memory_space<vmem>>, vector<16xi32>,
      tpu.vector_store %arg8[%swap3A_300], %and3A_299 {strides = array<i32>} : memref<160xi32, #tpu.memory_space<vmem>>, vector<16xi32>,
      %shift_right_logical3A_302 = arith.constant 16 : i32
      %shift_right_logical3A_303 = vector.broadcast %shift_right_logical3A_302 : i32 to vector<16xi32>
      %shift_right_logical3A_304 = arith.shrui %get3A_296, %shift_right_logical3A_303 : vector<16xi32>
      %swap3A_305 = arith.constant 0 : i32
      %swap3A_306 = arith.index_cast %swap3A_305 : i32 to index
      %swap3A_307 = arith.constant 32 : index
      %swap3A_308 = tpu.vector_load %arg9[%swap3A_306, %swap3A_307] {strides = array<i32>} : memref<2x80xi32, #tpu.memory_space<vmem>>, vector<16xi32>,
      tpu.vector_store %arg9[%swap3A_306, %swap3A_307], %shift_right_logical3A_304 {strides = array<i32>} : memref<2x80xi32, #tpu.memory_space<vmem>>, vector<16xi32>,
      %mul3A_309 = arith.constant 80 : i32
      %mul3A_310 = arith.muli %add3A_254, %mul3A_309 : i32
      %add3A_311 = arith.constant 48 : i32
      %add3A_312 = arith.addi %mul3A_310, %add3A_311 : i32
      %get3A_313 = arith.index_cast %add3A_312 : i32 to index
      %get3A_314 = tpu.vector_load %arg7[%get3A_313] {strides = array<i32>} : memref<20400xi32, #tpu.memory_space<vmem>>, vector<16xi32>,
      %and3A_315 = arith.constant 65535 : i32
      %and3A_316 = vector.broadcast %and3A_315 : i32 to vector<16xi32>
      %and3A_317 = arith.andi %get3A_314, %and3A_316 : vector<16xi32>
      %swap3A_318 = arith.constant 48 : index
      %swap3A_319 = tpu.vector_load %arg8[%swap3A_318] {strides = array<i32>} : memref<160xi32, #tpu.memory_space<vmem>>, vector<16xi32>,
      tpu.vector_store %arg8[%swap3A_318], %and3A_317 {strides = array<i32>} : memref<160xi32, #tpu.memory_space<vmem>>, vector<16xi32>,
      %shift_right_logical3A_320 = arith.constant 16 : i32
      %shift_right_logical3A_321 = vector.broadcast %shift_right_logical3A_320 : i32 to vector<16xi32>
      %shift_right_logical3A_322 = arith.shrui %get3A_314, %shift_right_logical3A_321 : vector<16xi32>
      %swap3A_323 = arith.constant 0 : i32
      %swap3A_324 = arith.index_cast %swap3A_323 : i32 to index
      %swap3A_325 = arith.constant 48 : index
      %swap3A_326 = tpu.vector_load %arg9[%swap3A_324, %swap3A_325] {strides = array<i32>} : memref<2x80xi32, #tpu.memory_space<vmem>>, vector<16xi32>,
      tpu.vector_store %arg9[%swap3A_324, %swap3A_325], %shift_right_logical3A_322 {strides = array<i32>} : memref<2x80xi32, #tpu.memory_space<vmem>>, vector<16xi32>,
      %mul3A_327 = arith.constant 80 : i32
      %mul3A_328 = arith.muli %add3A_254, %mul3A_327 : i32
      %add3A_329 = arith.constant 64 : i32
      %add3A_330 = arith.addi %mul3A_328, %add3A_329 : i32
      %get3A_331 = arith.index_cast %add3A_330 : i32 to index
      %get3A_332 = tpu.vector_load %arg7[%get3A_331] {strides = array<i32>} : memref<20400xi32, #tpu.memory_space<vmem>>, vector<16xi32>,
      %and3A_333 = arith.constant 65535 : i32
      %and3A_334 = vector.broadcast %and3A_333 : i32 to vector<16xi32>
      %and3A_335 = arith.andi %get3A_332, %and3A_334 : vector<16xi32>
      %swap3A_336 = arith.constant 64 : index
      %swap3A_337 = tpu.vector_load %arg8[%swap3A_336] {strides = array<i32>} : memref<160xi32, #tpu.memory_space<vmem>>, vector<16xi32>,
      tpu.vector_store %arg8[%swap3A_336], %and3A_335 {strides = array<i32>} : memref<160xi32, #tpu.memory_space<vmem>>, vector<16xi32>,
      %shift_right_logical3A_338 = arith.constant 16 : i32
      %shift_right_logical3A_339 = vector.broadcast %shift_right_logical3A_338 : i32 to vector<16xi32>
      %shift_right_logical3A_340 = arith.shrui %get3A_332, %shift_right_logical3A_339 : vector<16xi32>
      %swap3A_341 = arith.constant 0 : i32
      %swap3A_342 = arith.index_cast %swap3A_341 : i32 to index
      %swap3A_343 = arith.constant 64 : index
      %swap3A_344 = tpu.vector_load %arg9[%swap3A_342, %swap3A_343] {strides = array<i32>} : memref<2x80xi32, #tpu.memory_space<vmem>>, vector<16xi32>,
      tpu.vector_store %arg9[%swap3A_342, %swap3A_343], %shift_right_logical3A_340 {strides = array<i32>} : memref<2x80xi32, #tpu.memory_space<vmem>>, vector<16xi32>,
      %add3A_345 = arith.constant 2 : i32
      %add3A_346 = arith.addi %add3A_241, %add3A_345 : i32
      %mul3A_347 = arith.constant 2 : i32
      %mul3A_348 = arith.muli %max3A_63, %mul3A_347 : i32
      %lt3A = arith.cmpi slt, %add3A_346, %mul3A_348 : i32
      %convert_element_type3A = arith.extui %lt3A : i1 to i32
      %cond3A = arith.constant 0 : i32
      %cond3A_349 = arith.cmpi ne, %convert_element_type3A, %cond3A : i32
      scf.if %cond3A_349 {
        %dma_start3A_466 = arith.constant 0 : i32
        %dma_start3A_467 = arith.constant 0 : i32
        %dma_start3A_468 = arith.constant 0 : i32
        %dma_start3A_469 = tpu.memref_slice %arg11[%dma_start3A_466, %dma_start3A_467, %dma_start3A_468] : memref<2x80x128xf32, #tpu.memory_space<vmem>> -> memref<1x80x128xf32, #tpu.memory_space<vmem>>
        %dma_start3A_470 = tpu.memref_squeeze %dma_start3A_469 : memref<1x80x128xf32, #tpu.memory_space<vmem>> -> memref<80x128xf32, #tpu.memory_space<vmem>>
        %dma_start3A_471 = arith.constant 0 : i32
        %dma_start3A_472 = tpu.memref_slice %arg8[%dma_start3A_471] : memref<160xi32, #tpu.memory_space<vmem>> -> memref<80xi32, #tpu.memory_space<vmem>>
        %dma_start3A_473 = arith.constant 0 : i32
        %dma_start3A_474 = arith.constant 0 : i32
        %dma_start3A_475 = tpu.memref_slice %arg2[%dma_start3A_473, %dma_start3A_474] : memref<10000x128xf32, #tpu.memory_space<hbm>> -> memref<10000x128xf32, #tpu.memory_space<hbm>>
        tpu.enqueue_indirect_dma source(%dma_start3A_475 : memref<10000x128xf32, #tpu.memory_space<hbm>>) target(%dma_start3A_470 : memref<80x128xf32, #tpu.memory_space<vmem>>) offsets(%dma_start3A_472 : memref<80xi32, #tpu.memory_space<vmem>>) semaphore(%arg13 : memref<!tpu.dma_semaphore, #tpu.memory_space<semaphore_mem>>)
      } else {
      }
      %mul3A_350 = arith.constant 2 : i32
      %mul3A_351 = arith.muli %while3A_237, %mul3A_350 : i32
      %add3A_352 = arith.constant 1 : i32
      %add3A_353 = arith.addi %mul3A_351, %add3A_352 : i32
      %dma_wait3A_354 = arith.constant 1 : i32
      %dma_wait3A_355 = arith.constant 0 : i32
      %dma_wait3A_356 = arith.constant 0 : i32
      %dma_wait3A_357 = tpu.memref_slice %arg11[%dma_wait3A_354, %dma_wait3A_355, %dma_wait3A_356] : memref<2x80x128xf32, #tpu.memory_space<vmem>> -> memref<1x80x128xf32, #tpu.memory_space<vmem>>
      %dma_wait3A_358 = tpu.memref_squeeze %dma_wait3A_357 : memref<1x80x128xf32, #tpu.memory_space<vmem>> -> memref<80x128xf32, #tpu.memory_space<vmem>>
      %dma_wait3A_359 = arith.constant 80 : i32
      %dma_wait3A_360 = tpu.memref_slice %arg8[%dma_wait3A_359] : memref<160xi32, #tpu.memory_space<vmem>> -> memref<80xi32, #tpu.memory_space<vmem>>
      %dma_wait3A_361 = arith.constant 0 : i32
      %dma_wait3A_362 = arith.constant 0 : i32
      %dma_wait3A_363 = tpu.memref_slice %arg2[%dma_wait3A_361, %dma_wait3A_362] : memref<10000x128xf32, #tpu.memory_space<hbm>> -> memref<10000x128xf32, #tpu.memory_space<hbm>>
      tpu.wait_indirect_dma semaphore(%arg13 : memref<!tpu.dma_semaphore, #tpu.memory_space<semaphore_mem>>) src(%dma_wait3A_363 : memref<10000x128xf32, #tpu.memory_space<hbm>>) dst(%dma_wait3A_358 : memref<80x128xf32, #tpu.memory_space<vmem>>)
      %run_scoped3A_364 = arith.constant 1 : i32
      %run_scoped3A_365 = arith.constant 1 : i32
      "tpu.region"() ({
        %run_scoped3A_466 = tpu.sem_alloc : memref<!tpu.dma_semaphore, #tpu.memory_space<semaphore_mem>>
        %dma_start3A_467 = arith.constant 0 : i32
        %dma_start3A_468 = arith.constant 0 : i32
        %dma_start3A_469 = tpu.memref_slice %arg11[%run_scoped3A_364, %dma_start3A_467, %dma_start3A_468] : memref<2x80x128xf32, #tpu.memory_space<vmem>> -> memref<1x80x128xf32, #tpu.memory_space<vmem>>
        %dma_start3A_470 = tpu.memref_squeeze %dma_start3A_469 : memref<1x80x128xf32, #tpu.memory_space<vmem>> -> memref<80x128xf32, #tpu.memory_space<vmem>>
        %dma_start3A_471 = arith.constant 0 : i32
        %dma_start3A_472 = tpu.memref_slice %arg9[%run_scoped3A_365, %dma_start3A_471] : memref<2x80xi32, #tpu.memory_space<vmem>> -> memref<1x80xi32, #tpu.memory_space<vmem>>
        %dma_start3A_473 = tpu.memref_squeeze %dma_start3A_472 : memref<1x80xi32, #tpu.memory_space<vmem>> -> memref<80xi32, #tpu.memory_space<vmem>>
        %dma_start3A_474 = arith.constant 0 : i32
        %dma_start3A_475 = arith.constant 0 : i32
        %dma_start3A_476 = tpu.memref_slice %arg12[%dma_start3A_474, %dma_start3A_475] : memref<5128x128xf32, #tpu.memory_space<vmem_shared>> -> memref<5128x128xf32, #tpu.memory_space<vmem_shared>>
        tpu.enqueue_indirect_dma source(%dma_start3A_470 : memref<80x128xf32, #tpu.memory_space<vmem>>) target(%dma_start3A_476 : memref<5128x128xf32, #tpu.memory_space<vmem_shared>>) offsets(%dma_start3A_473 : memref<80xi32, #tpu.memory_space<vmem>>) semaphore(%run_scoped3A_466 : memref<!tpu.dma_semaphore, #tpu.memory_space<semaphore_mem>>) {add = true}
        %dma_wait3A_477 = arith.constant 0 : i32
        %dma_wait3A_478 = arith.constant 0 : i32
        %dma_wait3A_479 = tpu.memref_slice %arg11[%run_scoped3A_364, %dma_wait3A_477, %dma_wait3A_478] : memref<2x80x128xf32, #tpu.memory_space<vmem>> -> memref<1x80x128xf32, #tpu.memory_space<vmem>>
        %dma_wait3A_480 = tpu.memref_squeeze %dma_wait3A_479 : memref<1x80x128xf32, #tpu.memory_space<vmem>> -> memref<80x128xf32, #tpu.memory_space<vmem>>
        %dma_wait3A_481 = arith.constant 0 : i32
        %dma_wait3A_482 = tpu.memref_slice %arg9[%run_scoped3A_365, %dma_wait3A_481] : memref<2x80xi32, #tpu.memory_space<vmem>> -> memref<1x80xi32, #tpu.memory_space<vmem>>
        %dma_wait3A_483 = tpu.memref_squeeze %dma_wait3A_482 : memref<1x80xi32, #tpu.memory_space<vmem>> -> memref<80xi32, #tpu.memory_space<vmem>>
        %dma_wait3A_484 = arith.constant 0 : i32
        %dma_wait3A_485 = arith.constant 0 : i32
        %dma_wait3A_486 = tpu.memref_slice %arg12[%dma_wait3A_484, %dma_wait3A_485] : memref<5128x128xf32, #tpu.memory_space<vmem_shared>> -> memref<5128x128xf32, #tpu.memory_space<vmem_shared>>
        tpu.wait_indirect_dma semaphore(%run_scoped3A_466 : memref<!tpu.dma_semaphore, #tpu.memory_space<semaphore_mem>>) src(%dma_wait3A_480 : memref<80x128xf32, #tpu.memory_space<vmem>>) dst(%dma_wait3A_486 : memref<5128x128xf32, #tpu.memory_space<vmem_shared>>)
        tpu.yield
      }) : () -> ()
      %add3A_366 = arith.constant 2 : i32
      %add3A_367 = arith.addi %add3A_353, %add3A_366 : i32
      %mul3A_368 = arith.constant 80 : i32
      %mul3A_369 = arith.muli %add3A_367, %mul3A_368 : i32
      %add3A_370 = arith.constant 0 : i32
      %add3A_371 = arith.addi %mul3A_369, %add3A_370 : i32
      %get3A_372 = arith.index_cast %add3A_371 : i32 to index
      %get3A_373 = tpu.vector_load %arg7[%get3A_372] {strides = array<i32>} : memref<20400xi32, #tpu.memory_space<vmem>>, vector<16xi32>,
      %and3A_374 = arith.constant 65535 : i32
      %and3A_375 = vector.broadcast %and3A_374 : i32 to vector<16xi32>
      %and3A_376 = arith.andi %get3A_373, %and3A_375 : vector<16xi32>
      %swap3A_377 = arith.constant 80 : index
      %swap3A_378 = tpu.vector_load %arg8[%swap3A_377] {strides = array<i32>} : memref<160xi32, #tpu.memory_space<vmem>>, vector<16xi32>,
      tpu.vector_store %arg8[%swap3A_377], %and3A_376 {strides = array<i32>} : memref<160xi32, #tpu.memory_space<vmem>>, vector<16xi32>,
      %shift_right_logical3A_379 = arith.constant 16 : i32
      %shift_right_logical3A_380 = vector.broadcast %shift_right_logical3A_379 : i32 to vector<16xi32>
      %shift_right_logical3A_381 = arith.shrui %get3A_373, %shift_right_logical3A_380 : vector<16xi32>
      %swap3A_382 = arith.constant 1 : i32
      %swap3A_383 = arith.index_cast %swap3A_382 : i32 to index
      %swap3A_384 = arith.constant 0 : index
      %swap3A_385 = tpu.vector_load %arg9[%swap3A_383, %swap3A_384] {strides = array<i32>} : memref<2x80xi32, #tpu.memory_space<vmem>>, vector<16xi32>,
      tpu.vector_store %arg9[%swap3A_383, %swap3A_384], %shift_right_logical3A_381 {strides = array<i32>} : memref<2x80xi32, #tpu.memory_space<vmem>>, vector<16xi32>,
      %mul3A_386 = arith.constant 80 : i32
      %mul3A_387 = arith.muli %add3A_367, %mul3A_386 : i32
      %add3A_388 = arith.constant 16 : i32
      %add3A_389 = arith.addi %mul3A_387, %add3A_388 : i32
      %get3A_390 = arith.index_cast %add3A_389 : i32 to index
      %get3A_391 = tpu.vector_load %arg7[%get3A_390] {strides = array<i32>} : memref<20400xi32, #tpu.memory_space<vmem>>, vector<16xi32>,
      %and3A_392 = arith.constant 65535 : i32
      %and3A_393 = vector.broadcast %and3A_392 : i32 to vector<16xi32>
      %and3A_394 = arith.andi %get3A_391, %and3A_393 : vector<16xi32>
      %swap3A_395 = arith.constant 96 : index
      %swap3A_396 = tpu.vector_load %arg8[%swap3A_395] {strides = array<i32>} : memref<160xi32, #tpu.memory_space<vmem>>, vector<16xi32>,
      tpu.vector_store %arg8[%swap3A_395], %and3A_394 {strides = array<i32>} : memref<160xi32, #tpu.memory_space<vmem>>, vector<16xi32>,
      %shift_right_logical3A_397 = arith.constant 16 : i32
      %shift_right_logical3A_398 = vector.broadcast %shift_right_logical3A_397 : i32 to vector<16xi32>
      %shift_right_logical3A_399 = arith.shrui %get3A_391, %shift_right_logical3A_398 : vector<16xi32>
      %swap3A_400 = arith.constant 1 : i32
      %swap3A_401 = arith.index_cast %swap3A_400 : i32 to index
      %swap3A_402 = arith.constant 16 : index
      %swap3A_403 = tpu.vector_load %arg9[%swap3A_401, %swap3A_402] {strides = array<i32>} : memref<2x80xi32, #tpu.memory_space<vmem>>, vector<16xi32>,
      tpu.vector_store %arg9[%swap3A_401, %swap3A_402], %shift_right_logical3A_399 {strides = array<i32>} : memref<2x80xi32, #tpu.memory_space<vmem>>, vector<16xi32>,
      %mul3A_404 = arith.constant 80 : i32
      %mul3A_405 = arith.muli %add3A_367, %mul3A_404 : i32
      %add3A_406 = arith.constant 32 : i32
      %add3A_407 = arith.addi %mul3A_405, %add3A_406 : i32
      %get3A_408 = arith.index_cast %add3A_407 : i32 to index
      %get3A_409 = tpu.vector_load %arg7[%get3A_408] {strides = array<i32>} : memref<20400xi32, #tpu.memory_space<vmem>>, vector<16xi32>,
      %and3A_410 = arith.constant 65535 : i32
      %and3A_411 = vector.broadcast %and3A_410 : i32 to vector<16xi32>
      %and3A_412 = arith.andi %get3A_409, %and3A_411 : vector<16xi32>
      %swap3A_413 = arith.constant 112 : index
      %swap3A_414 = tpu.vector_load %arg8[%swap3A_413] {strides = array<i32>} : memref<160xi32, #tpu.memory_space<vmem>>, vector<16xi32>,
      tpu.vector_store %arg8[%swap3A_413], %and3A_412 {strides = array<i32>} : memref<160xi32, #tpu.memory_space<vmem>>, vector<16xi32>,
      %shift_right_logical3A_415 = arith.constant 16 : i32
      %shift_right_logical3A_416 = vector.broadcast %shift_right_logical3A_415 : i32 to vector<16xi32>
      %shift_right_logical3A_417 = arith.shrui %get3A_409, %shift_right_logical3A_416 : vector<16xi32>
      %swap3A_418 = arith.constant 1 : i32
      %swap3A_419 = arith.index_cast %swap3A_418 : i32 to index
      %swap3A_420 = arith.constant 32 : index
      %swap3A_421 = tpu.vector_load %arg9[%swap3A_419, %swap3A_420] {strides = array<i32>} : memref<2x80xi32, #tpu.memory_space<vmem>>, vector<16xi32>,
      tpu.vector_store %arg9[%swap3A_419, %swap3A_420], %shift_right_logical3A_417 {strides = array<i32>} : memref<2x80xi32, #tpu.memory_space<vmem>>, vector<16xi32>,
      %mul3A_422 = arith.constant 80 : i32
      %mul3A_423 = arith.muli %add3A_367, %mul3A_422 : i32
      %add3A_424 = arith.constant 48 : i32
      %add3A_425 = arith.addi %mul3A_423, %add3A_424 : i32
      %get3A_426 = arith.index_cast %add3A_425 : i32 to index
      %get3A_427 = tpu.vector_load %arg7[%get3A_426] {strides = array<i32>} : memref<20400xi32, #tpu.memory_space<vmem>>, vector<16xi32>,
      %and3A_428 = arith.constant 65535 : i32
      %and3A_429 = vector.broadcast %and3A_428 : i32 to vector<16xi32>
      %and3A_430 = arith.andi %get3A_427, %and3A_429 : vector<16xi32>
      %swap3A_431 = arith.constant 128 : index
      %swap3A_432 = tpu.vector_load %arg8[%swap3A_431] {strides = array<i32>} : memref<160xi32, #tpu.memory_space<vmem>>, vector<16xi32>,
      tpu.vector_store %arg8[%swap3A_431], %and3A_430 {strides = array<i32>} : memref<160xi32, #tpu.memory_space<vmem>>, vector<16xi32>,
      %shift_right_logical3A_433 = arith.constant 16 : i32
      %shift_right_logical3A_434 = vector.broadcast %shift_right_logical3A_433 : i32 to vector<16xi32>
      %shift_right_logical3A_435 = arith.shrui %get3A_427, %shift_right_logical3A_434 : vector<16xi32>
      %swap3A_436 = arith.constant 1 : i32
      %swap3A_437 = arith.index_cast %swap3A_436 : i32 to index
      %swap3A_438 = arith.constant 48 : index
      %swap3A_439 = tpu.vector_load %arg9[%swap3A_437, %swap3A_438] {strides = array<i32>} : memref<2x80xi32, #tpu.memory_space<vmem>>, vector<16xi32>,
      tpu.vector_store %arg9[%swap3A_437, %swap3A_438], %shift_right_logical3A_435 {strides = array<i32>} : memref<2x80xi32, #tpu.memory_space<vmem>>, vector<16xi32>,
      %mul3A_440 = arith.constant 80 : i32
      %mul3A_441 = arith.muli %add3A_367, %mul3A_440 : i32
      %add3A_442 = arith.constant 64 : i32
      %add3A_443 = arith.addi %mul3A_441, %add3A_442 : i32
      %get3A_444 = arith.index_cast %add3A_443 : i32 to index
      %get3A_445 = tpu.vector_load %arg7[%get3A_444] {strides = array<i32>} : memref<20400xi32, #tpu.memory_space<vmem>>, vector<16xi32>,
      %and3A_446 = arith.constant 65535 : i32
      %and3A_447 = vector.broadcast %and3A_446 : i32 to vector<16xi32>
      %and3A_448 = arith.andi %get3A_445, %and3A_447 : vector<16xi32>
      %swap3A_449 = arith.constant 144 : index
      %swap3A_450 = tpu.vector_load %arg8[%swap3A_449] {strides = array<i32>} : memref<160xi32, #tpu.memory_space<vmem>>, vector<16xi32>,
      tpu.vector_store %arg8[%swap3A_449], %and3A_448 {strides = array<i32>} : memref<160xi32, #tpu.memory_space<vmem>>, vector<16xi32>,
      %shift_right_logical3A_451 = arith.constant 16 : i32
      %shift_right_logical3A_452 = vector.broadcast %shift_right_logical3A_451 : i32 to vector<16xi32>
      %shift_right_logical3A_453 = arith.shrui %get3A_445, %shift_right_logical3A_452 : vector<16xi32>
      %swap3A_454 = arith.constant 1 : i32
      %swap3A_455 = arith.index_cast %swap3A_454 : i32 to index
      %swap3A_456 = arith.constant 64 : index
      %swap3A_457 = tpu.vector_load %arg9[%swap3A_455, %swap3A_456] {strides = array<i32>} : memref<2x80xi32, #tpu.memory_space<vmem>>, vector<16xi32>,
      tpu.vector_store %arg9[%swap3A_455, %swap3A_456], %shift_right_logical3A_453 {strides = array<i32>} : memref<2x80xi32, #tpu.memory_space<vmem>>, vector<16xi32>,
      %add3A_458 = arith.constant 2 : i32
      %add3A_459 = arith.addi %add3A_353, %add3A_458 : i32
      %mul3A_460 = arith.constant 2 : i32
      %mul3A_461 = arith.muli %max3A_63, %mul3A_460 : i32
      %lt3A_462 = arith.cmpi slt, %add3A_459, %mul3A_461 : i32
      %convert_element_type3A_463 = arith.extui %lt3A_462 : i1 to i32
      %cond3A_464 = arith.constant 0 : i32
      %cond3A_465 = arith.cmpi ne, %convert_element_type3A_463, %cond3A_464 : i32
      scf.if %cond3A_465 {
        %dma_start3A_466 = arith.constant 1 : i32
        %dma_start3A_467 = arith.constant 0 : i32
        %dma_start3A_468 = arith.constant 0 : i32
        %dma_start3A_469 = tpu.memref_slice %arg11[%dma_start3A_466, %dma_start3A_467, %dma_start3A_468] : memref<2x80x128xf32, #tpu.memory_space<vmem>> -> memref<1x80x128xf32, #tpu.memory_space<vmem>>
        %dma_start3A_470 = tpu.memref_squeeze %dma_start3A_469 : memref<1x80x128xf32, #tpu.memory_space<vmem>> -> memref<80x128xf32, #tpu.memory_space<vmem>>
        %dma_start3A_471 = arith.constant 80 : i32
        %dma_start3A_472 = tpu.memref_slice %arg8[%dma_start3A_471] : memref<160xi32, #tpu.memory_space<vmem>> -> memref<80xi32, #tpu.memory_space<vmem>>
        %dma_start3A_473 = arith.constant 0 : i32
        %dma_start3A_474 = arith.constant 0 : i32
        %dma_start3A_475 = tpu.memref_slice %arg2[%dma_start3A_473, %dma_start3A_474] : memref<10000x128xf32, #tpu.memory_space<hbm>> -> memref<10000x128xf32, #tpu.memory_space<hbm>>
        tpu.enqueue_indirect_dma source(%dma_start3A_475 : memref<10000x128xf32, #tpu.memory_space<hbm>>) target(%dma_start3A_470 : memref<80x128xf32, #tpu.memory_space<vmem>>) offsets(%dma_start3A_472 : memref<80xi32, #tpu.memory_space<vmem>>) semaphore(%arg13 : memref<!tpu.dma_semaphore, #tpu.memory_space<semaphore_mem>>)
      } else {
      }
    }
    %barrier3A_234 = arith.constant 0 : index
    tpu.barrier barrier_id(%barrier3A_234)
    %mul3A_235 = arith.constant 320 : i32
    %mul3A_236 = arith.muli %arg1, %mul3A_235 : i32
    "tpu.region"() ({
      %run_scoped3A = tpu.sem_alloc : memref<!tpu.dma_semaphore, #tpu.memory_space<semaphore_mem>>
      %dma_start3A_237 = arith.constant 0 : i32
      %dma_start3A_238 = tpu.memref_slice %arg6[%arg0, %mul3A_236, %dma_start3A_237] : memref<2x5120x128xf32, #tpu.memory_space<hbm>> -> memref<1x320x128xf32, #tpu.memory_space<hbm>>
      %dma_start3A_239 = tpu.memref_squeeze %dma_start3A_238 : memref<1x320x128xf32, #tpu.memory_space<hbm>> -> memref<320x128xf32, #tpu.memory_space<hbm>>
      %dma_start3A_240 = arith.constant 0 : i32
      %dma_start3A_241 = tpu.memref_slice %arg12[%mul3A_236, %dma_start3A_240] : memref<5128x128xf32, #tpu.memory_space<vmem_shared>> -> memref<320x128xf32, #tpu.memory_space<vmem_shared>>
      tpu.enqueue_dma source(%dma_start3A_241 : memref<320x128xf32, #tpu.memory_space<vmem_shared>>) target(%dma_start3A_239 : memref<320x128xf32, #tpu.memory_space<hbm>>) target_semaphore(%run_scoped3A : memref<!tpu.dma_semaphore, #tpu.memory_space<semaphore_mem>>)
      %dma_wait3A_242 = arith.constant 0 : i32
      %dma_wait3A_243 = tpu.memref_slice %arg6[%arg0, %mul3A_236, %dma_wait3A_242] : memref<2x5120x128xf32, #tpu.memory_space<hbm>> -> memref<1x320x128xf32, #tpu.memory_space<hbm>>
      %dma_wait3A_244 = tpu.memref_squeeze %dma_wait3A_243 : memref<1x320x128xf32, #tpu.memory_space<hbm>> -> memref<320x128xf32, #tpu.memory_space<hbm>>
      %dma_wait3A_245 = arith.constant 0 : i32
      %dma_wait3A_246 = tpu.memref_slice %arg12[%mul3A_236, %dma_wait3A_245] : memref<5128x128xf32, #tpu.memory_space<vmem_shared>> -> memref<320x128xf32, #tpu.memory_space<vmem_shared>>
      tpu.wait_dma2 semaphore(%run_scoped3A : memref<!tpu.dma_semaphore, #tpu.memory_space<semaphore_mem>>) src(%dma_wait3A_246 : memref<320x128xf32, #tpu.memory_space<vmem_shared>>) dst(%dma_wait3A_244 : memref<320x128xf32, #tpu.memory_space<hbm>>)
      tpu.yield
    }) : () -> ()
    return
  }
}

module attributes {stable_mosaic.version = 14 : i64} {
  func.func @body(%arg0: i32, %arg1: memref<2000x128xf32, #tpu.memory_space<vmem>>, %arg2: memref<2000x128xf32, #tpu.memory_space<vmem>>, %arg3: memref<128x128xf32, #tpu.memory_space<vmem>>, %arg4: memref<1x128xf32, #tpu.memory_space<vmem>>, %arg5: memref<128x128xf32, #tpu.memory_space<vmem>>, %arg6: memref<1x128xf32, #tpu.memory_space<vmem>>, %arg7: memref<2000x128xf32, #tpu.memory_space<vmem>>) attributes {dimension_semantics = [#tpu.dimension_semantics<arbitrary>], iteration_bounds = array<i64: 5>, scalar_prefetch = 0 : i64, scratch_operands = 0 : i64, tpu.core_type = #tpu.core_type<tc>, window_params = [{transform_indices = @transform_0, window_bounds = array<i64: 2000, 128>}, {transform_indices = @transform_1, window_bounds = array<i64: 2000, 128>}, {pipeline_mode = #tpu.pipeline_mode<synchronous>, transform_indices = @transform_2, window_bounds = array<i64: 128, 128>}, {pipeline_mode = #tpu.pipeline_mode<synchronous>, transform_indices = @transform_3, window_bounds = array<i64: 1, 128>}, {pipeline_mode = #tpu.pipeline_mode<synchronous>, transform_indices = @transform_4, window_bounds = array<i64: 128, 128>}, {pipeline_mode = #tpu.pipeline_mode<synchronous>, transform_indices = @transform_5, window_bounds = array<i64: 1, 128>}, {transform_indices = @transform_6, window_bounds = array<i64: 2000, 128>}]} {
    %get3A = arith.constant 0 : index
    %get3A_0 = arith.constant 0 : index
    %get3A_1 = vector.load %arg1[%get3A, %get3A_0] : memref<2000x128xf32, #tpu.memory_space<vmem>>, vector<2000x128xf32>
    %get3A_2 = arith.constant 0 : index
    %get3A_3 = arith.constant 0 : index
    %get3A_4 = vector.load %arg2[%get3A_2, %get3A_3] : memref<2000x128xf32, #tpu.memory_space<vmem>>, vector<2000x128xf32>
    %add3A = arith.addf %get3A_1, %get3A_4 : vector<2000x128xf32>
    %get3A_5 = arith.constant 0 : index
    %get3A_6 = arith.constant 0 : index
    %get3A_7 = vector.load %arg3[%get3A_5, %get3A_6] : memref<128x128xf32, #tpu.memory_space<vmem>>, vector<128x128xf32>
    %dot_general3A = arith.constant dense<0.000000e+00> : vector<2000x128xf32>
    %dot_general3A_8 = tpu.matmul %add3A, %get3A_7, %dot_general3A {dimension_numbers = #tpu.dot_dimension_numbers<[1], [0], [0], [1], [0, 0, 1, 1], [], []>, transpose_lhs_hint = false} : vector<2000x128xf32>, vector<128x128xf32>, vector<2000x128xf32> -> vector<2000x128xf32>
    %get3A_9 = arith.constant 0 : index
    %get3A_10 = arith.constant 0 : index
    %get3A_11 = vector.load %arg4[%get3A_9, %get3A_10] : memref<1x128xf32, #tpu.memory_space<vmem>>, vector<1x128xf32>
    %add3A_12 = vector.broadcast %get3A_11 : vector<1x128xf32> to vector<2000x128xf32>
    %add3A_13 = arith.addf %dot_general3A_8, %add3A_12 : vector<2000x128xf32>
    %max3A = arith.constant 0.000000e+00 : f32
    %max3A_14 = vector.broadcast %max3A : f32 to vector<2000x128xf32>
    %max3A_15 = arith.maximumf %add3A_13, %max3A_14 : vector<2000x128xf32>
    %get3A_16 = arith.constant 0 : index
    %get3A_17 = arith.constant 0 : index
    %get3A_18 = vector.load %arg5[%get3A_16, %get3A_17] : memref<128x128xf32, #tpu.memory_space<vmem>>, vector<128x128xf32>
    %dot_general3A_19 = arith.constant dense<0.000000e+00> : vector<2000x128xf32>
    %dot_general3A_20 = tpu.matmul %max3A_15, %get3A_18, %dot_general3A_19 {dimension_numbers = #tpu.dot_dimension_numbers<[1], [0], [0], [1], [0, 0, 1, 1], [], []>, transpose_lhs_hint = false} : vector<2000x128xf32>, vector<128x128xf32>, vector<2000x128xf32> -> vector<2000x128xf32>
    %get3A_21 = arith.constant 0 : index
    %get3A_22 = arith.constant 0 : index
    %get3A_23 = vector.load %arg6[%get3A_21, %get3A_22] : memref<1x128xf32, #tpu.memory_space<vmem>>, vector<1x128xf32>
    %add3A_24 = vector.broadcast %get3A_23 : vector<1x128xf32> to vector<2000x128xf32>
    %add3A_25 = arith.addf %dot_general3A_20, %add3A_24 : vector<2000x128xf32>
    %swap3A = arith.constant 0 : index
    %swap3A_26 = arith.constant 0 : index
    %swap3A_27 = vector.load %arg7[%swap3A, %swap3A_26] : memref<2000x128xf32, #tpu.memory_space<vmem>>, vector<2000x128xf32>
    tpu.vector_store %arg7[%swap3A, %swap3A_26], %add3A_25 {strides = array<i32>} : memref<2000x128xf32, #tpu.memory_space<vmem>>, vector<2000x128xf32>,
    return
  }
  func.func @transform_0(%arg0: i32) -> (i32, i32) {
    %c0_i32 = arith.constant 0 : i32
    %c0_i32_0 = arith.constant 0 : i32
    return %arg0, %c0_i32 : i32, i32
  }
  func.func @transform_1(%arg0: i32) -> (i32, i32) {
    %c0_i32 = arith.constant 0 : i32
    %c0_i32_0 = arith.constant 0 : i32
    return %arg0, %c0_i32 : i32, i32
  }
  func.func @transform_2(%arg0: i32) -> (i32, i32) {
    %c0_i32 = arith.constant 0 : i32
    %c0_i32_0 = arith.constant 0 : i32
    %c0_i32_1 = arith.constant 0 : i32
    return %c0_i32, %c0_i32_0 : i32, i32
  }
  func.func @transform_3(%arg0: i32) -> (i32, i32) {
    %c0_i32 = arith.constant 0 : i32
    %c0_i32_0 = arith.constant 0 : i32
    %c0_i32_1 = arith.constant 0 : i32
    return %c0_i32, %c0_i32_0 : i32, i32
  }
  func.func @transform_4(%arg0: i32) -> (i32, i32) {
    %c0_i32 = arith.constant 0 : i32
    %c0_i32_0 = arith.constant 0 : i32
    %c0_i32_1 = arith.constant 0 : i32
    return %c0_i32, %c0_i32_0 : i32, i32
  }
  func.func @transform_5(%arg0: i32) -> (i32, i32) {
    %c0_i32 = arith.constant 0 : i32
    %c0_i32_0 = arith.constant 0 : i32
    %c0_i32_1 = arith.constant 0 : i32
    return %c0_i32, %c0_i32_0 : i32, i32
  }
  func.func @transform_6(%arg0: i32) -> (i32, i32) {
    %c0_i32 = arith.constant 0 : i32
    %c0_i32_0 = arith.constant 0 : i32
    return %arg0, %c0_i32 : i32, i32
  }
}

module attributes {stable_mosaic.version = 14 : i64} {
  func.func @body(%arg0: i32, %arg1: memref<2000x128xf32, #tpu.memory_space<vmem>>, %arg2: memref<2000x128xf32, #tpu.memory_space<vmem>>, %arg3: memref<128x128xf32, #tpu.memory_space<vmem>>, %arg4: memref<1x128xf32, #tpu.memory_space<vmem>>, %arg5: memref<128x128xf32, #tpu.memory_space<vmem>>, %arg6: memref<1x128xf32, #tpu.memory_space<vmem>>, %arg7: memref<2000x128xf32, #tpu.memory_space<vmem>>) attributes {dimension_semantics = [#tpu.dimension_semantics<arbitrary>], iteration_bounds = array<i64: 5>, scalar_prefetch = 0 : i64, scratch_operands = 0 : i64, tpu.core_type = #tpu.core_type<tc>, window_params = [{transform_indices = @transform_0, window_bounds = array<i64: 2000, 128>}, {transform_indices = @transform_1, window_bounds = array<i64: 2000, 128>}, {pipeline_mode = #tpu.pipeline_mode<synchronous>, transform_indices = @transform_2, window_bounds = array<i64: 128, 128>}, {pipeline_mode = #tpu.pipeline_mode<synchronous>, transform_indices = @transform_3, window_bounds = array<i64: 1, 128>}, {pipeline_mode = #tpu.pipeline_mode<synchronous>, transform_indices = @transform_4, window_bounds = array<i64: 128, 128>}, {pipeline_mode = #tpu.pipeline_mode<synchronous>, transform_indices = @transform_5, window_bounds = array<i64: 1, 128>}, {transform_indices = @transform_6, window_bounds = array<i64: 2000, 128>}]} {
    %get3A = arith.constant 0 : index
    %get3A_0 = arith.constant 0 : index
    %get3A_1 = vector.load %arg1[%get3A, %get3A_0] : memref<2000x128xf32, #tpu.memory_space<vmem>>, vector<2000x128xf32>
    %get3A_2 = arith.constant 0 : index
    %get3A_3 = arith.constant 0 : index
    %get3A_4 = vector.load %arg2[%get3A_2, %get3A_3] : memref<2000x128xf32, #tpu.memory_space<vmem>>, vector<2000x128xf32>
    %add3A = arith.addf %get3A_1, %get3A_4 : vector<2000x128xf32>
    %get3A_5 = arith.constant 0 : index
    %get3A_6 = arith.constant 0 : index
    %get3A_7 = vector.load %arg3[%get3A_5, %get3A_6] : memref<128x128xf32, #tpu.memory_space<vmem>>, vector<128x128xf32>
    %dot_general3A = arith.constant dense<0.000000e+00> : vector<2000x128xf32>
    %dot_general3A_8 = tpu.matmul %add3A, %get3A_7, %dot_general3A {dimension_numbers = #tpu.dot_dimension_numbers<[1], [0], [0], [1], [0, 0, 1, 1], [], []>, transpose_lhs_hint = false} : vector<2000x128xf32>, vector<128x128xf32>, vector<2000x128xf32> -> vector<2000x128xf32>
    %get3A_9 = arith.constant 0 : index
    %get3A_10 = arith.constant 0 : index
    %get3A_11 = vector.load %arg4[%get3A_9, %get3A_10] : memref<1x128xf32, #tpu.memory_space<vmem>>, vector<1x128xf32>
    %add3A_12 = vector.broadcast %get3A_11 : vector<1x128xf32> to vector<2000x128xf32>
    %add3A_13 = arith.addf %dot_general3A_8, %add3A_12 : vector<2000x128xf32>
    %max3A = arith.constant 0.000000e+00 : f32
    %max3A_14 = vector.broadcast %max3A : f32 to vector<2000x128xf32>
    %max3A_15 = arith.maximumf %add3A_13, %max3A_14 : vector<2000x128xf32>
    %get3A_16 = arith.constant 0 : index
    %get3A_17 = arith.constant 0 : index
    %get3A_18 = vector.load %arg5[%get3A_16, %get3A_17] : memref<128x128xf32, #tpu.memory_space<vmem>>, vector<128x128xf32>
    %dot_general3A_19 = arith.constant dense<0.000000e+00> : vector<2000x128xf32>
    %dot_general3A_20 = tpu.matmul %max3A_15, %get3A_18, %dot_general3A_19 {dimension_numbers = #tpu.dot_dimension_numbers<[1], [0], [0], [1], [0, 0, 1, 1], [], []>, transpose_lhs_hint = false} : vector<2000x128xf32>, vector<128x128xf32>, vector<2000x128xf32> -> vector<2000x128xf32>
    %get3A_21 = arith.constant 0 : index
    %get3A_22 = arith.constant 0 : index
    %get3A_23 = vector.load %arg6[%get3A_21, %get3A_22] : memref<1x128xf32, #tpu.memory_space<vmem>>, vector<1x128xf32>
    %add3A_24 = vector.broadcast %get3A_23 : vector<1x128xf32> to vector<2000x128xf32>
    %add3A_25 = arith.addf %dot_general3A_20, %add3A_24 : vector<2000x128xf32>
    %max3A_26 = arith.constant 0.000000e+00 : f32
    %max3A_27 = vector.broadcast %max3A_26 : f32 to vector<2000x128xf32>
    %max3A_28 = arith.maximumf %add3A_25, %max3A_27 : vector<2000x128xf32>
    %swap3A = arith.constant 0 : index
    %swap3A_29 = arith.constant 0 : index
    %swap3A_30 = vector.load %arg7[%swap3A, %swap3A_29] : memref<2000x128xf32, #tpu.memory_space<vmem>>, vector<2000x128xf32>
    tpu.vector_store %arg7[%swap3A, %swap3A_29], %max3A_28 {strides = array<i32>} : memref<2000x128xf32, #tpu.memory_space<vmem>>, vector<2000x128xf32>,
    return
  }
  func.func @transform_0(%arg0: i32) -> (i32, i32) {
    %c0_i32 = arith.constant 0 : i32
    %c0_i32_0 = arith.constant 0 : i32
    return %arg0, %c0_i32 : i32, i32
  }
  func.func @transform_1(%arg0: i32) -> (i32, i32) {
    %c0_i32 = arith.constant 0 : i32
    %c0_i32_0 = arith.constant 0 : i32
    return %arg0, %c0_i32 : i32, i32
  }
  func.func @transform_2(%arg0: i32) -> (i32, i32) {
    %c0_i32 = arith.constant 0 : i32
    %c0_i32_0 = arith.constant 0 : i32
    %c0_i32_1 = arith.constant 0 : i32
    return %c0_i32, %c0_i32_0 : i32, i32
  }
  func.func @transform_3(%arg0: i32) -> (i32, i32) {
    %c0_i32 = arith.constant 0 : i32
    %c0_i32_0 = arith.constant 0 : i32
    %c0_i32_1 = arith.constant 0 : i32
    return %c0_i32, %c0_i32_0 : i32, i32
  }
  func.func @transform_4(%arg0: i32) -> (i32, i32) {
    %c0_i32 = arith.constant 0 : i32
    %c0_i32_0 = arith.constant 0 : i32
    %c0_i32_1 = arith.constant 0 : i32
    return %c0_i32, %c0_i32_0 : i32, i32
  }
  func.func @transform_5(%arg0: i32) -> (i32, i32) {
    %c0_i32 = arith.constant 0 : i32
    %c0_i32_0 = arith.constant 0 : i32
    %c0_i32_1 = arith.constant 0 : i32
    return %c0_i32, %c0_i32_0 : i32, i32
  }
  func.func @transform_6(%arg0: i32) -> (i32, i32) {
    %c0_i32 = arith.constant 0 : i32
    %c0_i32_0 = arith.constant 0 : i32
    return %arg0, %c0_i32 : i32, i32
  }
}

</mosaic_0001>

<sc_bundles>
// kernel: kernel.6.cloned.1.call-start
scs
__scs_entry_jumppad:
0x0: {  	(pc) =	sbr.rel $0x88, $3  }
0x1: {  	(tag) =	ssettag $0x0;
	lr =	simm.s32 $0x1  }
0x2: {  	[smem:$0x3F97] =	sst lr;
	_ =	strace $0xD0000000  }
0x3: {  	_ = 	snop  }
0x4: {  	_ = 	snop  }
0x5: {  	_ = 	snop  }
0x6: {  	_ = 	snop  }
0x7: {  	_ = 	snop  }
__scs_overlays_trampoline_lowered:
0x8: {  	[smem:$0x3FA6] =	sst s0  }
0x9: {  	[smem:$0x3FA7] =	sst s1  }
0xa: {  	[smem:$0x3FA8] =	sst s2  }
0xb: {  	[smem:$0x3FA9] =	sst s3  }
0xc: {  	[smem:$0x3FAA] =	sst s4  }
0xd: {  	[smem:$0x3FAB] =	sst s5  }
0xe: {  	[smem:$0x3FAC] =	sst s6  }
0xf: {  	[smem:$0x3FAD] =	sst s7  }
0x10: {  	[smem:$0x3FAE] =	sst s8  }
0x11: {  	[smem:$0x3FAF] =	sst s9;
	s0 =	simm.s32 @!p0 $0x0  }
0x12: {  	s1 =	sld [smem:$0x3F95];
	s0 =	simm.s32 @p0 $0x1  }
0x13: {  	[smem:$0x3FB0] =	sst s0;
	s0 =	simm.s32 @!p1 $0x0  }
0x14: {  	s2 =	sld [smem:$0x3F94];
	s0 =	simm.s32 @p1 $0x1  }
0x15: {  	[smem:$0x3FB1] =	sst s0;
	s0 =	simm.s32 @!p2 $0x0  }
0x16: {  	s3 =	sld [smem:$0x3FDB];
	s0 =	simm.s32 @p2 $0x1  }
0x17: {  	s4 =	simm.s32 $0x1BF5;
	[smem:$0x3FB3] =	sst s0  }
0x18: {  	s0 =	sld [smem:$0x3F96];
	_ =	swait.ge [sflag:s4], $0x0  }
0x19: {  	s7 =	sld [smem:$0x3F97]  }
0x1a: {  	s8 =	sadd.s32 $0xFFFFE003, lr  }
0x1b: {  	s9 =	sadd.s32 $0xFFFFFEF7, lr;
	s5 =	simm.s32 $0xFFFFFFFF;
	p2 =	slt.u32 s8, $0xFFFFF086  }
0x1c: {  	p1 =	slt.u32 s9, $0xF7A;
	s5 =	simm.s32 @!p2 $0x0  }
0x1d: {  	s5 =	simm.s32 @p1 $0x1;
	p0 =	seq.s32 s7, s2  }
0x1e: {  	s7 =	smul.u32 @!p0 $0xF7A, s2;
	p2 =	seq.s32 @!p0 s5, $0x0  }
0x1f: {  	s9 =	smul.u32 $0xF7A, s1;
	s8 =	simm.s32 @!p0 $0x1BF5;
	p2 =	por !p2, p0  }
0x20: {  	[sflag:s8] =	ssyncset.s32 @!p0 $0xFFFFF086;
	s6 =	sadd.s32 @!p0 s3, s7;
	s7 =	simm.s32 @!p0 $0x108  }
0x21: {  	s3 =	sadd.s32 s3, s9;
	s6 =	sadd.s32 @!p0 $0x88, s6;
	s7 =	simm.s32 @p2 $0x1082  }
0x22: {  	[simem:s7], [sflag:s8] =	dma.local @!p0 [hbm:s6], $0xF7A  }
0x23: {  	s9 =	sor.u32 $0xD0000000, s2;
	s6 =	simm.s32 $0x108;
	_ =	swait.ge @!p0 [sflag:s8], $0x0  }
0x24: {  	s3 =	sadd.s32 $0x88, s3;
	s6 =	simm.s32 @!p1 $0x1082;
	[sflag:s4] =	ssyncset.s32 $0xFFFFF086  }
0x25: {  	[simem:s6], [sflag:s4] =	dma.local [hbm:s3], $0xF7A  }
0x26: {  	[smem:$0x3F97] =	sst s1;
	(tag) =	ssettag s2;
	_ =	strace s9  }
0x27: {  	s1 =	sld [smem:$0x3FA7]  }
0x28: {  	s2 =	sld [smem:$0x3FA8]  }
0x29: {  	s4 =	sld [smem:$0x3FAA]  }
0x2a: {  	p0 =	seq.s32 s5, $0x0;
	s5 =	sld [smem:$0x3FAB]  }
0x2b: {  	s6 =	sld [smem:$0x3FAC]  }
0x2c: {  	s7 =	sld [smem:$0x3FAD]  }
0x2d: {  	s3 =	simm.s32 $0x108;
	s8 =	sld [smem:$0x3FAE]  }
0x2e: {  	s3 =	simm.s32 @!p0 $0x1082;
	s9 =	sld [smem:$0x3FAF]  }
0x2f: {  	lr =	sadd.s32 s0, s3;
	s0 =	sld [smem:$0x3FA6]  }
0x30: {  	s3 =	sld [smem:$0x3FA9]  }
0x31: {  	[smem:$0x3FB2] =	sst s10  }
0x32: {  	s10 =	sld [smem:$0x3FB0];
	_ =	sdelay $0x3  }
0x33: {  	p0 =	seq.s32 s10, $0x1;
	s10 =	sld [smem:$0x3FB2];
	_ =	sdelay $0x3  }
0x34: {  	[smem:$0x3FB2] =	sst s10  }
0x35: {  	s10 =	sld [smem:$0x3FB1];
	_ =	sdelay $0x3  }
0x36: {  	p1 =	seq.s32 s10, $0x1;
	s10 =	sld [smem:$0x3FB2];
	_ =	sdelay $0x3  }
0x37: {  	[smem:$0x3FB2] =	sst s10  }
0x38: {  	s10 =	sld [smem:$0x3FB3]  }
0x39: {  	_ = 	snop;
	(pc) =	sbr.ind lr, $3  }
0x3a: {  	_ = 	snop  }
0x3b: {  	_ = 	snop  }
0x3c: {  	p2 =	seq.s32 s10, $0x1;
	s10 =	sld [smem:$0x3FB2]  }
0x3d: {  	_ =	shalt  }
0x3e: {  	_ =	shalt  }
0x3f: {  	_ =	shalt  }
0x40: {  	_ =	shalt  }
0x41: {  	_ =	shalt  }
0x42: {  	_ =	shalt  }
0x43: {  	_ =	shalt  }
0x44: {  	_ =	shalt  }
0x45: {  	_ =	shalt  }
0x46: {  	_ =	shalt  }
0x47: {  	_ =	shalt  }
0x48: {  	_ =	shalt  }
0x49: {  	_ =	shalt  }
0x4a: {  	_ =	shalt  }
0x4b: {  	_ =	shalt  }
0x4c: {  	_ =	shalt  }
0x4d: {  	_ =	shalt  }
0x4e: {  	_ =	shalt  }
0x4f: {  	_ =	shalt  }
0x50: {  	_ =	shalt  }
0x51: {  	_ =	shalt  }
0x52: {  	_ =	shalt  }
0x53: {  	_ =	shalt  }
0x54: {  	_ =	shalt  }
0x55: {  	_ =	shalt  }
0x56: {  	_ =	shalt  }
0x57: {  	_ =	shalt  }
0x58: {  	_ =	shalt  }
0x59: {  	_ =	shalt  }
0x5a: {  	_ =	shalt  }
0x5b: {  	_ =	shalt  }
0x5c: {  	_ =	shalt  }
0x5d: {  	_ =	shalt  }
0x5e: {  	_ =	shalt  }
0x5f: {  	_ =	shalt  }
0x60: {  	_ =	shalt  }
0x61: {  	_ =	shalt  }
0x62: {  	_ =	shalt  }
0x63: {  	_ =	shalt  }
0x64: {  	_ =	shalt  }
0x65: {  	_ =	shalt  }
0x66: {  	_ =	shalt  }
0x67: {  	_ =	shalt  }
0x68: {  	_ =	shalt  }
0x69: {  	_ =	shalt  }
0x6a: {  	_ =	shalt  }
0x6b: {  	_ =	shalt  }
0x6c: {  	_ =	shalt  }
0x6d: {  	_ =	shalt  }
0x6e: {  	_ =	shalt  }
0x6f: {  	_ =	shalt  }
0x70: {  	_ =	shalt  }
0x71: {  	_ =	shalt  }
0x72: {  	_ =	shalt  }
0x73: {  	_ =	shalt  }
0x74: {  	_ =	shalt  }
0x75: {  	_ =	shalt  }
0x76: {  	_ =	shalt  }
0x77: {  	_ =	shalt  }
0x78: {  	_ =	shalt  }
0x79: {  	_ =	shalt  }
0x7a: {  	_ =	shalt  }
0x7b: {  	_ =	shalt  }
0x7c: {  	_ =	shalt  }
0x7d: {  	_ =	shalt  }
0x7e: {  	_ =	shalt  }
0x7f: {  	_ =	shalt  }
0x80: {  	_ =	shalt  }
0x81: {  	_ =	shalt  }
0x82: {  	_ =	shalt  }
0x83: {  	_ =	shalt  }
0x84: {  	_ =	shalt  }
0x85: {  	_ =	shalt  }
0x86: {  	_ =	shalt  }
0x87: {  	_ =	shalt  }
.Lfunc_end0:
.L_simem_size_0:
called_computation_lowered:
.L_overlay_start_0:
0x88: {  	s2 =	sld [smem:$0x3FD9]  }
0x89: {  	s3 =	sld [smem:$0x3FFE];
	_ =	sdelay $0x1  }
0x8a: {  	s1 =	srdreg.scid  }
0x8b: {  	s0 =	sand.u32 $0x1, s1  }
0x8c: {  	s17 =	sshll.u32 s0, $0xA;
	s2 =	sadd.s32 s3, s2  }
0x8d: {  	s2 =	sadd.s32 s2, s17  }
0x8e: {  	[smem:$0x3FBE] =	sst s2  }
0x8f: {  	_ = 	snop  }
0x90: {  	s2 =	sld [smem:$0x3FC9]  }
0x91: {  	s18 =	sld [smem:$0x3FD0];
	(tm) =	ssettm $0x1  }
0x92: {  	s4 =	sld [smem:$0x3FFB];
	_ =	sdelay $0x3  }
0x93: {  	_ =	strace s4  }
0x94: {  	s4 =	sld [smem:$0x3FFC];
	_ =	sdelay $0x3  }
0x95: {  	_ =	strace s4  }
0x96: {  	s4 =	sld [smem:$0x3FFD];
	_ =	sdelay $0x3  }
0x97: {  	_ =	strace s4  }
0x98: {  	_ =	strace $0x8FFFFFFF  }
0x99: {  	s19 =	sld [smem:$0x3FDB];
	_ =	sdelay $0x1  }
0x9a: {  	s5 =	simm.s32 $_scs_section_size  }
0x9b: {  	s6 =	simm.s32 $_size__tile_overlayer_lowered;
	s7 =	simm.s32 $_tile_overlayer_lowered  }
0x9c: {  	s22 =	simm.s32 $0x1BFF;
	s21 =	sshll.u32 s7, $0x1;
	s4 =	sadd.s32 s5, s19  }
0x9d: {  	s8 =	simm.s32 $0x0;
	s20 =	sshll.u32 s6, $0x1;
	s6 =	sadd.s32 s21, s4  }
0x9e: {  	[timem:s8], [sflag:s22] =	dma.local [hbm:s6], s20  }
0x9f: {  	_ =	swait.ge [sflag:s22], s20  }
0xa0: {  	s5 =	ssub.s32 $0x0, s20;
	[sflag:s22] =	ssyncset.done $0x0  }
0xa1: {  	[sflag:s22] =	ssyncadd.s32 s5;
	_ =	sdelay $0x1  }
0xa2: {  	s23 =	simm.s32 $0x1B8B  }
0xa3: {  	_ =	swait.ge [sflag:s23], $0x1  }
0xa4: {  	[sflag:s23] =	ssyncset.done $0x0  }
0xa5: {  	s25 =	simm.s32 $0x1B8E;
	s24 =	sld [smem:$0x3FFE];
	[sflag:s23] =	ssyncadd.s32 $0xFFFFFFFF  }
0xa6: {  	s26 =	simm.s32 $execute0_lowered;
	[smem:$0x3FD2] =	sst s25  }
0xa7: {  	s6 =	sshll.u32 s26, $0x1;
	_ =	strace $0x80000046;
	[dreg:$0x1] =	wrdreg $0xFFFFFFFF  }
0xa8: {  	s28 =	simm.s32 $_size_execute0_lowered;
	s4 =	sadd.s32 s4, s6;
	[dreg:$0x0] =	wrdreg $0x0  }
0xa9: {  	s6 =	sshll.u32 s28, $0x1;
	[dreg:$0x2] =	wrdreg s4  }
0xaa: {  	[dreg:$0x3] =	wrdreg s6  }
0xab: {  	[dreg:$0x4] =	wrdreg $0xC0  }
0xac: {  	_ =	task [dreg:s8], $0x5FFFF  }
0xad: {  	[dreg:$0x1] =	wrdreg $0xFFFFFFFF  }
0xae: {  	[dreg:$0x0] =	wrdreg $0x60  }
0xaf: {  	[dreg:$0x2] =	wrdreg s2  }
0xb0: {  	[dreg:$0x3] =	wrdreg s24  }
0xb1: {  	[dreg:$0x4] =	wrdreg s18  }
0xb2: {  	[dreg:$0x5] =	wrdreg $0x13EC00  }
0xb3: {  	[dreg:$0x6] =	wrdreg $0x9  }
0xb4: {  	_ =	task.clear_ibuf [dreg:s8], $0x7FFFF;
	_ =	strace $0x90000046  }
0xb5: {  	s29 =	simm.s32 $0x9;
	_ =	strace $0x80000048  }
0xb6: {  	_ =	swait.ge [sflag:s29], $0x1  }
0xb7: {  	[sflag:s29] =	ssyncadd.s32 $0xFFFFFFFF  }
0xb8: {  	_ =	strace $0x90000048  }
0xb9: {  	_ =	sfence  }
0xba: {  	s30 =	sld [smem:$0x0];
	_ =	sdelay $0x2  }
0xbb: {  	s31 =	sshll.u32 s1, $0xD;
	s1 =	sshrl.u32 s1, $0x2  }
0xbc: {  	s3 =	sand.u32 $0x4000, s31;
	s1 =	sadd.s32 s1, s30  }
0xbd: {  	s0 =	sor.u32 s3, s0;
	s1 =	sshll.u32 s1, $0x11  }
0xbe: {  	s0 =	sor.u32 s1, s0  }
0xbf: {  	s0 =	sadd.s32 $0x8F2B, s0  }
0xc0: {  	[sflag:s0] =	ssyncadd.remote.s32 $0x1  }
0xc1: {  	_ =	sfence.sel $0xFFFF  }
0xc2: {  	[dreg:$0x0] =	wrdreg $0xFFFFFFFF;
	(pc) =	sbr.abs _section_cstart, $3  }
0xc3: {  	[dreg:$0x1] =	wrdreg $0xFFFFFFFF  }
0xc4: {  	_ =	task.clear_ibuf [dreg:s8], $0x2FFFF;
	_ =	strace $0x9FFFFFFF  }
0xc5: {  	(tm) =	ssettm $0x7FFFFFFF  }
tec
execute0_lowered:
.L_overlay_start_1:
0x0: {  	(tag) =	ssettag $0x1  }
0x1: {  	s1 =	rddreg [dreg:$0x0]  }
0x2: {  	s0 =	rddreg [dreg:$0x1]  }
0x3: {  	s18 =	stileid.u32;
	s3 =	srdreg.scid  }
0x4: {  	s7 =	rddreg [dreg:$0x2];
	s4 =	simm.s32 $0x0;
	s2 =	smul.u32 $0x9C4, s18  }
0x5: {  	s21 =	simm.s32 $0x50;
	s23 =	simm.s32 $0xEEC0;
	s9 =	smul.u32 $0xA000, s18  }
0x6: {  	s28 =	simm.s32 $0xECE0;
	s29 =	simm.s32 $0x0;
	s10 =	smul.u32 $0x4FB0, s18  }
0x7: {  	s8 =	sand.u32 $0x1, s3;
	s3 =	rddreg [dreg:$0x3];
	s15 =	smul.u32 $0x28000, s18  }
0x8: {  	[smem:$0x7FF] =	sst s4;
	s13 =	sshll.u32 s18, $0x1;
	s5 =	smul.u32 $0xA0000, s8  }
0x9: {  	s6 =	smul.u32 $0x4FB00, s8;
	_ =	strace $0x80000047;
	s25 =	ssub.s32 $0x2, s8  }
0xa: {  	s26 =	smul.u32 $0xFFFFEC00, s8;
	s8 =	sshll.u32 s8, $0x5;
	s11 =	sadd.s32 s2, s0  }
0xb: {  	s14 =	sshrl.u32 s25, $0x1;
	s30 =	sshrl.u32 s15, $0x2;
	s7 =	sadd.s32 s7, s2  }
0xc: {  	s17 =	sadd.s32 s9, s3;
	s12 =	sadd.s32 s9, s5;
	s5 =	sadd.s32 $0xC800, s0  }
0xd: {  	s6 =	sadd.s32 s10, s6;
	s31 =	sadd.s32 s30, s3;
	v0 =	vmov s26;
	s26 =	simm.s32 $0xEC90  }
0xe: {  	s12 =	sshrl.u32 s12, $0x3;
	s6 =	sshrl.u32 s6, $0x3;
	s2 =	sadd.s32 $0x5000, s31  }
0xf: {  	s24 =	sadd.s32 s12, s0;
	s16 =	sadd.s32 s6, s0;
	s0 =	sadd.s32 s13, s0  }
0x10: {  	s12 =	ssub.s32 s25, s14;
	s6 =	sadd.s32 $0x2A00, s11;
	s13 =	sshll.u32 s18, $0x6  }
0x11: {  	s18 =	simm.s32 $0x1;
	s25 =	simm.s32 $0x116C0;
	s0 =	sadd.s32 s8, s0  }
0x12: {  	s8 =	sadd.s32 $0x35200, s16;
	s10 =	sadd.s32 $0xD200, s24;
	s11 =	smax.u32 s12, $0x1  }
0x13: {  	s12 =	simm.s32 $0x2;
	s15 =	sor.u32 $0x1C01, s13;
	s16 =	sshrl.u32 s17, $0x3  }
0x14: {  	v1 =	vimm.s32 $0x0;
	v2 =	vimm.s32 $0x14000000;
	s17 =	sshrl.u32 s2, $0x3;
	s24 =	simm.s32 $0xEC40;
	s9 =	sadd.s32 $0x49200, s0  }
.LBB2_1:
0x15: {  	[tilespmem:s4], [sflag:$0x2] =	stream.linear.gather [hbm4b:s6+s4], $0x4E20, $0x38;
	[tilespmem:$0x1DF00] =	vst v63  }
0x16: {  	_ =	swait.ge [sflag:s12], $0x4E20  }
0x17: {  	[sflag:s12] =	ssyncset.done $0x0  }
0x18: {  	s0 =	simm.s32 $0x4E20;
	[sflag:s12] =	ssyncadd.s32 $0xFFFFB1E0  }
0x19: {  	[tilespmem:s0], [sflag:$0x2] =	stream.linear.gather [hbm4b:s7+s4], $0x4E20, $0x38;
	[tilespmem:$0x1DF00] =	vst v63  }
0x1a: {  	_ =	swait.ge [sflag:s12], $0x4E20  }
0x1b: {  	[sflag:s12] =	ssyncset.done $0x0  }
0x1c: {  	s22 =	simm.s32 $0x0;
	[sflag:s12] =	ssyncadd.s32 $0xFFFFB1E0  }
0x1d: {  	[spmem:s16], [sflag:s15] =	dma.local [hbm:s5], $0xA00  }
0x1e: {  	[spmem:s17], [sflag:s15] =	dma.local [hbm:s5], $0xA00  }
0x1f: {  	v3 =	vld [tilespmem:s22+$0x4E20];
	_ =	sdelay $0x4  }
0x20: {  	v3 =	vadd.s32 v0, v3  }
0x21: {  	vm0 =	vle.u32 v3, $0x13FF  }
0x22: {  	v4 =	vsel vm0, $0x1, v1  }
0x23: {  	(xrf0) =	vadd.scan.msk.s32 $0xffff, v4;
	_ =	sdelay $0x2  }
0x24: {  	v4 =	vld [tilespmem:s22+$0x0];
	_ =	sdelay $0x2  }
0x25: {  	vm15 =	vgt.u32 v3, $0x13FF;
	v5, _, _ =	vpop (xrf0)  }
0x26: {  	v3 =	vshll.u32 v3, $0x10;
	v6 =	vsel vm15, $0x1, v1;
	(v2sf) =	vpush v5, $0xF  }
0x27: {  	v3 =	vor.u32 v4, v3;
	v4 =	vor.u32 $0x80000000, v6  }
0x28: {  	(xrf1) =	vsort.ascd.msk.u32 $0xffff, v4, v3;
	_ =	sdelay $0xc  }
0x29: {  	s31 =	spop (v2sf)  }
0x2a: {  	_, v3, _ =	vpop (xrf1);
	s2 =	sadd.s32 $0x0, s31  }
0x2b: {  	[tilespmem:s4+$0xED30] =	vst v3;
	p1 =	slt.s32 s2, $0x50  }
0x2c: {  	v3 =	vld @!p1 [tilespmem:$0xED30];
	_ =	sdelay $0x1  }
0x2d: {  	s0 =	smul.u32 @!p1 $0x140, s4;
	_ =	sdelay $0x1  }
0x2e: {  	s0 =	sshra.s32 @!p1 s0, $0x2  }
0x2f: {  	[tilespmem:s0+$0x9C40] =	vst @!p1 v3  }
0x30: {  	v3 =	vld @!p1 [tilespmem:$0xED40];
	_ =	sdelay $0x4  }
0x31: {  	[tilespmem:s0+$0x9C50] =	vst @!p1 v3  }
0x32: {  	v3 =	vld @!p1 [tilespmem:$0xED50];
	_ =	sdelay $0x4  }
0x33: {  	[tilespmem:s0+$0x9C60] =	vst @!p1 v3  }
0x34: {  	v3 =	vld @!p1 [tilespmem:$0xED60];
	_ =	sdelay $0x4  }
0x35: {  	[tilespmem:s0+$0x9C70] =	vst @!p1 v3  }
0x36: {  	v3 =	vld @!p1 [tilespmem:$0xED70];
	_ =	sdelay $0x3  }
0x37: {  	s20 =	simm.s32 $0x1;
	p0 =	sgt.s32 s2, $0x4F;
	s19 =	simm.s32 @!p1 $0xFFFFFFB0  }
0x38: {  	s14 =	simm.s32 $0x40;
	s20 =	simm.s32 @!p0 $0x0;
	s19 =	simm.s32 @p1 $0x0;
	[tilespmem:s0+$0x9C80] =	vst @!p1 v3  }
0x39: {  	s30 =	simm.s32 $0x80;
	s2 =	sadd.s32 s2, s19;
	s0 =	sadd.s32 $0x0, s20;
	v3 =	vld @!p1 [tilespmem:$0xED80]  }
.LBB2_2:
0x3a: {  	_ =	sdelay $0x3  }
0x3b: {  	s19 =	sshra.s32 s14, $0x2;
	s14 =	smov.u32 s30;
	s30 =	sadd.s32 $0x40, s30;
	[tilespmem:$0xED30] =	vst @!p1 v3  }
0x3c: {  	p0 =	sne.s32 s30, $0x13880;
	v3 =	vld [tilespmem:s19+$0x4E20];
	_ =	sdelay $0x2  }
0x3d: {  	v4 =	vld [tilespmem:s19+$0x0];
	_ =	sdelay $0x1  }
0x3e: {  	v3 =	vadd.s32 v0, v3  }
0x3f: {  	vm0 =	vle.u32 v3, $0x13FF;
	vm1 =	vgt.u32 v3, $0x13FF;
	v3 =	vshll.u32 v3, $0x10  }
0x40: {  	v5 =	vsel vm1, $0x1, v1;
	v6 =	vsel vm0, $0x1, v1  }
0x41: {  	v3 =	vor.u32 v4, v3;
	v4 =	vor.u32 $0x80000000, v5;
	(xrf0) =	vadd.scan.msk.s32 $0xffff, v6  }
0x42: {  	(xrf1) =	vsort.ascd.msk.u32 $0xffff, v4, v3;
	_ =	sdelay $0x4  }
0x43: {  	v3, _, _ =	vpop (xrf0)  }
0x44: {  	(v2sf) =	vpush v3, $0xF;
	_ =	sdelay $0x7  }
0x45: {  	_, v3, _ =	vpop (xrf1);
	_ =	sdelay $0x6  }
0x46: {  	s19 =	spop (v2sf)  }
0x47: {  	s19 =	sadd.s32 s2, s19  }
0x48: {  	s22 =	simm.s32 $0x1;
	[tilespmem:s2+$0xED30] =	vst v3;
	p1 =	slt.s32 s19, $0x50;
	p2 =	sgt.s32 s19, $0x4F  }
0x49: {  	v3 =	vld @!p1 [tilespmem:$0xED30];
	s20 =	smul.u32 @!p1 $0x140, s0;
	s2 =	simm.s32 @!p1 $0xFFFFFFB0;
	s22 =	simm.s32 @!p2 $0x0  }
0x4a: {  	s2 =	simm.s32 @p1 $0x0;
	s0 =	sadd.s32 s22, s0  }
0x4b: {  	s2 =	sadd.s32 s19, s2;
	_ =	sdelay $0x1  }
0x4c: {  	s19 =	sshra.s32 @!p1 s20, $0x2  }
0x4d: {  	[tilespmem:s19+$0x9C40] =	vst @!p1 v3  }
0x4e: {  	v3 =	vld @!p1 [tilespmem:$0xED40];
	_ =	sdelay $0x4  }
0x4f: {  	[tilespmem:s19+$0x9C50] =	vst @!p1 v3  }
0x50: {  	v3 =	vld @!p1 [tilespmem:$0xED50];
	_ =	sdelay $0x4  }
0x51: {  	[tilespmem:s19+$0x9C60] =	vst @!p1 v3  }
0x52: {  	v3 =	vld @!p1 [tilespmem:$0xED60];
	_ =	sdelay $0x4  }
0x53: {  	[tilespmem:s19+$0x9C70] =	vst @!p1 v3  }
0x54: {  	v3 =	vld @!p1 [tilespmem:$0xED70];
	_ =	sdelay $0x1  }
.Ltmp0:
0x55: {  	(pc) =	sbr.rel @p0 .LBB2_2-.Ltmp0, $3  }
0x56: {  	_ =	sdelay $0x1  }
0x57: {  	[tilespmem:s19+$0x9C80] =	vst @!p1 v3  }
0x58: {  	v3 =	vld @!p1 [tilespmem:$0xED80]  }
0x59: {  	_ =	sdelay $0x3  }
0x5a: {  	s14 =	sshra.s32 s14, $0x2;
	[tilespmem:$0xED30] =	vst @!p1 v3  }
0x5b: {  	v3 =	vld [tilespmem:s14+$0x4E20];
	_ =	sdelay $0x4  }
0x5c: {  	v3 =	vadd.s32 v0, v3  }
0x5d: {  	vm0 =	vle.u32 v3, $0x13FF  }
0x5e: {  	v4 =	vsel vm0, $0x1, v1  }
0x5f: {  	(xrf0) =	vadd.scan.msk.s32 $0xffff, v4;
	_ =	sdelay $0x2  }
0x60: {  	v4 =	vld [tilespmem:s14+$0x0];
	_ =	sdelay $0x2  }
0x61: {  	vm15 =	vgt.u32 v3, $0x13FF;
	v5, _, _ =	vpop (xrf0)  }
0x62: {  	v3 =	vshll.u32 v3, $0x10;
	v6 =	vsel vm15, $0x1, v1;
	(v2sf) =	vpush v5, $0xF  }
0x63: {  	v3 =	vor.u32 v4, v3;
	v4 =	vor.u32 $0x80000000, v6  }
0x64: {  	(xrf1) =	vsort.ascd.msk.u32 $0xffff, v4, v3;
	_ =	sdelay $0xc  }
0x65: {  	s22 =	spop (v2sf)  }
0x66: {  	_, v3, _ =	vpop (xrf1);
	s14 =	sadd.s32 s2, s22  }
0x67: {  	[tilespmem:s2+$0xED30] =	vst v3;
	p0 =	slt.s32 s14, $0x50  }
0x68: {  	v3 =	vld @!p0 [tilespmem:$0xED30];
	_ =	sdelay $0x1  }
0x69: {  	s2 =	smul.u32 @!p0 $0x140, s0;
	_ =	sdelay $0x1  }
0x6a: {  	s2 =	sshra.s32 @!p0 s2, $0x2  }
0x6b: {  	[tilespmem:s2+$0x9C40] =	vst @!p0 v3  }
0x6c: {  	v3 =	vld @!p0 [tilespmem:$0xED40];
	_ =	sdelay $0x4  }
0x6d: {  	[tilespmem:s2+$0x9C50] =	vst @!p0 v3  }
0x6e: {  	v3 =	vld @!p0 [tilespmem:$0xED50];
	_ =	sdelay $0x4  }
0x6f: {  	[tilespmem:s2+$0x9C60] =	vst @!p0 v3  }
0x70: {  	v3 =	vld @!p0 [tilespmem:$0xED60];
	_ =	sdelay $0x4  }
0x71: {  	[tilespmem:s2+$0x9C70] =	vst @!p0 v3  }
0x72: {  	v3 =	vld @!p0 [tilespmem:$0xED70];
	_ =	sdelay $0x4  }
0x73: {  	[tilespmem:s2+$0x9C80] =	vst @!p0 v3  }
0x74: {  	v3 =	vld @!p0 [tilespmem:$0xED80];
	_ =	sdelay $0x1  }
0x75: {  	s2 =	simm.s32 @!p0 $0xFFFFFFB0  }
0x76: {  	s2 =	simm.s32 @p0 $0x0  }
0x77: {  	s2 =	sadd.s32 s14, s2  }
0x78: {  	s20 =	sand.u32 $0x7, s14;
	s19 =	sand.u32 $0xFFFFFFF8, s2;
	[tilespmem:$0xED30] =	vst @!p0 v3  }
0x79: {  	s19 =	sor.u32 s20, s19;
	[tilespmem:s2+$0xED30] =	vst v2  }
0x7a: {  	[tilespmem:s19+$0xED40] =	vst v2  }
0x7b: {  	[tilespmem:s19+$0xED50] =	vst v2  }
0x7c: {  	[tilespmem:s19+$0xED60] =	vst v2  }
0x7d: {  	[tilespmem:s19+$0xED70] =	vst v2  }
0x7e: {  	[tilespmem:s19+$0xED80] =	vst v2  }
0x7f: {  	p0 =	sgt.s32 s14, $0x4F;
	s14 =	simm.s32 $0x1;
	v3 =	vld [tilespmem:$0xED30]  }
0x80: {  	s14 =	simm.s32 @!p0 $0x0  }
0x81: {  	s19 =	sadd.s32 s14, s0  }
0x82: {  	s0 =	smul.u32 $0x50, s19;
	_ =	sdelay $0x1  }
0x83: {  	[tilespmem:s0+$0x9C40] =	vst v3  }
0x84: {  	v3 =	vld [tilespmem:$0xED40];
	_ =	sdelay $0x4  }
0x85: {  	[tilespmem:s0+$0x9C50] =	vst v3  }
0x86: {  	v3 =	vld [tilespmem:$0xED50];
	_ =	sdelay $0x4  }
0x87: {  	[tilespmem:s0+$0x9C60] =	vst v3  }
0x88: {  	v3 =	vld [tilespmem:$0xED60];
	_ =	sdelay $0x4  }
0x89: {  	[tilespmem:s0+$0x9C70] =	vst v3  }
0x8a: {  	v3 =	vld [tilespmem:$0xED70];
	_ =	sdelay $0x4  }
0x8b: {  	[tilespmem:s0+$0x9C80] =	vst v3  }
0x8c: {  	v3 =	vld [tilespmem:$0xED80];
	_ =	sdelay $0x4  }
0x8d: {  	[tilespmem:$0xED30] =	vst v3  }
0x8e: {  	[tilespmem:s0+$0x9C90] =	vst v2  }
0x8f: {  	[tilespmem:s0+$0x9CA0] =	vst v2  }
0x90: {  	[tilespmem:s0+$0x9CB0] =	vst v2  }
0x91: {  	[tilespmem:s0+$0x9CC0] =	vst v2  }
0x92: {  	[tilespmem:s0+$0x9CD0] =	vst v2  }
0x93: {  	[tilespmem:s0+$0x9CE0] =	vst v2  }
0x94: {  	[tilespmem:s0+$0x9CF0] =	vst v2  }
0x95: {  	[tilespmem:s0+$0x9D00] =	vst v2  }
0x96: {  	[tilespmem:s0+$0x9D10] =	vst v2  }
0x97: {  	[tilespmem:s0+$0x9D20] =	vst v2  }
0x98: {  	[tilespmem:s0+$0x9D30] =	vst v2  }
0x99: {  	[tilespmem:s0+$0x9D40] =	vst v2  }
0x9a: {  	[tilespmem:s0+$0x9D50] =	vst v2  }
0x9b: {  	[tilespmem:s0+$0x9D60] =	vst v2  }
0x9c: {  	s20 =	simm.s32 $0x9C40;
	s14 =	simm.s32 $0x0;
	[tilespmem:s0+$0x9D70] =	vst v2  }
0x9d: {  	[hbm4b:s8+s14] =	stream.linear.scatter [tilespmem:s20], [sflag:$0x2], $0x4FB0, $0x38;
	[tilespmem:$0x1DF00] =	vst v63  }
0x9e: {  	_ =	swait.ge [sflag:s12], $0x4FB0  }
0x9f: {  	s0 =	sadd.s32 s2, s0;
	[sflag:s12] =	ssyncset.done $0x0  }
0xa0: {  	v3 =	vmov s0;
	[sflag:s12] =	ssyncadd.s32 $0xFFFFB050  }
0xa1: {  	s22 =	simm.s32 $0xEEB0;
	[tilespmem:$0xEEB0] =	vst v3  }
0xa2: {  	[hbm4b:s9+s14] =	stream.linear.scatter [tilespmem:s22], [sflag:$0x2], $0x10, $0x38;
	[tilespmem:$0x1DF00] =	vst v63  }
0xa3: {  	_ =	swait.ge [sflag:s12], $0x10  }
0xa4: {  	[sflag:s12] =	ssyncset.done $0x0  }
0xa5: {  	[sflag:s12] =	ssyncadd.s32 $0xFFFFFFF0  }
0xa6: {  	_ =	swait.ge [sflag:s18], $0xA00  }
0xa7: {  	[sflag:s18] =	ssyncset.done $0x0  }
0xa8: {  	[sflag:s18] =	ssyncadd.s32 $0xFFFFF600  }
0xa9: {  	_ =	swait.ge [sflag:s18], $0xA00  }
0xaa: {  	[sflag:s18] =	ssyncset.done $0x0  }
0xab: {  	[sflag:s18] =	ssyncadd.s32 $0xFFFFF600  }
0xac: {  	[bflag:$0x0] =	sbarrier.arrive $0xFFFF  }
0xad: {  	v3 =	vld [tilespmem:$0x9C40];
	_ =	sdelay $0x1  }
0xae: {  	v4 =	vld [tilespmem:$0x9C50];
	_ =	sdelay $0x1  }
0xaf: {  	v5 =	vld [tilespmem:$0x9C60]  }
0xb0: {  	v6 =	vand.u32 $0xFFFF, v3  }
0xb1: {  	v3 =	vshrl.u32 v3, $0x10;
	[tilespmem:$0xEBF0] =	vst v6;
	v6 =	vld [tilespmem:$0x9C70]  }
0xb2: {  	[tilespmem:$0xEC90] =	vst v3;
	v3 =	vand.u32 $0xFFFF, v4  }
0xb3: {  	[tilespmem:$0xEC00] =	vst v3;
	v3 =	vshrl.u32 v4, $0x10;
	v4 =	vld [tilespmem:$0x9C80]  }
0xb4: {  	[tilespmem:$0xECA0] =	vst v3;
	v3 =	vand.u32 $0xFFFF, v5  }
0xb5: {  	[tilespmem:$0xEC10] =	vst v3;
	v3 =	vshrl.u32 v5, $0x10  }
0xb6: {  	[tilespmem:$0xECB0] =	vst v3;
	v3 =	vand.u32 $0xFFFF, v6  }
0xb7: {  	[tilespmem:$0xEC20] =	vst v3;
	v3 =	vshrl.u32 v6, $0x10  }
0xb8: {  	[tilespmem:$0xECC0] =	vst v3;
	v3 =	vand.u32 $0xFFFF, v4  }
0xb9: {  	[tilespmem:$0xEC30] =	vst v3;
	v3 =	vshrl.u32 v4, $0x10  }
0xba: {  	s19 =	simm.s32 $0xEBF0;
	[tilespmem:$0xECD0] =	vst v3  }
0xbb: {  	[tilespmem:s23], [sflag:$0x1] =	stream.indirect.gather [hbm4b:s1+s21], $0x80, s19, s21, $0xb8;
	[tilespmem:$0x1DF00] =	vst v63  }
0xbc: {  	v3 =	vld [tilespmem:$0x9C90];
	_ =	sdelay $0x1  }
0xbd: {  	v4 =	vld [tilespmem:$0x9CA0];
	_ =	sdelay $0x1  }
0xbe: {  	v5 =	vld [tilespmem:$0x9CB0]  }
0xbf: {  	v6 =	vand.u32 $0xFFFF, v3  }
0xc0: {  	v3 =	vshrl.u32 v3, $0x10;
	[tilespmem:$0xEC40] =	vst v6;
	v6 =	vld [tilespmem:$0x9CC0]  }
0xc1: {  	[tilespmem:$0xECE0] =	vst v3;
	v3 =	vand.u32 $0xFFFF, v4  }
0xc2: {  	[tilespmem:$0xEC50] =	vst v3;
	v3 =	vshrl.u32 v4, $0x10;
	v4 =	vld [tilespmem:$0x9CD0]  }
0xc3: {  	[tilespmem:$0xECF0] =	vst v3;
	v3 =	vand.u32 $0xFFFF, v5  }
0xc4: {  	[tilespmem:$0xEC60] =	vst v3;
	v3 =	vshrl.u32 v5, $0x10  }
0xc5: {  	[tilespmem:$0xED00] =	vst v3;
	v3 =	vand.u32 $0xFFFF, v6  }
0xc6: {  	[tilespmem:$0xEC70] =	vst v3;
	v3 =	vshrl.u32 v6, $0x10  }
0xc7: {  	[tilespmem:$0xED10] =	vst v3;
	v3 =	vand.u32 $0xFFFF, v4  }
0xc8: {  	[tilespmem:$0xEC80] =	vst v3;
	v3 =	vshrl.u32 v4, $0x10  }
0xc9: {  	[tilespmem:$0xED20] =	vst v3  }
0xca: {  	[tilespmem:s25], [sflag:$0x1] =	stream.indirect.gather [hbm4b:s1+s21], $0x80, s24, s21, $0xb8;
	[tilespmem:$0x1DF00] =	vst v63  }
0xcb: {  	_ =	swait.ge [sflag:s18], $0x2800  }
0xcc: {  	[sflag:s18] =	ssyncset.done $0x0  }
0xcd: {  	[sflag:s18] =	ssyncadd.s32 $0xFFFFD800  }
0xce: {  	[spmem:s3] =	stream.indirect.scatter.add.f32 [tilespmem:s23], [sflag:$0x2], $0x80, s26, s21, $0xb8;
	[tilespmem:$0x1DF00] =	vst v63  }
0xcf: {  	_ =	swait.ge [sflag:s12], $0x2800  }
0xd0: {  	[sflag:s12] =	ssyncset.done $0x0  }
0xd1: {  	s30 =	simm.s32 $0x9D70;
	[sflag:s12] =	ssyncadd.s32 $0xFFFFD800  }
0xd2: {  	v3 =	vld [tilespmem:s30+$0xFFFFFF70];
	_ =	sdelay $0x4  }
0xd3: {  	v4 =	vand.u32 $0xFFFF, v3  }
0xd4: {  	v3 =	vshrl.u32 v3, $0x10;
	[tilespmem:$0xEBF0] =	vst v4  }
0xd5: {  	[tilespmem:$0xEC90] =	vst v3  }
0xd6: {  	v3 =	vld [tilespmem:s30+$0xFFFFFF80];
	_ =	sdelay $0x4  }
0xd7: {  	v4 =	vand.u32 $0xFFFF, v3  }
0xd8: {  	s2 =	sadd.s32 $0x4F, s0;
	v3 =	vshrl.u32 v3, $0x10;
	[tilespmem:$0xEC00] =	vst v4  }
0xd9: {  	s20 =	smulhi.u32 $0x66666667, s2;
	s22 =	sshra.s32 s2, $0x1F;
	[tilespmem:$0xECA0] =	vst v3  }
0xda: {  	s19 =	smul.u32 $0x66666667, s22;
	v3 =	vld [tilespmem:s30+$0xFFFFFF90];
	_ =	sdelay $0x1  }
0xdb: {  	s14 =	sadd.s32 s19, s20  }
0xdc: {  	s19 =	sshrl.u32 s14, $0x1F;
	s14 =	sshra.s32 s14, $0x5  }
0xdd: {  	s14 =	sadd.s32 s19, s14  }
0xde: {  	s19 =	smul.u32 $0xFFFFFFB0, s14;
	v4 =	vand.u32 $0xFFFF, v3  }
0xdf: {  	s0 =	ssub.s32 $0xFFFFFFB1, s0;
	v3 =	vshrl.u32 v3, $0x10;
	[tilespmem:$0xEC10] =	vst v4  }
0xe0: {  	p3 =	slt.s32 s2, $0x1;
	p4 =	sne.s32 s19, s0;
	[tilespmem:$0xECB0] =	vst v3  }
0xe1: {  	p0 =	por !p3, !p4;
	v3 =	vld [tilespmem:s30+$0xFFFFFFA0]  }
0xe2: {  	s0 =	simm.s32 $0x1;
	p0 =	por !p0, !p0  }
0xe3: {  	s0 =	simm.s32 @!p0 $0x0  }
0xe4: {  	s0 =	ssub.s32 s14, s0  }
0xe5: {  	s19 =	sadd.s32 $0x1, s0  }
0xe6: {  	s20 =	sand.u32 $0x1, s19;
	v4 =	vand.u32 $0xFFFF, v3  }
0xe7: {  	p5 =	slt.s32 s0, $0x0;
	p6 =	seq.s32 s20, $0x1;
	v3 =	vshrl.u32 v3, $0x10;
	[tilespmem:$0xEC20] =	vst v4  }
0xe8: {  	s22 =	sshrl.u32 s19, $0x1F;
	p0 =	por !p5, !p6;
	[tilespmem:$0xECC0] =	vst v3  }
0xe9: {  	s2 =	simm.s32 $0x1;
	s0 =	sadd.s32 s22, s19;
	p0 =	por !p0, !p0;
	v3 =	vld [tilespmem:s30+$0xFFFFFFB0]  }
0xea: {  	s0 =	sshra.s32 s0, $0x1;
	s2 =	simm.s32 @!p0 $0x0  }
0xeb: {  	s0 =	ssub.s32 s0, s2  }
0xec: {  	p0 =	sgt.s32 s0, $0x1  }
0xed: {  	s0 =	simm.s32 @!p0 $0x1  }
0xee: {  	s31 =	sshll.u32 s0, $0x1;
	v4 =	vand.u32 $0xFFFF, v3  }
0xef: {  	p0 =	sle.u32 s31, $0x2;
	v3 =	vshrl.u32 v3, $0x10;
	[tilespmem:$0xEC30] =	vst v4  }
0xf0: {  	s0 =	simm.s32 @!p0 $0x50;
	s2 =	simm.s32 @!p0 $0xEBF0;
	s14 =	simm.s32 @!p0 $0xEEC0;
	[tilespmem:$0xECD0] =	vst v3  }
0xf1: {  	[tilespmem:s14], [sflag:$0x1] =	stream.indirect.gather @!p0 [hbm4b:s1+s0], $0x80, s2, s0, $0xb8;
	[tilespmem:$0x1DF00] =	vst v63  }
0xf2: {  	_ =	swait.ge [sflag:s18], $0x2800  }
0xf3: {  	[sflag:s18] =	ssyncset.done $0x0  }
0xf4: {  	[sflag:s18] =	ssyncadd.s32 $0xFFFFD800  }
0xf5: {  	[spmem:s3] =	stream.indirect.scatter.add.f32 [tilespmem:s25], [sflag:$0x2], $0x80, s28, s21, $0xb8;
	[tilespmem:$0x1DF00] =	vst v63  }
0xf6: {  	_ =	swait.ge [sflag:s12], $0x2800  }
0xf7: {  	[sflag:s12] =	ssyncset.done $0x0  }
0xf8: {  	[sflag:s12] =	ssyncadd.s32 $0xFFFFD800  }
0xf9: {  	v3 =	vld [tilespmem:s30+$0xFFFFFFC0];
	_ =	sdelay $0x4  }
0xfa: {  	v4 =	vand.u32 $0xFFFF, v3  }
0xfb: {  	v3 =	vshrl.u32 v3, $0x10;
	[tilespmem:$0xEC40] =	vst v4  }
0xfc: {  	[tilespmem:$0xECE0] =	vst v3  }
0xfd: {  	v3 =	vld [tilespmem:s30+$0xFFFFFFD0];
	_ =	sdelay $0x4  }
0xfe: {  	v4 =	vand.u32 $0xFFFF, v3  }
0xff: {  	v3 =	vshrl.u32 v3, $0x10;
	[tilespmem:$0xEC50] =	vst v4  }
0x100: {  	[tilespmem:$0xECF0] =	vst v3  }
0x101: {  	v3 =	vld [tilespmem:s30+$0xFFFFFFE0];
	_ =	sdelay $0x4  }
0x102: {  	v4 =	vand.u32 $0xFFFF, v3  }
0x103: {  	v3 =	vshrl.u32 v3, $0x10;
	[tilespmem:$0xEC60] =	vst v4  }
0x104: {  	[tilespmem:$0xED00] =	vst v3  }
0x105: {  	p0 =	sne.s32 s31, $0x2;
	v3 =	vld [tilespmem:s30+$0xFFFFFFF0]  }
.Ltmp1:
0x106: {  	_ = 	snop;
	(pc) =	sbr.rel @!p0 .LBB2_5-.Ltmp1, $4  }
0x107: {  	_ = 	snop  }
0x108: {  	p1 =	sle.u32 s31, $0x3  }
0x109: {  	s19 =	simm.s32 @!p1 $0x50;
	s20 =	simm.s32 @!p1 $0xEC40  }
0x10a: {  	s22 =	simm.s32 @!p1 $0x116C0;
	s2 =	simm.s32 $0x2;
	s0 =	simm.s32 $0x9D70;
	v4 =	vand.u32 $0xFFFF, v3;
	v3 =	vshrl.u32 v3, $0x10  }
.LBB2_4:
0x10b: {  	[tilespmem:$0xEC70] =	vst v4;
	s0 =	sadd.s32 $0xA0, s0;
	s14 =	smov.u32 s2;
	s2 =	sadd.s32 $0x2, s2  }
0x10c: {  	p0 =	sne.s32 s31, s2;
	[tilespmem:$0xED10] =	vst v3  }
0x10d: {  	v3 =	vld [tilespmem:s30+$0x0];
	s30 =	smov.u32 s0;
	_ =	sdelay $0x4  }
0x10e: {  	v4 =	vand.u32 $0xFFFF, v3;
	v3 =	vshrl.u32 v3, $0x10  }
0x10f: {  	[tilespmem:$0xEC80] =	vst v4  }
0x110: {  	[tilespmem:$0xED20] =	vst v3  }
0x111: {  	[tilespmem:s22], [sflag:$0x1] =	stream.indirect.gather @!p1 [hbm4b:s1+s19], $0x80, s20, s19, $0xb8;
	[tilespmem:$0x1DF00] =	vst v63  }
0x112: {  	_ =	swait.ge [sflag:s18], $0x2800  }
0x113: {  	[sflag:s18] =	ssyncset.done $0x0  }
0x114: {  	[sflag:s18] =	ssyncadd.s32 $0xFFFFD800  }
0x115: {  	[spmem:s3] =	stream.indirect.scatter.add.f32 [tilespmem:s23], [sflag:$0x2], $0x80, s26, s21, $0xb8;
	[tilespmem:$0x1DF00] =	vst v63  }
0x116: {  	_ =	swait.ge [sflag:s12], $0x2800  }
0x117: {  	[sflag:s12] =	ssyncset.done $0x0  }
0x118: {  	[sflag:s12] =	ssyncadd.s32 $0xFFFFD800  }
0x119: {  	v3 =	vld [tilespmem:s0+$0xFFFFFF70];
	_ =	sdelay $0x4  }
0x11a: {  	v4 =	vand.u32 $0xFFFF, v3;
	v3 =	vshrl.u32 v3, $0x10  }
0x11b: {  	[tilespmem:$0xEBF0] =	vst v4  }
0x11c: {  	[tilespmem:$0xEC90] =	vst v3  }
0x11d: {  	v3 =	vld [tilespmem:s0+$0xFFFFFF80];
	_ =	sdelay $0x4  }
0x11e: {  	v4 =	vand.u32 $0xFFFF, v3;
	v3 =	vshrl.u32 v3, $0x10  }
0x11f: {  	[tilespmem:$0xEC00] =	vst v4  }
0x120: {  	[tilespmem:$0xECA0] =	vst v3  }
0x121: {  	v3 =	vld [tilespmem:s0+$0xFFFFFF90];
	_ =	sdelay $0x4  }
0x122: {  	v4 =	vand.u32 $0xFFFF, v3;
	v3 =	vshrl.u32 v3, $0x10  }
0x123: {  	[tilespmem:$0xEC10] =	vst v4  }
0x124: {  	[tilespmem:$0xECB0] =	vst v3  }
0x125: {  	v3 =	vld [tilespmem:s0+$0xFFFFFFA0];
	_ =	sdelay $0x4  }
0x126: {  	v4 =	vand.u32 $0xFFFF, v3;
	v3 =	vshrl.u32 v3, $0x10  }
0x127: {  	[tilespmem:$0xEC20] =	vst v4  }
0x128: {  	[tilespmem:$0xECC0] =	vst v3  }
0x129: {  	v3 =	vld [tilespmem:s0+$0xFFFFFFB0]  }
0x12a: {  	p1 =	sge.u32 s2, s31  }
0x12b: {  	s19 =	simm.s32 @!p1 $0x50;
	s20 =	simm.s32 @!p1 $0xEBF0;
	s22 =	simm.s32 @!p1 $0xEEC0  }
0x12c: {  	_ =	sdelay $0x1  }
0x12d: {  	v4 =	vand.u32 $0xFFFF, v3;
	v3 =	vshrl.u32 v3, $0x10  }
0x12e: {  	[tilespmem:$0xEC30] =	vst v4  }
0x12f: {  	[tilespmem:$0xECD0] =	vst v3  }
0x130: {  	[tilespmem:s22], [sflag:$0x1] =	stream.indirect.gather @!p1 [hbm4b:s1+s19], $0x80, s20, s19, $0xb8;
	[tilespmem:$0x1DF00] =	vst v63  }
0x131: {  	_ =	swait.ge [sflag:s18], $0x2800  }
0x132: {  	[sflag:s18] =	ssyncset.done $0x0  }
0x133: {  	[sflag:s18] =	ssyncadd.s32 $0xFFFFD800  }
0x134: {  	[spmem:s3] =	stream.indirect.scatter.add.f32 [tilespmem:s25], [sflag:$0x2], $0x80, s28, s21, $0xb8;
	[tilespmem:$0x1DF00] =	vst v63  }
0x135: {  	_ =	swait.ge [sflag:s12], $0x2800  }
0x136: {  	[sflag:s12] =	ssyncset.done $0x0  }
0x137: {  	[sflag:s12] =	ssyncadd.s32 $0xFFFFD800  }
0x138: {  	v3 =	vld [tilespmem:s0+$0xFFFFFFC0];
	_ =	sdelay $0x4  }
0x139: {  	v4 =	vand.u32 $0xFFFF, v3;
	v3 =	vshrl.u32 v3, $0x10  }
0x13a: {  	[tilespmem:$0xEC40] =	vst v4  }
0x13b: {  	[tilespmem:$0xECE0] =	vst v3  }
0x13c: {  	v3 =	vld [tilespmem:s0+$0xFFFFFFD0];
	_ =	sdelay $0x4  }
0x13d: {  	v4 =	vand.u32 $0xFFFF, v3;
	v3 =	vshrl.u32 v3, $0x10  }
0x13e: {  	[tilespmem:$0xEC50] =	vst v4  }
0x13f: {  	[tilespmem:$0xECF0] =	vst v3  }
0x140: {  	v3 =	vld [tilespmem:s0+$0xFFFFFFE0];
	_ =	sdelay $0x4  }
0x141: {  	v4 =	vand.u32 $0xFFFF, v3;
	v3 =	vshrl.u32 v3, $0x10  }
0x142: {  	[tilespmem:$0xEC60] =	vst v4  }
0x143: {  	[tilespmem:$0xED00] =	vst v3  }
0x144: {  	v3 =	vld [tilespmem:s0+$0xFFFFFFF0]  }
.Ltmp2:
0x145: {  	(pc) =	sbr.rel @p0 .LBB2_4-.Ltmp2, $4  }
0x146: {  	_ = 	snop  }
0x147: {  	s14 =	sadd.s32 $0x3, s14  }
0x148: {  	p1 =	sge.u32 s14, s31  }
0x149: {  	s19 =	simm.s32 @!p1 $0x50;
	s20 =	simm.s32 @!p1 $0xEC40;
	s22 =	simm.s32 @!p1 $0x116C0;
	v4 =	vand.u32 $0xFFFF, v3;
	v3 =	vshrl.u32 v3, $0x10  }
.LBB2_5:
0x14a: {  	[tilespmem:$0xEC70] =	vst v4  }
0x14b: {  	[tilespmem:$0xED10] =	vst v3  }
0x14c: {  	v3 =	vld [tilespmem:s30+$0x0];
	_ =	sdelay $0x4  }
0x14d: {  	v63 =	vand.u32 $0xFFFF, v3  }
0x14e: {  	s29 =	sadd.s32 $0x1, s29;
	v3 =	vshrl.u32 v3, $0x10;
	[tilespmem:$0xEC80] =	vst v63  }
0x14f: {  	p0 =	sne.s32 s29, s11;
	[tilespmem:$0xED20] =	vst v3  }
0x150: {  	[tilespmem:s22], [sflag:$0x1] =	stream.indirect.gather @!p1 [hbm4b:s1+s19], $0x80, s20, s19, $0xb8;
	[tilespmem:$0x1DF00] =	vst v63  }
.Ltmp3:
0x151: {  	s0 =	sor.u32 $0x1C02, s13;
	[bflag:$0x0] =	sbarrier.arrive $0xFFFF;
	(pc) =	sbr.rel @p0 .LBB2_1-.Ltmp3, $4  }
0x152: {  	[hbm:s10], [sflag:s0] =	dma.local [spmem:s16], $0x1400  }
0x153: {  	_ =	swait.ge [sflag:s12], $0x1400  }
0x154: {  	[sflag:s12] =	ssyncset.done $0x0  }
0x155: {  	[sflag:s12] =	ssyncadd.s32 $0xFFFFEC00  }
0x156: {  	_ =	sfence.sel $0x180000  }
0x157: {  	[bflag:$0x0] =	sbarrier.arrive $0xFFFF  }
0x158: {  	_ =	strace $0x90000047  }
0x159: {  	s0 =	stileid.u32;
	[bflag:$0x2] =	sbarrier.arrive $0xFFFF  }
0x15a: {  	p0 =	sne.s32 s0, $0x0;
	s0 =	rddreg [dreg:$0x4]  }
0x15b: {  	s0 =	sadd.s32 @!p0 $0x100000, s0  }
0x15c: {  	[sflag:s0] =	ssyncadd.tile.s32 @!p0 $0x1;
	_ =	shalt  }
.Lfunc_end2:
_tile_overlayer_lowered:
.L_overlay_start_2:
0x15d: {  	(tag) =	ssettag $0x2  }
0x15e: {  	s0 =	rddreg [dreg:$0x0];
	s2 =	stileid.u32  }
0x15f: {  	s1 =	rddreg [dreg:$0x1];
	p0 =	sne.s32 s2, $0x0  }
0x160: {  	s3 =	rddreg [dreg:$0x2];
	[bflag:$0x3] =	sbarrier.arrive $0xFFFF;
	s2 =	simm.s32 @!p0 $0x1C02  }
0x161: {  	[timem:s3], [sflag:s2] =	dma.local @!p0 [hbm:s0], s1  }
0x162: {  	s0 =	simm.s32 @!p0 $0x2  }
0x163: {  	_ =	swait.ge @!p0 [sflag:s0], s1  }
0x164: {  	s1 =	ssub.s32 @!p0 $0x0, s1;
	[sflag:s0] =	ssyncset.done @!p0 $0x0  }
0x165: {  	[sflag:s0] =	ssyncadd.s32 @!p0 s1  }
0x166: {  	[bflag:$0x3] =	sbarrier.arrive $0xFFFF  }
0x167: {  	_ =	shalt  }

// kernel: kernel.9.cloned.1.call-start
scs
__scs_entry_jumppad:
0x0: {  	(pc) =	sbr.rel $0x88, $3  }
0x1: {  	(tag) =	ssettag $0x0;
	lr =	simm.s32 $0x1  }
0x2: {  	[smem:$0x3F97] =	sst lr;
	_ =	strace $0xD0000000  }
0x3: {  	_ = 	snop  }
0x4: {  	_ = 	snop  }
0x5: {  	_ = 	snop  }
0x6: {  	_ = 	snop  }
0x7: {  	_ = 	snop  }
__scs_overlays_trampoline_lowered:
0x8: {  	[smem:$0x3FA6] =	sst s0  }
0x9: {  	[smem:$0x3FA7] =	sst s1  }
0xa: {  	[smem:$0x3FA8] =	sst s2  }
0xb: {  	[smem:$0x3FA9] =	sst s3  }
0xc: {  	[smem:$0x3FAA] =	sst s4  }
0xd: {  	[smem:$0x3FAB] =	sst s5  }
0xe: {  	[smem:$0x3FAC] =	sst s6  }
0xf: {  	[smem:$0x3FAD] =	sst s7  }
0x10: {  	[smem:$0x3FAE] =	sst s8  }
0x11: {  	[smem:$0x3FAF] =	sst s9;
	s0 =	simm.s32 @!p0 $0x0  }
0x12: {  	s1 =	sld [smem:$0x3F95];
	s0 =	simm.s32 @p0 $0x1  }
0x13: {  	[smem:$0x3FB0] =	sst s0;
	s0 =	simm.s32 @!p1 $0x0  }
0x14: {  	s2 =	sld [smem:$0x3F94];
	s0 =	simm.s32 @p1 $0x1  }
0x15: {  	[smem:$0x3FB1] =	sst s0;
	s0 =	simm.s32 @!p2 $0x0  }
0x16: {  	s3 =	sld [smem:$0x3FDB];
	s0 =	simm.s32 @p2 $0x1  }
0x17: {  	s4 =	simm.s32 $0x1BF5;
	[smem:$0x3FB3] =	sst s0  }
0x18: {  	s0 =	sld [smem:$0x3F96];
	_ =	swait.ge [sflag:s4], $0x0  }
0x19: {  	s7 =	sld [smem:$0x3F97]  }
0x1a: {  	s8 =	sadd.s32 $0xFFFFE003, lr  }
0x1b: {  	s9 =	sadd.s32 $0xFFFFFEF7, lr;
	s5 =	simm.s32 $0xFFFFFFFF;
	p2 =	slt.u32 s8, $0xFFFFF086  }
0x1c: {  	p1 =	slt.u32 s9, $0xF7A;
	s5 =	simm.s32 @!p2 $0x0  }
0x1d: {  	s5 =	simm.s32 @p1 $0x1;
	p0 =	seq.s32 s7, s2  }
0x1e: {  	s7 =	smul.u32 @!p0 $0xF7A, s2;
	p2 =	seq.s32 @!p0 s5, $0x0  }
0x1f: {  	s9 =	smul.u32 $0xF7A, s1;
	s8 =	simm.s32 @!p0 $0x1BF5;
	p2 =	por !p2, p0  }
0x20: {  	[sflag:s8] =	ssyncset.s32 @!p0 $0xFFFFF086;
	s6 =	sadd.s32 @!p0 s3, s7;
	s7 =	simm.s32 @!p0 $0x108  }
0x21: {  	s3 =	sadd.s32 s3, s9;
	s6 =	sadd.s32 @!p0 $0x88, s6;
	s7 =	simm.s32 @p2 $0x1082  }
0x22: {  	[simem:s7], [sflag:s8] =	dma.local @!p0 [hbm:s6], $0xF7A  }
0x23: {  	s9 =	sor.u32 $0xD0000000, s2;
	s6 =	simm.s32 $0x108;
	_ =	swait.ge @!p0 [sflag:s8], $0x0  }
0x24: {  	s3 =	sadd.s32 $0x88, s3;
	s6 =	simm.s32 @!p1 $0x1082;
	[sflag:s4] =	ssyncset.s32 $0xFFFFF086  }
0x25: {  	[simem:s6], [sflag:s4] =	dma.local [hbm:s3], $0xF7A  }
0x26: {  	[smem:$0x3F97] =	sst s1;
	(tag) =	ssettag s2;
	_ =	strace s9  }
0x27: {  	s1 =	sld [smem:$0x3FA7]  }
0x28: {  	s2 =	sld [smem:$0x3FA8]  }
0x29: {  	s4 =	sld [smem:$0x3FAA]  }
0x2a: {  	p0 =	seq.s32 s5, $0x0;
	s5 =	sld [smem:$0x3FAB]  }
0x2b: {  	s6 =	sld [smem:$0x3FAC]  }
0x2c: {  	s7 =	sld [smem:$0x3FAD]  }
0x2d: {  	s3 =	simm.s32 $0x108;
	s8 =	sld [smem:$0x3FAE]  }
0x2e: {  	s3 =	simm.s32 @!p0 $0x1082;
	s9 =	sld [smem:$0x3FAF]  }
0x2f: {  	lr =	sadd.s32 s0, s3;
	s0 =	sld [smem:$0x3FA6]  }
0x30: {  	s3 =	sld [smem:$0x3FA9]  }
0x31: {  	[smem:$0x3FB2] =	sst s10  }
0x32: {  	s10 =	sld [smem:$0x3FB0];
	_ =	sdelay $0x3  }
0x33: {  	p0 =	seq.s32 s10, $0x1;
	s10 =	sld [smem:$0x3FB2];
	_ =	sdelay $0x3  }
0x34: {  	[smem:$0x3FB2] =	sst s10  }
0x35: {  	s10 =	sld [smem:$0x3FB1];
	_ =	sdelay $0x3  }
0x36: {  	p1 =	seq.s32 s10, $0x1;
	s10 =	sld [smem:$0x3FB2];
	_ =	sdelay $0x3  }
0x37: {  	[smem:$0x3FB2] =	sst s10  }
0x38: {  	s10 =	sld [smem:$0x3FB3]  }
0x39: {  	_ = 	snop;
	(pc) =	sbr.ind lr, $3  }
0x3a: {  	_ = 	snop  }
0x3b: {  	_ = 	snop  }
0x3c: {  	p2 =	seq.s32 s10, $0x1;
	s10 =	sld [smem:$0x3FB2]  }
0x3d: {  	_ =	shalt  }
0x3e: {  	_ =	shalt  }
0x3f: {  	_ =	shalt  }
0x40: {  	_ =	shalt  }
0x41: {  	_ =	shalt  }
0x42: {  	_ =	shalt  }
0x43: {  	_ =	shalt  }
0x44: {  	_ =	shalt  }
0x45: {  	_ =	shalt  }
0x46: {  	_ =	shalt  }
0x47: {  	_ =	shalt  }
0x48: {  	_ =	shalt  }
0x49: {  	_ =	shalt  }
0x4a: {  	_ =	shalt  }
0x4b: {  	_ =	shalt  }
0x4c: {  	_ =	shalt  }
0x4d: {  	_ =	shalt  }
0x4e: {  	_ =	shalt  }
0x4f: {  	_ =	shalt  }
0x50: {  	_ =	shalt  }
0x51: {  	_ =	shalt  }
0x52: {  	_ =	shalt  }
0x53: {  	_ =	shalt  }
0x54: {  	_ =	shalt  }
0x55: {  	_ =	shalt  }
0x56: {  	_ =	shalt  }
0x57: {  	_ =	shalt  }
0x58: {  	_ =	shalt  }
0x59: {  	_ =	shalt  }
0x5a: {  	_ =	shalt  }
0x5b: {  	_ =	shalt  }
0x5c: {  	_ =	shalt  }
0x5d: {  	_ =	shalt  }
0x5e: {  	_ =	shalt  }
0x5f: {  	_ =	shalt  }
0x60: {  	_ =	shalt  }
0x61: {  	_ =	shalt  }
0x62: {  	_ =	shalt  }
0x63: {  	_ =	shalt  }
0x64: {  	_ =	shalt  }
0x65: {  	_ =	shalt  }
0x66: {  	_ =	shalt  }
0x67: {  	_ =	shalt  }
0x68: {  	_ =	shalt  }
0x69: {  	_ =	shalt  }
0x6a: {  	_ =	shalt  }
0x6b: {  	_ =	shalt  }
0x6c: {  	_ =	shalt  }
0x6d: {  	_ =	shalt  }
0x6e: {  	_ =	shalt  }
0x6f: {  	_ =	shalt  }
0x70: {  	_ =	shalt  }
0x71: {  	_ =	shalt  }
0x72: {  	_ =	shalt  }
0x73: {  	_ =	shalt  }
0x74: {  	_ =	shalt  }
0x75: {  	_ =	shalt  }
0x76: {  	_ =	shalt  }
0x77: {  	_ =	shalt  }
0x78: {  	_ =	shalt  }
0x79: {  	_ =	shalt  }
0x7a: {  	_ =	shalt  }
0x7b: {  	_ =	shalt  }
0x7c: {  	_ =	shalt  }
0x7d: {  	_ =	shalt  }
0x7e: {  	_ =	shalt  }
0x7f: {  	_ =	shalt  }
0x80: {  	_ =	shalt  }
0x81: {  	_ =	shalt  }
0x82: {  	_ =	shalt  }
0x83: {  	_ =	shalt  }
0x84: {  	_ =	shalt  }
0x85: {  	_ =	shalt  }
0x86: {  	_ =	shalt  }
0x87: {  	_ =	shalt  }
.Lfunc_end0:
.L_simem_size_0:
called_computation.1_lowered:
.L_overlay_start_0:
0x88: {  	s2 =	sld [smem:$0x3FD9]  }
0x89: {  	s3 =	sld [smem:$0x3FFE];
	_ =	sdelay $0x1  }
0x8a: {  	s1 =	srdreg.scid  }
0x8b: {  	s0 =	sand.u32 $0x1, s1  }
0x8c: {  	s17 =	sshll.u32 s0, $0xA;
	s2 =	sadd.s32 s3, s2  }
0x8d: {  	s2 =	sadd.s32 s2, s17  }
0x8e: {  	[smem:$0x3FBE] =	sst s2  }
0x8f: {  	_ = 	snop  }
0x90: {  	s2 =	sld [smem:$0x3FD0];
	(tm) =	ssettm $0x1  }
0x91: {  	s18 =	sld [smem:$0x3FFB];
	_ =	sdelay $0x3  }
0x92: {  	_ =	strace s18  }
0x93: {  	s3 =	sld [smem:$0x3FFC];
	_ =	sdelay $0x3  }
0x94: {  	_ =	strace s3  }
0x95: {  	s3 =	sld [smem:$0x3FFD];
	_ =	sdelay $0x3  }
0x96: {  	_ =	strace s3  }
0x97: {  	_ =	strace $0x8FFFFFFF  }
0x98: {  	s19 =	sld [smem:$0x3FDB];
	_ =	sdelay $0x1  }
0x99: {  	s4 =	simm.s32 $_scs_section_size  }
0x9a: {  	s5 =	simm.s32 $_size__tile_overlayer_lowered;
	s6 =	simm.s32 $_tile_overlayer_lowered  }
0x9b: {  	s22 =	simm.s32 $0x1BFF;
	s21 =	sshll.u32 s6, $0x1;
	s3 =	sadd.s32 s4, s19  }
0x9c: {  	s7 =	simm.s32 $0x0;
	s20 =	sshll.u32 s5, $0x1;
	s5 =	sadd.s32 s21, s3  }
0x9d: {  	[timem:s7], [sflag:s22] =	dma.local [hbm:s5], s20  }
0x9e: {  	_ =	swait.ge [sflag:s22], s20  }
0x9f: {  	s4 =	ssub.s32 $0x0, s20;
	[sflag:s22] =	ssyncset.done $0x0  }
0xa0: {  	[sflag:s22] =	ssyncadd.s32 s4;
	_ =	sdelay $0x1  }
0xa1: {  	s23 =	simm.s32 $0x1B8B  }
0xa2: {  	_ =	swait.ge [sflag:s23], $0x1  }
0xa3: {  	[sflag:s23] =	ssyncset.done $0x0  }
0xa4: {  	s25 =	simm.s32 $0x1B8E;
	s24 =	sld [smem:$0x3FFE];
	[sflag:s23] =	ssyncadd.s32 $0xFFFFFFFF  }
0xa5: {  	s26 =	simm.s32 $execute0_lowered;
	[smem:$0x3FD2] =	sst s25  }
0xa6: {  	s5 =	sshll.u32 s26, $0x1;
	_ =	strace $0x80000049;
	[dreg:$0x1] =	wrdreg $0xFFFFFFFF  }
0xa7: {  	s28 =	simm.s32 $_size_execute0_lowered;
	s3 =	sadd.s32 s3, s5;
	[dreg:$0x0] =	wrdreg $0x0  }
0xa8: {  	s5 =	sshll.u32 s28, $0x1;
	[dreg:$0x2] =	wrdreg s3  }
0xa9: {  	[dreg:$0x3] =	wrdreg s5  }
0xaa: {  	[dreg:$0x4] =	wrdreg $0xC0  }
0xab: {  	_ =	task [dreg:s7], $0x5FFFF  }
0xac: {  	[dreg:$0x1] =	wrdreg $0xFFFFFFFF  }
0xad: {  	[dreg:$0x0] =	wrdreg $0x60  }
0xae: {  	[dreg:$0x2] =	wrdreg s2  }
0xaf: {  	[dreg:$0x3] =	wrdreg s24  }
0xb0: {  	[dreg:$0x4] =	wrdreg $0xA1000  }
0xb1: {  	[dreg:$0x5] =	wrdreg $0x9  }
0xb2: {  	_ =	task.clear_ibuf [dreg:s7], $0x6FFFF;
	_ =	strace $0x90000049  }
0xb3: {  	s29 =	simm.s32 $0x9;
	_ =	strace $0x8000004B  }
0xb4: {  	_ =	swait.ge [sflag:s29], $0x1  }
0xb5: {  	[sflag:s29] =	ssyncadd.s32 $0xFFFFFFFF  }
0xb6: {  	_ =	strace $0x9000004B  }
0xb7: {  	_ =	sfence  }
0xb8: {  	s30 =	sld [smem:$0x0];
	_ =	sdelay $0x2  }
0xb9: {  	s31 =	sshll.u32 s1, $0xD;
	s1 =	sshrl.u32 s1, $0x2  }
0xba: {  	s3 =	sand.u32 $0x4000, s31;
	s1 =	sadd.s32 s1, s30  }
0xbb: {  	s0 =	sor.u32 s3, s0;
	s1 =	sshll.u32 s1, $0x11  }
0xbc: {  	s0 =	sor.u32 s1, s0  }
0xbd: {  	s0 =	sadd.s32 $0x8F2B, s0  }
0xbe: {  	[sflag:s0] =	ssyncadd.remote.s32 $0x1  }
0xbf: {  	_ =	sfence.sel $0xFFFF  }
0xc0: {  	[dreg:$0x0] =	wrdreg $0xFFFFFFFF;
	(pc) =	sbr.abs _section_cstart, $3  }
0xc1: {  	[dreg:$0x1] =	wrdreg $0xFFFFFFFF  }
0xc2: {  	_ =	task.clear_ibuf [dreg:s7], $0x2FFFF;
	_ =	strace $0x9FFFFFFF  }
0xc3: {  	(tm) =	ssettm $0x7FFFFFFF  }
tec
execute0_lowered:
.L_overlay_start_1:
0x0: {  	(tag) =	ssettag $0x1  }
0x1: {  	s1 =	rddreg [dreg:$0x0]  }
0x2: {  	s0 =	srdreg.scid;
	s2 =	rddreg [dreg:$0x1]  }
0x3: {  	s14 =	stileid.u32;
	s3 =	rddreg [dreg:$0x2];
	s4 =	simm.s32 $0x0  }
0x4: {  	s15 =	simm.s32 $0x50F0;
	s16 =	simm.s32 $0x1;
	s17 =	simm.s32 $0x50  }
0x5: {  	s18 =	simm.s32 $0x4FB0;
	s19 =	simm.s32 $0x5100;
	s6 =	smul.u32 $0x4FB0, s14  }
0x6: {  	s20 =	simm.s32 $0x5000;
	s21 =	simm.s32 $0x7900;
	s26 =	smul.u32 $0xA000, s14  }
0x7: {  	s22 =	simm.s32 $0x5050;
	s0 =	sand.u32 $0x1, s0;
	s12 =	smul.u32 $0x28000, s14  }
0x8: {  	s23 =	simm.s32 $0x50A0;
	s24 =	simm.s32 $0x0;
	s5 =	smul.u32 $0x4FB00, s0  }
0x9: {  	[smem:$0x7FF] =	sst s4;
	s7 =	sshll.u32 s14, $0x1;
	s8 =	smul.u32 $0xA0000, s0  }
0xa: {  	_ =	strace $0x8000004A;
	s10 =	sadd.s32 s7, s2;
	s29 =	ssub.s32 $0x2, s0  }
0xb: {  	s0 =	sshll.u32 s0, $0x5;
	s11 =	sshrl.u32 s29, $0x1;
	s13 =	sadd.s32 s26, s3  }
0xc: {  	s30 =	sshrl.u32 s12, $0x2;
	s0 =	sadd.s32 s0, s10;
	s5 =	sadd.s32 s6, s5  }
0xd: {  	s28 =	sadd.s32 s26, s8;
	s11 =	ssub.s32 s29, s11;
	s6 =	sshll.u32 s14, $0x6  }
0xe: {  	s8 =	sadd.s32 s30, s3;
	s12 =	sshrl.u32 s13, $0x3;
	s14 =	simm.s32 $0x2  }
0xf: {  	s5 =	sshrl.u32 s5, $0x3;
	s7 =	sshrl.u32 s28, $0x3;
	s31 =	sadd.s32 $0x5000, s8  }
0x10: {  	s11 =	smax.u32 s11, $0x1;
	s9 =	sadd.s32 s5, s2;
	s5 =	sadd.s32 $0xC800, s2  }
0x11: {  	s2 =	sadd.s32 s7, s2;
	s7 =	sor.u32 $0x1C01, s6;
	s13 =	sshrl.u32 s31, $0x3  }
0x12: {  	s8 =	sadd.s32 $0x35200, s9;
	s9 =	sadd.s32 $0x49200, s0;
	s10 =	sadd.s32 $0xD200, s2  }
.LBB2_1:
0x13: {  	[spmem:s12], [sflag:s7] =	dma.local [hbm:s5], $0xA00  }
0x14: {  	[spmem:s13], [sflag:s7] =	dma.local [hbm:s5], $0xA00  }
0x15: {  	[tilespmem:s4], [sflag:$0x2] =	stream.linear.gather [hbm4b:s8+s4], $0x4FB0, $0x38;
	[tilespmem:$0x14140] =	vst v63  }
0x16: {  	_ =	swait.ge [sflag:s14], $0x4FB0  }
0x17: {  	[sflag:s14] =	ssyncset.done $0x0  }
0x18: {  	[sflag:s14] =	ssyncadd.s32 $0xFFFFB050  }
0x19: {  	[tilespmem:s15], [sflag:$0x2] =	stream.linear.gather [hbm4b:s9+s4], $0x10, $0x38;
	[tilespmem:$0x14140] =	vst v63  }
0x1a: {  	_ =	swait.ge [sflag:s14], $0x10  }
0x1b: {  	[sflag:s14] =	ssyncset.done $0x0  }
0x1c: {  	[sflag:s14] =	ssyncadd.s32 $0xFFFFFFF0  }
0x1d: {  	v0 =	vld [tilespmem:$0x50F0];
	_ =	sdelay $0x4  }
0x1e: {  	v0 =	vxor.u32 $0x80000000, v0  }
0x1f: {  	(xrf0) =	vmax.scan.msk.u32 $0xffff, v0;
	_ =	sdelay $0x5  }
0x20: {  	v0, _, _ =	vpop (xrf0)  }
0x21: {  	(v2sf) =	vpush v0, $0xF;
	_ =	sdelay $0xe  }
0x22: {  	s26 =	spop (v2sf)  }
0x23: {  	_ =	swait.ge [sflag:s16], $0xA00  }
0x24: {  	[sflag:s16] =	ssyncset.done $0x0  }
0x25: {  	[sflag:s16] =	ssyncadd.s32 $0xFFFFF600  }
0x26: {  	_ =	swait.ge [sflag:s16], $0xA00  }
0x27: {  	[sflag:s16] =	ssyncset.done $0x0  }
0x28: {  	[sflag:s16] =	ssyncadd.s32 $0xFFFFF600  }
0x29: {  	[bflag:$0x0] =	sbarrier.arrive $0xFFFF  }
0x2a: {  	v0 =	vld [tilespmem:$0x0];
	_ =	sdelay $0x1  }
0x2b: {  	v1 =	vld [tilespmem:$0x10];
	_ =	sdelay $0x1  }
0x2c: {  	v2 =	vld [tilespmem:$0x20]  }
0x2d: {  	v3 =	vand.u32 $0xFFFF, v0  }
0x2e: {  	v0 =	vshrl.u32 v0, $0x10;
	[tilespmem:$0x4FB0] =	vst v3;
	v3 =	vld [tilespmem:$0x30]  }
0x2f: {  	[tilespmem:$0x5050] =	vst v0;
	v0 =	vand.u32 $0xFFFF, v1  }
0x30: {  	[tilespmem:$0x4FC0] =	vst v0;
	v0 =	vshrl.u32 v1, $0x10;
	v1 =	vld [tilespmem:$0x40]  }
0x31: {  	[tilespmem:$0x5060] =	vst v0;
	v0 =	vand.u32 $0xFFFF, v2  }
0x32: {  	[tilespmem:$0x4FD0] =	vst v0;
	v0 =	vshrl.u32 v2, $0x10  }
0x33: {  	[tilespmem:$0x5070] =	vst v0;
	v0 =	vand.u32 $0xFFFF, v3  }
0x34: {  	[tilespmem:$0x4FE0] =	vst v0;
	v0 =	vshrl.u32 v3, $0x10  }
0x35: {  	[tilespmem:$0x5080] =	vst v0;
	v0 =	vand.u32 $0xFFFF, v1  }
0x36: {  	[tilespmem:$0x4FF0] =	vst v0;
	v0 =	vshrl.u32 v1, $0x10  }
0x37: {  	[tilespmem:$0x5090] =	vst v0  }
0x38: {  	[tilespmem:s19], [sflag:$0x1] =	stream.indirect.gather [hbm4b:s1+s17], $0x80, s18, s17, $0xb8;
	[tilespmem:$0x14140] =	vst v63  }
0x39: {  	v0 =	vld [tilespmem:$0x50];
	_ =	sdelay $0x1  }
0x3a: {  	v1 =	vld [tilespmem:$0x60];
	_ =	sdelay $0x1  }
0x3b: {  	v2 =	vld [tilespmem:$0x70]  }
0x3c: {  	v3 =	vand.u32 $0xFFFF, v0  }
0x3d: {  	v0 =	vshrl.u32 v0, $0x10;
	[tilespmem:$0x5000] =	vst v3;
	v3 =	vld [tilespmem:$0x80]  }
0x3e: {  	[tilespmem:$0x50A0] =	vst v0;
	v0 =	vand.u32 $0xFFFF, v1  }
0x3f: {  	[tilespmem:$0x5010] =	vst v0;
	v0 =	vshrl.u32 v1, $0x10;
	v1 =	vld [tilespmem:$0x90]  }
0x40: {  	[tilespmem:$0x50B0] =	vst v0;
	v0 =	vand.u32 $0xFFFF, v2  }
0x41: {  	[tilespmem:$0x5020] =	vst v0;
	v0 =	vshrl.u32 v2, $0x10  }
0x42: {  	[tilespmem:$0x50C0] =	vst v0;
	v0 =	vand.u32 $0xFFFF, v3  }
0x43: {  	[tilespmem:$0x5030] =	vst v0;
	v0 =	vshrl.u32 v3, $0x10  }
0x44: {  	[tilespmem:$0x50D0] =	vst v0;
	v0 =	vand.u32 $0xFFFF, v1  }
0x45: {  	[tilespmem:$0x5040] =	vst v0;
	v0 =	vshrl.u32 v1, $0x10  }
0x46: {  	[tilespmem:$0x50E0] =	vst v0  }
0x47: {  	[tilespmem:s21], [sflag:$0x1] =	stream.indirect.gather [hbm4b:s1+s17], $0x80, s20, s17, $0xb8;
	[tilespmem:$0x14140] =	vst v63  }
0x48: {  	_ =	swait.ge [sflag:s16], $0x2800  }
0x49: {  	[sflag:s16] =	ssyncset.done $0x0  }
0x4a: {  	[sflag:s16] =	ssyncadd.s32 $0xFFFFD800  }
0x4b: {  	[spmem:s3] =	stream.indirect.scatter.add.f32 [tilespmem:s19], [sflag:$0x2], $0x80, s22, s17, $0xb8;
	[tilespmem:$0x14140] =	vst v63  }
0x4c: {  	_ =	swait.ge [sflag:s14], $0x2800  }
0x4d: {  	[sflag:s14] =	ssyncset.done $0x0  }
0x4e: {  	s25 =	simm.s32 $0x130;
	[sflag:s14] =	ssyncadd.s32 $0xFFFFD800  }
0x4f: {  	v0 =	vld [tilespmem:s25+$0xFFFFFF70];
	_ =	sdelay $0x4  }
0x50: {  	v1 =	vand.u32 $0xFFFF, v0  }
0x51: {  	v0 =	vshrl.u32 v0, $0x10;
	[tilespmem:$0x4FB0] =	vst v1  }
0x52: {  	[tilespmem:$0x5050] =	vst v0  }
0x53: {  	v0 =	vld [tilespmem:s25+$0xFFFFFF80];
	_ =	sdelay $0x4  }
0x54: {  	v1 =	vand.u32 $0xFFFF, v0  }
0x55: {  	s0 =	sadd.s32 $0x8000004F, s26;
	v0 =	vshrl.u32 v0, $0x10;
	[tilespmem:$0x4FC0] =	vst v1  }
0x56: {  	s2 =	smulhi.u32 $0x66666667, s0;
	s28 =	sshra.s32 s0, $0x1F;
	[tilespmem:$0x5060] =	vst v0  }
0x57: {  	s28 =	smul.u32 $0x66666667, s28;
	v0 =	vld [tilespmem:s25+$0xFFFFFF90];
	_ =	sdelay $0x1  }
0x58: {  	s2 =	sadd.s32 s28, s2  }
0x59: {  	s28 =	sshrl.u32 s2, $0x1F;
	s2 =	sshra.s32 s2, $0x5  }
0x5a: {  	s2 =	sadd.s32 s28, s2  }
0x5b: {  	s28 =	smul.u32 $0xFFFFFFB0, s2;
	v1 =	vand.u32 $0xFFFF, v0  }
0x5c: {  	s26 =	ssub.s32 $0x7FFFFFB1, s26;
	v0 =	vshrl.u32 v0, $0x10;
	[tilespmem:$0x4FD0] =	vst v1  }
0x5d: {  	p0 =	slt.s32 s0, $0x1;
	p1 =	sne.s32 s28, s26;
	[tilespmem:$0x5070] =	vst v0  }
0x5e: {  	p0 =	por !p0, !p1;
	v0 =	vld [tilespmem:s25+$0xFFFFFFA0]  }
0x5f: {  	s0 =	simm.s32 $0x1;
	p0 =	por !p0, !p0  }
0x60: {  	s0 =	simm.s32 @!p0 $0x0  }
0x61: {  	s0 =	ssub.s32 s2, s0  }
0x62: {  	s2 =	sadd.s32 $0x1, s0  }
0x63: {  	s30 =	sand.u32 $0x1, s2;
	v1 =	vand.u32 $0xFFFF, v0  }
0x64: {  	p5 =	slt.s32 s0, $0x0;
	p6 =	seq.s32 s30, $0x1;
	v0 =	vshrl.u32 v0, $0x10;
	[tilespmem:$0x4FE0] =	vst v1  }
0x65: {  	s30 =	sshrl.u32 s2, $0x1F;
	p0 =	por !p5, !p6;
	[tilespmem:$0x5080] =	vst v0  }
0x66: {  	s0 =	sadd.s32 s30, s2;
	s2 =	simm.s32 $0x1;
	p0 =	por !p0, !p0;
	v0 =	vld [tilespmem:s25+$0xFFFFFFB0]  }
0x67: {  	s0 =	sshra.s32 s0, $0x1;
	s2 =	simm.s32 @!p0 $0x0  }
0x68: {  	s0 =	ssub.s32 s0, s2  }
0x69: {  	p0 =	sgt.s32 s0, $0x1  }
0x6a: {  	s0 =	simm.s32 @!p0 $0x1  }
0x6b: {  	s26 =	sshll.u32 s0, $0x1;
	v1 =	vand.u32 $0xFFFF, v0  }
0x6c: {  	p0 =	sle.u32 s26, $0x2;
	v0 =	vshrl.u32 v0, $0x10;
	[tilespmem:$0x4FF0] =	vst v1  }
0x6d: {  	s0 =	simm.s32 @!p0 $0x50;
	s2 =	simm.s32 @!p0 $0x4FB0;
	s28 =	simm.s32 @!p0 $0x5100;
	[tilespmem:$0x5090] =	vst v0  }
0x6e: {  	[tilespmem:s28], [sflag:$0x1] =	stream.indirect.gather @!p0 [hbm4b:s1+s0], $0x80, s2, s0, $0xb8;
	[tilespmem:$0x14140] =	vst v63  }
0x6f: {  	_ =	swait.ge [sflag:s16], $0x2800  }
0x70: {  	[sflag:s16] =	ssyncset.done $0x0  }
0x71: {  	[sflag:s16] =	ssyncadd.s32 $0xFFFFD800  }
0x72: {  	[spmem:s3] =	stream.indirect.scatter.add.f32 [tilespmem:s21], [sflag:$0x2], $0x80, s23, s17, $0xb8;
	[tilespmem:$0x14140] =	vst v63  }
0x73: {  	_ =	swait.ge [sflag:s14], $0x2800  }
0x74: {  	[sflag:s14] =	ssyncset.done $0x0  }
0x75: {  	[sflag:s14] =	ssyncadd.s32 $0xFFFFD800  }
0x76: {  	v0 =	vld [tilespmem:s25+$0xFFFFFFC0];
	_ =	sdelay $0x4  }
0x77: {  	v1 =	vand.u32 $0xFFFF, v0  }
0x78: {  	v0 =	vshrl.u32 v0, $0x10;
	[tilespmem:$0x5000] =	vst v1  }
0x79: {  	[tilespmem:$0x50A0] =	vst v0  }
0x7a: {  	v0 =	vld [tilespmem:s25+$0xFFFFFFD0];
	_ =	sdelay $0x4  }
0x7b: {  	v1 =	vand.u32 $0xFFFF, v0  }
0x7c: {  	v0 =	vshrl.u32 v0, $0x10;
	[tilespmem:$0x5010] =	vst v1  }
0x7d: {  	[tilespmem:$0x50B0] =	vst v0  }
0x7e: {  	v0 =	vld [tilespmem:s25+$0xFFFFFFE0];
	_ =	sdelay $0x4  }
0x7f: {  	v1 =	vand.u32 $0xFFFF, v0  }
0x80: {  	v0 =	vshrl.u32 v0, $0x10;
	[tilespmem:$0x5020] =	vst v1  }
0x81: {  	[tilespmem:$0x50C0] =	vst v0  }
0x82: {  	p0 =	sne.s32 s26, $0x2;
	v0 =	vld [tilespmem:s25+$0xFFFFFFF0]  }
.Ltmp0:
0x83: {  	_ = 	snop;
	(pc) =	sbr.rel @!p0 .LBB2_3-.Ltmp0, $4  }
0x84: {  	_ = 	snop  }
0x85: {  	p1 =	sle.u32 s26, $0x3  }
0x86: {  	s29 =	simm.s32 $0x130;
	s31 =	simm.s32 @!p1 $0x50  }
0x87: {  	s28 =	simm.s32 $0x2;
	s2 =	simm.s32 @!p1 $0x5000;
	s0 =	simm.s32 @!p1 $0x7900;
	v1 =	vand.u32 $0xFFFF, v0;
	v0 =	vshrl.u32 v0, $0x10  }
.LBB2_2:
0x88: {  	[tilespmem:$0x5030] =	vst v1;
	s29 =	sadd.s32 $0xA0, s29;
	s30 =	smov.u32 s28;
	s28 =	sadd.s32 $0x2, s28  }
0x89: {  	p0 =	sne.s32 s26, s28;
	[tilespmem:$0x50D0] =	vst v0  }
0x8a: {  	v0 =	vld [tilespmem:s25+$0x0];
	s25 =	smov.u32 s29;
	_ =	sdelay $0x4  }
0x8b: {  	v1 =	vand.u32 $0xFFFF, v0;
	v0 =	vshrl.u32 v0, $0x10  }
0x8c: {  	[tilespmem:$0x5040] =	vst v1  }
0x8d: {  	[tilespmem:$0x50E0] =	vst v0  }
0x8e: {  	[tilespmem:s0], [sflag:$0x1] =	stream.indirect.gather @!p1 [hbm4b:s1+s31], $0x80, s2, s31, $0xb8;
	[tilespmem:$0x14140] =	vst v63  }
0x8f: {  	_ =	swait.ge [sflag:s16], $0x2800  }
0x90: {  	[sflag:s16] =	ssyncset.done $0x0  }
0x91: {  	[sflag:s16] =	ssyncadd.s32 $0xFFFFD800  }
0x92: {  	[spmem:s3] =	stream.indirect.scatter.add.f32 [tilespmem:s19], [sflag:$0x2], $0x80, s22, s17, $0xb8;
	[tilespmem:$0x14140] =	vst v63  }
0x93: {  	_ =	swait.ge [sflag:s14], $0x2800  }
0x94: {  	[sflag:s14] =	ssyncset.done $0x0  }
0x95: {  	[sflag:s14] =	ssyncadd.s32 $0xFFFFD800  }
0x96: {  	v0 =	vld [tilespmem:s29+$0xFFFFFF70];
	_ =	sdelay $0x4  }
0x97: {  	v1 =	vand.u32 $0xFFFF, v0;
	v0 =	vshrl.u32 v0, $0x10  }
0x98: {  	[tilespmem:$0x4FB0] =	vst v1  }
0x99: {  	[tilespmem:$0x5050] =	vst v0  }
0x9a: {  	v0 =	vld [tilespmem:s29+$0xFFFFFF80];
	_ =	sdelay $0x4  }
0x9b: {  	v1 =	vand.u32 $0xFFFF, v0;
	v0 =	vshrl.u32 v0, $0x10  }
0x9c: {  	[tilespmem:$0x4FC0] =	vst v1  }
0x9d: {  	[tilespmem:$0x5060] =	vst v0  }
0x9e: {  	v0 =	vld [tilespmem:s29+$0xFFFFFF90];
	_ =	sdelay $0x4  }
0x9f: {  	v1 =	vand.u32 $0xFFFF, v0;
	v0 =	vshrl.u32 v0, $0x10  }
0xa0: {  	[tilespmem:$0x4FD0] =	vst v1  }
0xa1: {  	[tilespmem:$0x5070] =	vst v0  }
0xa2: {  	v0 =	vld [tilespmem:s29+$0xFFFFFFA0];
	_ =	sdelay $0x4  }
0xa3: {  	v1 =	vand.u32 $0xFFFF, v0;
	v0 =	vshrl.u32 v0, $0x10  }
0xa4: {  	[tilespmem:$0x4FE0] =	vst v1  }
0xa5: {  	[tilespmem:$0x5080] =	vst v0  }
0xa6: {  	v0 =	vld [tilespmem:s29+$0xFFFFFFB0]  }
0xa7: {  	p1 =	sge.u32 s28, s26  }
0xa8: {  	s0 =	simm.s32 @!p1 $0x50;
	s2 =	simm.s32 @!p1 $0x4FB0;
	s31 =	simm.s32 @!p1 $0x5100  }
0xa9: {  	_ =	sdelay $0x1  }
0xaa: {  	v1 =	vand.u32 $0xFFFF, v0;
	v0 =	vshrl.u32 v0, $0x10  }
0xab: {  	[tilespmem:$0x4FF0] =	vst v1  }
0xac: {  	[tilespmem:$0x5090] =	vst v0  }
0xad: {  	[tilespmem:s31], [sflag:$0x1] =	stream.indirect.gather @!p1 [hbm4b:s1+s0], $0x80, s2, s0, $0xb8;
	[tilespmem:$0x14140] =	vst v63  }
0xae: {  	_ =	swait.ge [sflag:s16], $0x2800  }
0xaf: {  	[sflag:s16] =	ssyncset.done $0x0  }
0xb0: {  	[sflag:s16] =	ssyncadd.s32 $0xFFFFD800  }
0xb1: {  	[spmem:s3] =	stream.indirect.scatter.add.f32 [tilespmem:s21], [sflag:$0x2], $0x80, s23, s17, $0xb8;
	[tilespmem:$0x14140] =	vst v63  }
0xb2: {  	_ =	swait.ge [sflag:s14], $0x2800  }
0xb3: {  	[sflag:s14] =	ssyncset.done $0x0  }
0xb4: {  	[sflag:s14] =	ssyncadd.s32 $0xFFFFD800  }
0xb5: {  	v0 =	vld [tilespmem:s29+$0xFFFFFFC0];
	_ =	sdelay $0x4  }
0xb6: {  	v1 =	vand.u32 $0xFFFF, v0;
	v0 =	vshrl.u32 v0, $0x10  }
0xb7: {  	[tilespmem:$0x5000] =	vst v1  }
0xb8: {  	[tilespmem:$0x50A0] =	vst v0  }
0xb9: {  	v0 =	vld [tilespmem:s29+$0xFFFFFFD0];
	_ =	sdelay $0x4  }
0xba: {  	v1 =	vand.u32 $0xFFFF, v0;
	v0 =	vshrl.u32 v0, $0x10  }
0xbb: {  	[tilespmem:$0x5010] =	vst v1  }
0xbc: {  	[tilespmem:$0x50B0] =	vst v0  }
0xbd: {  	v0 =	vld [tilespmem:s29+$0xFFFFFFE0];
	_ =	sdelay $0x4  }
0xbe: {  	v1 =	vand.u32 $0xFFFF, v0;
	v0 =	vshrl.u32 v0, $0x10  }
0xbf: {  	[tilespmem:$0x5020] =	vst v1  }
0xc0: {  	[tilespmem:$0x50C0] =	vst v0  }
0xc1: {  	v0 =	vld [tilespmem:s29+$0xFFFFFFF0]  }
.Ltmp1:
0xc2: {  	(pc) =	sbr.rel @p0 .LBB2_2-.Ltmp1, $4  }
0xc3: {  	_ = 	snop  }
0xc4: {  	s0 =	sadd.s32 $0x3, s30  }
0xc5: {  	p1 =	sge.u32 s0, s26  }
0xc6: {  	s31 =	simm.s32 @!p1 $0x50;
	s2 =	simm.s32 @!p1 $0x5000;
	s0 =	simm.s32 @!p1 $0x7900;
	v1 =	vand.u32 $0xFFFF, v0;
	v0 =	vshrl.u32 v0, $0x10  }
.LBB2_3:
0xc7: {  	[tilespmem:$0x5030] =	vst v1  }
0xc8: {  	[tilespmem:$0x50D0] =	vst v0  }
0xc9: {  	v0 =	vld [tilespmem:s25+$0x0];
	_ =	sdelay $0x4  }
0xca: {  	v63 =	vand.u32 $0xFFFF, v0  }
0xcb: {  	s24 =	sadd.s32 $0x1, s24;
	v0 =	vshrl.u32 v0, $0x10;
	[tilespmem:$0x5040] =	vst v63  }
0xcc: {  	p0 =	sne.s32 s24, s11;
	[tilespmem:$0x50E0] =	vst v0  }
0xcd: {  	[tilespmem:s0], [sflag:$0x1] =	stream.indirect.gather @!p1 [hbm4b:s1+s31], $0x80, s2, s31, $0xb8;
	[tilespmem:$0x14140] =	vst v63  }
.Ltmp2:
0xce: {  	s31 =	sor.u32 $0x1C02, s6;
	[bflag:$0x0] =	sbarrier.arrive $0xFFFF;
	(pc) =	sbr.rel @p0 .LBB2_1-.Ltmp2, $4  }
0xcf: {  	[hbm:s10], [sflag:s31] =	dma.local [spmem:s12], $0x1400  }
0xd0: {  	_ =	swait.ge [sflag:s14], $0x1400  }
0xd1: {  	[sflag:s14] =	ssyncset.done $0x0  }
0xd2: {  	[sflag:s14] =	ssyncadd.s32 $0xFFFFEC00  }
0xd3: {  	_ =	sfence.sel $0x180000  }
0xd4: {  	[bflag:$0x0] =	sbarrier.arrive $0xFFFF  }
0xd5: {  	_ =	strace $0x9000004A  }
0xd6: {  	s0 =	stileid.u32;
	[bflag:$0x2] =	sbarrier.arrive $0xFFFF  }
0xd7: {  	p0 =	sne.s32 s0, $0x0;
	s0 =	rddreg [dreg:$0x3]  }
0xd8: {  	s0 =	sadd.s32 @!p0 $0x100000, s0  }
0xd9: {  	[sflag:s0] =	ssyncadd.tile.s32 @!p0 $0x1;
	_ =	shalt  }
.Lfunc_end2:
_tile_overlayer_lowered:
.L_overlay_start_2:
0xda: {  	(tag) =	ssettag $0x2  }
0xdb: {  	s0 =	rddreg [dreg:$0x0];
	s2 =	stileid.u32  }
0xdc: {  	s1 =	rddreg [dreg:$0x1];
	p0 =	sne.s32 s2, $0x0  }
0xdd: {  	s3 =	rddreg [dreg:$0x2];
	[bflag:$0x3] =	sbarrier.arrive $0xFFFF;
	s2 =	simm.s32 @!p0 $0x1C02  }
0xde: {  	[timem:s3], [sflag:s2] =	dma.local @!p0 [hbm:s0], s1  }
0xdf: {  	s0 =	simm.s32 @!p0 $0x2  }
0xe0: {  	_ =	swait.ge @!p0 [sflag:s0], s1  }
0xe1: {  	s1 =	ssub.s32 @!p0 $0x0, s1;
	[sflag:s0] =	ssyncset.done @!p0 $0x0  }
0xe2: {  	[sflag:s0] =	ssyncadd.s32 @!p0 s1  }
0xe3: {  	[bflag:$0x3] =	sbarrier.arrive $0xFFFF  }
0xe4: {  	_ =	shalt  }

</sc_bundles>
